<compile_context>
chip_gen: v7x
topology: tpu7x:2x2x1
jax: 0.10.2.dev20260603
libtpu: 0.0.44.dev20260713+nightly
codegen_flags: <defaults>
</compile_context>

<pallas_src>
import functools

import jax
import jax.numpy as jnp
from jax import lax
from jax.experimental import pallas as pl
from jax.experimental.pallas import tpu as pltpu
from jax.experimental.pallas import tpu_sc as plsc

NUM_CORES = 2
NUM_SUBCORES = 16
LANES = 16
NW = NUM_CORES * NUM_SUBCORES

BATCH = 16384
DIM = 128
ROWS_PER_W = BATCH // NW
CHUNK = 64
NCHUNK = ROWS_PER_W // CHUNK
GROUPS = CHUNK // LANES


def _body(uids_hbm, iids_hbm, utab_hbm, itab_hbm, out_hbm,
          uidx_v, iidx_v, ub0, ub1, ib0, ib1, out_v,
          su0, su1, si0, si1):
  wid = lax.axis_index("c") * NUM_SUBCORES + lax.axis_index("s")

  pltpu.sync_copy(uids_hbm.at[wid], uidx_v)
  pltpu.sync_copy(iids_hbm.at[wid], iidx_v)

  ubufs = (ub0, ub1)
  ibufs = (ib0, ib1)
  usems = (su0, su1)
  isems = (si0, si1)

  def gather(c):
    b = c % 2
    pltpu.make_async_copy(
        utab_hbm.at[uidx_v.at[c]], ubufs[b], usems[b]).start()
    pltpu.make_async_copy(
        itab_hbm.at[iidx_v.at[c]], ibufs[b], isems[b]).start()

  def wait(c):
    b = c % 2
    pltpu.make_async_copy(utab_hbm.at[uidx_v.at[c]], ubufs[b], usems[b]).wait()
    pltpu.make_async_copy(itab_hbm.at[iidx_v.at[c]], ibufs[b], isems[b]).wait()

  gather(0)
  for c in range(NCHUNK):
    if c + 1 < NCHUNK:
      gather(c + 1)
    wait(c)
    ub = ubufs[c % 2]
    ib = ibufs[c % 2]

    def group(g, _, ub=ub, ib=ib, c=c):
      rows = g * LANES + lax.iota(jnp.int32, LANES)
      zero = jnp.zeros((LANES,), jnp.float32)

      def dstep(t, accs, ub=ub, ib=ib, rows=rows):
        a = list(accs)
        base = t * 8
        for q in range(8):
          cols = jnp.full((LANES,), base + q, jnp.int32)
          u16 = plsc.load_gather(ub, [rows, cols])
          i16 = plsc.load_gather(ib, [rows, cols])
          a[q % 4] = a[q % 4] + u16 * i16
        return tuple(a)

      accs = lax.fori_loop(0, DIM // 8, dstep, (zero, zero, zero, zero))
      out16 = (accs[0] + accs[1]) + (accs[2] + accs[3])
      off = pl.multiple_of(c * CHUNK + g * LANES, LANES)
      out_v[pl.ds(off, LANES)] = out16
      return 0

    lax.fori_loop(0, GROUPS, group, 0)

  pltpu.sync_copy(out_v, out_hbm.at[wid])


@functools.partial(jax.jit, static_argnums=())
def kernel(user_ids, item_ids, user_table, item_table):
  uids = user_ids.astype(jnp.int32).reshape(NW, NCHUNK, CHUNK)
  iids = item_ids.astype(jnp.int32).reshape(NW, NCHUNK, CHUNK)

  mesh = plsc.VectorSubcoreMesh(core_axis_name="c", subcore_axis_name="s")
  k = pl.kernel(
      _body,
      out_type=jax.ShapeDtypeStruct((NW, ROWS_PER_W), jnp.float32),
      mesh=mesh,
      compiler_params=pltpu.CompilerParams(needs_layout_passes=False),
      scratch_types=[
          pltpu.VMEM((NCHUNK, CHUNK), jnp.int32),
          pltpu.VMEM((NCHUNK, CHUNK), jnp.int32),
          pltpu.VMEM((CHUNK, DIM), jnp.float32),
          pltpu.VMEM((CHUNK, DIM), jnp.float32),
          pltpu.VMEM((CHUNK, DIM), jnp.float32),
          pltpu.VMEM((CHUNK, DIM), jnp.float32),
          pltpu.VMEM((ROWS_PER_W,), jnp.float32),
          pltpu.SemaphoreType.DMA,
          pltpu.SemaphoreType.DMA,
          pltpu.SemaphoreType.DMA,
          pltpu.SemaphoreType.DMA,
      ],
  )
  out = k(uids, iids, user_table, item_table)
  return out.reshape(BATCH)

# --- scband reference (transcript-rebuilt; emitter-appended) ---
"""Pipeline reference for scband-mfmodel-41420664602921 (READ-ONLY COPY).

The authoritative reference and input builder live on the scoring server;
editing this copy changes nothing except your own understanding.
"""

import jax, jax.numpy as jnp
import numpy as np

NUM_USERS = 100000
NUM_ITEMS = 100000
EMB_DIM = 128
BATCH = 16384

def setup_inputs(seed: int = 0) -> dict:
    key = jax.random.key(seed)
    k1, k2, k3, k4 = jax.random.split(key, 4)
    user_ids = jax.random.randint(k1, (BATCH,), 0, NUM_USERS, dtype=jnp.int64 if jax.config.jax_enable_x64 else jnp.int32)
    item_ids = jax.random.randint(k2, (BATCH,), 0, NUM_ITEMS, dtype=jnp.int64 if jax.config.jax_enable_x64 else jnp.int32)
    user_table = jax.random.normal(k3, (NUM_USERS, EMB_DIM), dtype=jnp.float32)
    item_table = jax.random.normal(k4, (NUM_ITEMS, EMB_DIM), dtype=jnp.float32)
    return {"user_ids": user_ids, "item_ids": item_ids, "user_table": user_table, "item_table": item_table}

def reference(user_ids, item_ids, user_table, item_table):
    u = jnp.take(user_table, user_ids, axis=0)
    i = jnp.take(item_table, item_ids, axis=0)
    return (u * i).sum(axis=1)

if __name__ == "__main__":
    import jax
    _d = setup_inputs()
    print(jax.jit(kernel)(*tuple(_d.values())))

</pallas_src>

<mosaic_0001>
#map = affine_map<(d0, d1) -> (0, 0, 0)>
#map1 = affine_map<(d0, d1) -> (0, 0)>
module attributes {stable_mosaic.version = 14 : i64} {
  func.func @_body(%arg0: i32, %arg1: i32, %arg2: memref<32x8x64xi32, #tpu.memory_space<hbm>>, %arg3: memref<32x8x64xi32, #tpu.memory_space<hbm>>, %arg4: memref<100000x128xf32, #tpu.memory_space<hbm>>, %arg5: memref<100000x128xf32, #tpu.memory_space<hbm>>, %arg6: memref<32x512xf32, #tpu.memory_space<hbm>>, %arg7: memref<8x64xi32, #tpu.memory_space<vmem>>, %arg8: memref<8x64xi32, #tpu.memory_space<vmem>>, %arg9: memref<64x128xf32, #tpu.memory_space<vmem>>, %arg10: memref<64x128xf32, #tpu.memory_space<vmem>>, %arg11: memref<64x128xf32, #tpu.memory_space<vmem>>, %arg12: memref<64x128xf32, #tpu.memory_space<vmem>>, %arg13: memref<512xf32, #tpu.memory_space<vmem>>, %arg14: memref<!tpu.dma_semaphore, #tpu.memory_space<semaphore_mem>>, %arg15: memref<!tpu.dma_semaphore, #tpu.memory_space<semaphore_mem>>, %arg16: memref<!tpu.dma_semaphore, #tpu.memory_space<semaphore_mem>>, %arg17: memref<!tpu.dma_semaphore, #tpu.memory_space<semaphore_mem>>) attributes {dimension_semantics = [#tpu.dimension_semantics<core_parallel>, #tpu.dimension_semantics<subcore_parallel>], iteration_bounds = array<i64: 2, 16>, scalar_prefetch = 0 : i64, scratch_operands = 11 : i64, tpu.core_type = #tpu.core_type<sc_vector_subcore>, window_params = [{transform_indices = #map}, {transform_indices = #map}, {transform_indices = #map1}, {transform_indices = #map1}, {transform_indices = #map1}]} {
    %mul3A = arith.constant 16 : i32
    %mul3A_0 = arith.muli %arg0, %mul3A : i32
    %add3A = arith.addi %mul3A_0, %arg1 : i32
    "tpu.region"() ({
      %run_scoped3A = tpu.sem_alloc : memref<!tpu.dma_semaphore, #tpu.memory_space<semaphore_mem>>
      %dma_start3A_278 = arith.constant 0 : i32
      %dma_start3A_279 = arith.constant 0 : i32
      %dma_start3A_280 = tpu.memref_slice %arg2[%add3A, %dma_start3A_278, %dma_start3A_279] : memref<32x8x64xi32, #tpu.memory_space<hbm>> -> memref<1x8x64xi32, #tpu.memory_space<hbm>>
      %dma_start3A_281 = tpu.memref_squeeze %dma_start3A_280 : memref<1x8x64xi32, #tpu.memory_space<hbm>> -> memref<8x64xi32, #tpu.memory_space<hbm>>
      %dma_start3A_282 = arith.constant 0 : i32
      %dma_start3A_283 = arith.constant 0 : i32
      %dma_start3A_284 = tpu.memref_slice %arg2[%add3A, %dma_start3A_282, %dma_start3A_283] : memref<32x8x64xi32, #tpu.memory_space<hbm>> -> memref<1x8x64xi32, #tpu.memory_space<hbm>>
      %dma_start3A_285 = tpu.memref_squeeze %dma_start3A_284 : memref<1x8x64xi32, #tpu.memory_space<hbm>> -> memref<8x64xi32, #tpu.memory_space<hbm>>
      tpu.enqueue_dma source(%dma_start3A_285 : memref<8x64xi32, #tpu.memory_space<hbm>>) target(%arg7 : memref<8x64xi32, #tpu.memory_space<vmem>>) target_semaphore(%run_scoped3A : memref<!tpu.dma_semaphore, #tpu.memory_space<semaphore_mem>>)
      %dma_wait3A_286 = arith.constant 0 : i32
      %dma_wait3A_287 = arith.constant 0 : i32
      %dma_wait3A_288 = tpu.memref_slice %arg2[%add3A, %dma_wait3A_286, %dma_wait3A_287] : memref<32x8x64xi32, #tpu.memory_space<hbm>> -> memref<1x8x64xi32, #tpu.memory_space<hbm>>
      %dma_wait3A_289 = tpu.memref_squeeze %dma_wait3A_288 : memref<1x8x64xi32, #tpu.memory_space<hbm>> -> memref<8x64xi32, #tpu.memory_space<hbm>>
      %dma_wait3A_290 = arith.constant 0 : i32
      %dma_wait3A_291 = arith.constant 0 : i32
      %dma_wait3A_292 = tpu.memref_slice %arg2[%add3A, %dma_wait3A_290, %dma_wait3A_291] : memref<32x8x64xi32, #tpu.memory_space<hbm>> -> memref<1x8x64xi32, #tpu.memory_space<hbm>>
      %dma_wait3A_293 = tpu.memref_squeeze %dma_wait3A_292 : memref<1x8x64xi32, #tpu.memory_space<hbm>> -> memref<8x64xi32, #tpu.memory_space<hbm>>
      tpu.wait_dma2 semaphore(%run_scoped3A : memref<!tpu.dma_semaphore, #tpu.memory_space<semaphore_mem>>) src(%dma_wait3A_293 : memref<8x64xi32, #tpu.memory_space<hbm>>) dst(%arg7 : memref<8x64xi32, #tpu.memory_space<vmem>>)
      tpu.yield
    }) : () -> ()
    "tpu.region"() ({
      %run_scoped3A = tpu.sem_alloc : memref<!tpu.dma_semaphore, #tpu.memory_space<semaphore_mem>>
      %dma_start3A_278 = arith.constant 0 : i32
      %dma_start3A_279 = arith.constant 0 : i32
      %dma_start3A_280 = tpu.memref_slice %arg3[%add3A, %dma_start3A_278, %dma_start3A_279] : memref<32x8x64xi32, #tpu.memory_space<hbm>> -> memref<1x8x64xi32, #tpu.memory_space<hbm>>
      %dma_start3A_281 = tpu.memref_squeeze %dma_start3A_280 : memref<1x8x64xi32, #tpu.memory_space<hbm>> -> memref<8x64xi32, #tpu.memory_space<hbm>>
      %dma_start3A_282 = arith.constant 0 : i32
      %dma_start3A_283 = arith.constant 0 : i32
      %dma_start3A_284 = tpu.memref_slice %arg3[%add3A, %dma_start3A_282, %dma_start3A_283] : memref<32x8x64xi32, #tpu.memory_space<hbm>> -> memref<1x8x64xi32, #tpu.memory_space<hbm>>
      %dma_start3A_285 = tpu.memref_squeeze %dma_start3A_284 : memref<1x8x64xi32, #tpu.memory_space<hbm>> -> memref<8x64xi32, #tpu.memory_space<hbm>>
      tpu.enqueue_dma source(%dma_start3A_285 : memref<8x64xi32, #tpu.memory_space<hbm>>) target(%arg8 : memref<8x64xi32, #tpu.memory_space<vmem>>) target_semaphore(%run_scoped3A : memref<!tpu.dma_semaphore, #tpu.memory_space<semaphore_mem>>)
      %dma_wait3A_286 = arith.constant 0 : i32
      %dma_wait3A_287 = arith.constant 0 : i32
      %dma_wait3A_288 = tpu.memref_slice %arg3[%add3A, %dma_wait3A_286, %dma_wait3A_287] : memref<32x8x64xi32, #tpu.memory_space<hbm>> -> memref<1x8x64xi32, #tpu.memory_space<hbm>>
      %dma_wait3A_289 = tpu.memref_squeeze %dma_wait3A_288 : memref<1x8x64xi32, #tpu.memory_space<hbm>> -> memref<8x64xi32, #tpu.memory_space<hbm>>
      %dma_wait3A_290 = arith.constant 0 : i32
      %dma_wait3A_291 = arith.constant 0 : i32
      %dma_wait3A_292 = tpu.memref_slice %arg3[%add3A, %dma_wait3A_290, %dma_wait3A_291] : memref<32x8x64xi32, #tpu.memory_space<hbm>> -> memref<1x8x64xi32, #tpu.memory_space<hbm>>
      %dma_wait3A_293 = tpu.memref_squeeze %dma_wait3A_292 : memref<1x8x64xi32, #tpu.memory_space<hbm>> -> memref<8x64xi32, #tpu.memory_space<hbm>>
      tpu.wait_dma2 semaphore(%run_scoped3A : memref<!tpu.dma_semaphore, #tpu.memory_space<semaphore_mem>>) src(%dma_wait3A_293 : memref<8x64xi32, #tpu.memory_space<hbm>>) dst(%arg8 : memref<8x64xi32, #tpu.memory_space<vmem>>)
      tpu.yield
    }) : () -> ()
    %dma_start3A = arith.constant 0 : i32
    %dma_start3A_1 = arith.constant 0 : i32
    %dma_start3A_2 = tpu.memref_slice %arg7[%dma_start3A, %dma_start3A_1] : memref<8x64xi32, #tpu.memory_space<vmem>> -> memref<1x64xi32, #tpu.memory_space<vmem>>
    %dma_start3A_3 = tpu.memref_squeeze %dma_start3A_2 : memref<1x64xi32, #tpu.memory_space<vmem>> -> memref<64xi32, #tpu.memory_space<vmem>>
    %dma_start3A_4 = arith.constant 0 : i32
    %dma_start3A_5 = arith.constant 0 : i32
    %dma_start3A_6 = tpu.memref_slice %arg4[%dma_start3A_4, %dma_start3A_5] : memref<100000x128xf32, #tpu.memory_space<hbm>> -> memref<100000x128xf32, #tpu.memory_space<hbm>>
    tpu.enqueue_indirect_dma source(%dma_start3A_6 : memref<100000x128xf32, #tpu.memory_space<hbm>>) target(%arg9 : memref<64x128xf32, #tpu.memory_space<vmem>>) offsets(%dma_start3A_3 : memref<64xi32, #tpu.memory_space<vmem>>) semaphore(%arg14 : memref<!tpu.dma_semaphore, #tpu.memory_space<semaphore_mem>>)
    %dma_start3A_7 = arith.constant 0 : i32
    %dma_start3A_8 = arith.constant 0 : i32
    %dma_start3A_9 = tpu.memref_slice %arg8[%dma_start3A_7, %dma_start3A_8] : memref<8x64xi32, #tpu.memory_space<vmem>> -> memref<1x64xi32, #tpu.memory_space<vmem>>
    %dma_start3A_10 = tpu.memref_squeeze %dma_start3A_9 : memref<1x64xi32, #tpu.memory_space<vmem>> -> memref<64xi32, #tpu.memory_space<vmem>>
    %dma_start3A_11 = arith.constant 0 : i32
    %dma_start3A_12 = arith.constant 0 : i32
    %dma_start3A_13 = tpu.memref_slice %arg5[%dma_start3A_11, %dma_start3A_12] : memref<100000x128xf32, #tpu.memory_space<hbm>> -> memref<100000x128xf32, #tpu.memory_space<hbm>>
    tpu.enqueue_indirect_dma source(%dma_start3A_13 : memref<100000x128xf32, #tpu.memory_space<hbm>>) target(%arg11 : memref<64x128xf32, #tpu.memory_space<vmem>>) offsets(%dma_start3A_10 : memref<64xi32, #tpu.memory_space<vmem>>) semaphore(%arg16 : memref<!tpu.dma_semaphore, #tpu.memory_space<semaphore_mem>>)
    %dma_start3A_14 = arith.constant 1 : i32
    %dma_start3A_15 = arith.constant 0 : i32
    %dma_start3A_16 = tpu.memref_slice %arg7[%dma_start3A_14, %dma_start3A_15] : memref<8x64xi32, #tpu.memory_space<vmem>> -> memref<1x64xi32, #tpu.memory_space<vmem>>
    %dma_start3A_17 = tpu.memref_squeeze %dma_start3A_16 : memref<1x64xi32, #tpu.memory_space<vmem>> -> memref<64xi32, #tpu.memory_space<vmem>>
    %dma_start3A_18 = arith.constant 0 : i32
    %dma_start3A_19 = arith.constant 0 : i32
    %dma_start3A_20 = tpu.memref_slice %arg4[%dma_start3A_18, %dma_start3A_19] : memref<100000x128xf32, #tpu.memory_space<hbm>> -> memref<100000x128xf32, #tpu.memory_space<hbm>>
    tpu.enqueue_indirect_dma source(%dma_start3A_20 : memref<100000x128xf32, #tpu.memory_space<hbm>>) target(%arg10 : memref<64x128xf32, #tpu.memory_space<vmem>>) offsets(%dma_start3A_17 : memref<64xi32, #tpu.memory_space<vmem>>) semaphore(%arg15 : memref<!tpu.dma_semaphore, #tpu.memory_space<semaphore_mem>>)
    %dma_start3A_21 = arith.constant 1 : i32
    %dma_start3A_22 = arith.constant 0 : i32
    %dma_start3A_23 = tpu.memref_slice %arg8[%dma_start3A_21, %dma_start3A_22] : memref<8x64xi32, #tpu.memory_space<vmem>> -> memref<1x64xi32, #tpu.memory_space<vmem>>
    %dma_start3A_24 = tpu.memref_squeeze %dma_start3A_23 : memref<1x64xi32, #tpu.memory_space<vmem>> -> memref<64xi32, #tpu.memory_space<vmem>>
    %dma_start3A_25 = arith.constant 0 : i32
    %dma_start3A_26 = arith.constant 0 : i32
    %dma_start3A_27 = tpu.memref_slice %arg5[%dma_start3A_25, %dma_start3A_26] : memref<100000x128xf32, #tpu.memory_space<hbm>> -> memref<100000x128xf32, #tpu.memory_space<hbm>>
    tpu.enqueue_indirect_dma source(%dma_start3A_27 : memref<100000x128xf32, #tpu.memory_space<hbm>>) target(%arg12 : memref<64x128xf32, #tpu.memory_space<vmem>>) offsets(%dma_start3A_24 : memref<64xi32, #tpu.memory_space<vmem>>) semaphore(%arg17 : memref<!tpu.dma_semaphore, #tpu.memory_space<semaphore_mem>>)
    %dma_wait3A = arith.constant 0 : i32
    %dma_wait3A_28 = arith.constant 0 : i32
    %dma_wait3A_29 = tpu.memref_slice %arg7[%dma_wait3A, %dma_wait3A_28] : memref<8x64xi32, #tpu.memory_space<vmem>> -> memref<1x64xi32, #tpu.memory_space<vmem>>
    %dma_wait3A_30 = tpu.memref_squeeze %dma_wait3A_29 : memref<1x64xi32, #tpu.memory_space<vmem>> -> memref<64xi32, #tpu.memory_space<vmem>>
    %dma_wait3A_31 = arith.constant 0 : i32
    %dma_wait3A_32 = arith.constant 0 : i32
    %dma_wait3A_33 = tpu.memref_slice %arg4[%dma_wait3A_31, %dma_wait3A_32] : memref<100000x128xf32, #tpu.memory_space<hbm>> -> memref<100000x128xf32, #tpu.memory_space<hbm>>
    tpu.wait_indirect_dma semaphore(%arg14 : memref<!tpu.dma_semaphore, #tpu.memory_space<semaphore_mem>>) src(%dma_wait3A_33 : memref<100000x128xf32, #tpu.memory_space<hbm>>) dst(%arg9 : memref<64x128xf32, #tpu.memory_space<vmem>>)
    %dma_wait3A_34 = arith.constant 0 : i32
    %dma_wait3A_35 = arith.constant 0 : i32
    %dma_wait3A_36 = tpu.memref_slice %arg8[%dma_wait3A_34, %dma_wait3A_35] : memref<8x64xi32, #tpu.memory_space<vmem>> -> memref<1x64xi32, #tpu.memory_space<vmem>>
    %dma_wait3A_37 = tpu.memref_squeeze %dma_wait3A_36 : memref<1x64xi32, #tpu.memory_space<vmem>> -> memref<64xi32, #tpu.memory_space<vmem>>
    %dma_wait3A_38 = arith.constant 0 : i32
    %dma_wait3A_39 = arith.constant 0 : i32
    %dma_wait3A_40 = tpu.memref_slice %arg5[%dma_wait3A_38, %dma_wait3A_39] : memref<100000x128xf32, #tpu.memory_space<hbm>> -> memref<100000x128xf32, #tpu.memory_space<hbm>>
    tpu.wait_indirect_dma semaphore(%arg16 : memref<!tpu.dma_semaphore, #tpu.memory_space<semaphore_mem>>) src(%dma_wait3A_40 : memref<100000x128xf32, #tpu.memory_space<hbm>>) dst(%arg11 : memref<64x128xf32, #tpu.memory_space<vmem>>)
    %scan3A = arith.constant 0 : i32
    %scan3A_41 = arith.constant 0 : i32
    %scan3A_42 = arith.constant 4 : i32
    %scan3A_43 = arith.addi %scan3A_41, %scan3A_42 : i32
    %scan3A_44 = arith.constant 1 : i32
    %scan3A_45 = scf.for %scan3A_278 = %scan3A_41 to %scan3A_43 step %scan3A_44 iter_args(%scan3A_279 = %scan3A) -> (i32)  : i32 {
      %mul3A_280 = arith.constant 16 : i32
      %mul3A_281 = arith.muli %scan3A_278, %mul3A_280 : i32
      %iota3A = tpu.iota {dimensions = array<i32: 0>} : vector<16xi32>
      %add3A_282 = vector.broadcast %mul3A_281 : i32 to vector<16xi32>
      %add3A_283 = arith.addi %add3A_282, %iota3A : vector<16xi32>
      %broadcast_in_dim3A = arith.constant 0.000000e+00 : f32
      %broadcast_in_dim3A_284 = vector.broadcast %broadcast_in_dim3A : f32 to vector<16xf32>
      %scan3A_285 = arith.constant 0 : i32
      %scan3A_286 = arith.constant 16 : i32
      %scan3A_287 = arith.addi %scan3A_285, %scan3A_286 : i32
      %scan3A_288 = arith.constant 1 : i32
      %scan3A_289:4 = scf.for %scan3A_300 = %scan3A_285 to %scan3A_287 step %scan3A_288 iter_args(%scan3A_301 = %broadcast_in_dim3A_284, %scan3A_302 = %broadcast_in_dim3A_284, %scan3A_303 = %broadcast_in_dim3A_284, %scan3A_304 = %broadcast_in_dim3A_284) -> (vector<16xf32>, vector<16xf32>, vector<16xf32>, vector<16xf32>)  : i32 {
        %mul3A_305 = arith.constant 8 : i32
        %mul3A_306 = arith.muli %scan3A_300, %mul3A_305 : i32
        %add3A_307 = arith.constant 0 : i32
        %add3A_308 = arith.addi %mul3A_306, %add3A_307 : i32
        %broadcast_in_dim3A_309 = vector.broadcast %add3A_308 : i32 to vector<16xi32>
        %gather3A = tpu.vector_load_idx %arg9[%add3A_283, %broadcast_in_dim3A_309] : memref<64x128xf32, #tpu.memory_space<vmem>>[vector<16xi32>, vector<16xi32>], vector<16xf32>,
        %gather3A_310 = tpu.vector_load_idx %arg11[%add3A_283, %broadcast_in_dim3A_309] : memref<64x128xf32, #tpu.memory_space<vmem>>[vector<16xi32>, vector<16xi32>], vector<16xf32>,
        %mul3A_311 = arith.mulf %gather3A, %gather3A_310 : vector<16xf32>
        %add3A_312 = arith.addf %scan3A_301, %mul3A_311 : vector<16xf32>
        %add3A_313 = arith.constant 1 : i32
        %add3A_314 = arith.addi %mul3A_306, %add3A_313 : i32
        %broadcast_in_dim3A_315 = vector.broadcast %add3A_314 : i32 to vector<16xi32>
        %gather3A_316 = tpu.vector_load_idx %arg9[%add3A_283, %broadcast_in_dim3A_315] : memref<64x128xf32, #tpu.memory_space<vmem>>[vector<16xi32>, vector<16xi32>], vector<16xf32>,
        %gather3A_317 = tpu.vector_load_idx %arg11[%add3A_283, %broadcast_in_dim3A_315] : memref<64x128xf32, #tpu.memory_space<vmem>>[vector<16xi32>, vector<16xi32>], vector<16xf32>,
        %mul3A_318 = arith.mulf %gather3A_316, %gather3A_317 : vector<16xf32>
        %add3A_319 = arith.addf %scan3A_302, %mul3A_318 : vector<16xf32>
        %add3A_320 = arith.constant 2 : i32
        %add3A_321 = arith.addi %mul3A_306, %add3A_320 : i32
        %broadcast_in_dim3A_322 = vector.broadcast %add3A_321 : i32 to vector<16xi32>
        %gather3A_323 = tpu.vector_load_idx %arg9[%add3A_283, %broadcast_in_dim3A_322] : memref<64x128xf32, #tpu.memory_space<vmem>>[vector<16xi32>, vector<16xi32>], vector<16xf32>,
        %gather3A_324 = tpu.vector_load_idx %arg11[%add3A_283, %broadcast_in_dim3A_322] : memref<64x128xf32, #tpu.memory_space<vmem>>[vector<16xi32>, vector<16xi32>], vector<16xf32>,
        %mul3A_325 = arith.mulf %gather3A_323, %gather3A_324 : vector<16xf32>
        %add3A_326 = arith.addf %scan3A_303, %mul3A_325 : vector<16xf32>
        %add3A_327 = arith.constant 3 : i32
        %add3A_328 = arith.addi %mul3A_306, %add3A_327 : i32
        %broadcast_in_dim3A_329 = vector.broadcast %add3A_328 : i32 to vector<16xi32>
        %gather3A_330 = tpu.vector_load_idx %arg9[%add3A_283, %broadcast_in_dim3A_329] : memref<64x128xf32, #tpu.memory_space<vmem>>[vector<16xi32>, vector<16xi32>], vector<16xf32>,
        %gather3A_331 = tpu.vector_load_idx %arg11[%add3A_283, %broadcast_in_dim3A_329] : memref<64x128xf32, #tpu.memory_space<vmem>>[vector<16xi32>, vector<16xi32>], vector<16xf32>,
        %mul3A_332 = arith.mulf %gather3A_330, %gather3A_331 : vector<16xf32>
        %add3A_333 = arith.addf %scan3A_304, %mul3A_332 : vector<16xf32>
        %add3A_334 = arith.constant 4 : i32
        %add3A_335 = arith.addi %mul3A_306, %add3A_334 : i32
        %broadcast_in_dim3A_336 = vector.broadcast %add3A_335 : i32 to vector<16xi32>
        %gather3A_337 = tpu.vector_load_idx %arg9[%add3A_283, %broadcast_in_dim3A_336] : memref<64x128xf32, #tpu.memory_space<vmem>>[vector<16xi32>, vector<16xi32>], vector<16xf32>,
        %gather3A_338 = tpu.vector_load_idx %arg11[%add3A_283, %broadcast_in_dim3A_336] : memref<64x128xf32, #tpu.memory_space<vmem>>[vector<16xi32>, vector<16xi32>], vector<16xf32>,
        %mul3A_339 = arith.mulf %gather3A_337, %gather3A_338 : vector<16xf32>
        %add3A_340 = arith.addf %add3A_312, %mul3A_339 : vector<16xf32>
        %add3A_341 = arith.constant 5 : i32
        %add3A_342 = arith.addi %mul3A_306, %add3A_341 : i32
        %broadcast_in_dim3A_343 = vector.broadcast %add3A_342 : i32 to vector<16xi32>
        %gather3A_344 = tpu.vector_load_idx %arg9[%add3A_283, %broadcast_in_dim3A_343] : memref<64x128xf32, #tpu.memory_space<vmem>>[vector<16xi32>, vector<16xi32>], vector<16xf32>,
        %gather3A_345 = tpu.vector_load_idx %arg11[%add3A_283, %broadcast_in_dim3A_343] : memref<64x128xf32, #tpu.memory_space<vmem>>[vector<16xi32>, vector<16xi32>], vector<16xf32>,
        %mul3A_346 = arith.mulf %gather3A_344, %gather3A_345 : vector<16xf32>
        %add3A_347 = arith.addf %add3A_319, %mul3A_346 : vector<16xf32>
        %add3A_348 = arith.constant 6 : i32
        %add3A_349 = arith.addi %mul3A_306, %add3A_348 : i32
        %broadcast_in_dim3A_350 = vector.broadcast %add3A_349 : i32 to vector<16xi32>
        %gather3A_351 = tpu.vector_load_idx %arg9[%add3A_283, %broadcast_in_dim3A_350] : memref<64x128xf32, #tpu.memory_space<vmem>>[vector<16xi32>, vector<16xi32>], vector<16xf32>,
        %gather3A_352 = tpu.vector_load_idx %arg11[%add3A_283, %broadcast_in_dim3A_350] : memref<64x128xf32, #tpu.memory_space<vmem>>[vector<16xi32>, vector<16xi32>], vector<16xf32>,
        %mul3A_353 = arith.mulf %gather3A_351, %gather3A_352 : vector<16xf32>
        %add3A_354 = arith.addf %add3A_326, %mul3A_353 : vector<16xf32>
        %add3A_355 = arith.constant 7 : i32
        %add3A_356 = arith.addi %mul3A_306, %add3A_355 : i32
        %broadcast_in_dim3A_357 = vector.broadcast %add3A_356 : i32 to vector<16xi32>
        %gather3A_358 = tpu.vector_load_idx %arg9[%add3A_283, %broadcast_in_dim3A_357] : memref<64x128xf32, #tpu.memory_space<vmem>>[vector<16xi32>, vector<16xi32>], vector<16xf32>,
        %gather3A_359 = tpu.vector_load_idx %arg11[%add3A_283, %broadcast_in_dim3A_357] : memref<64x128xf32, #tpu.memory_space<vmem>>[vector<16xi32>, vector<16xi32>], vector<16xf32>,
        %mul3A_360 = arith.mulf %gather3A_358, %gather3A_359 : vector<16xf32>
        %add3A_361 = arith.addf %add3A_333, %mul3A_360 : vector<16xf32>
        scf.yield %add3A_340, %add3A_347, %add3A_354, %add3A_361 : vector<16xf32>, vector<16xf32>, vector<16xf32>, vector<16xf32>
      }
      %scan3A_290 = arith.constant 16 : i32
      %add3A_291 = arith.addf %scan3A_289#0, %scan3A_289#1 : vector<16xf32>
      %add3A_292 = arith.addf %scan3A_289#2, %scan3A_289#3 : vector<16xf32>
      %add3A_293 = arith.addf %add3A_291, %add3A_292 : vector<16xf32>
      %mul3A_294 = arith.constant 16 : i32
      %mul3A_295 = arith.muli %scan3A_278, %mul3A_294 : i32
      %add3A_296 = arith.constant 0 : i32
      %add3A_297 = arith.addi %add3A_296, %mul3A_295 : i32
      %multiple_of3A = tpu.assume_multiple %add3A_297, 16 : i32
      %swap3A = arith.index_cast %multiple_of3A : i32 to index
      %swap3A_298 = tpu.vector_load %arg13[%swap3A] {strides = array<i32>} : memref<512xf32, #tpu.memory_space<vmem>>, vector<16xf32>,
      tpu.vector_store %arg13[%swap3A], %add3A_293 {strides = array<i32>} : memref<512xf32, #tpu.memory_space<vmem>>, vector<16xf32>,
      %scan3A_299 = arith.constant 0 : i32
      scf.yield %scan3A_299 : i32
    }
    %scan3A_46 = arith.constant 4 : i32
    %dma_start3A_47 = arith.constant 2 : i32
    %dma_start3A_48 = arith.constant 0 : i32
    %dma_start3A_49 = tpu.memref_slice %arg7[%dma_start3A_47, %dma_start3A_48] : memref<8x64xi32, #tpu.memory_space<vmem>> -> memref<1x64xi32, #tpu.memory_space<vmem>>
    %dma_start3A_50 = tpu.memref_squeeze %dma_start3A_49 : memref<1x64xi32, #tpu.memory_space<vmem>> -> memref<64xi32, #tpu.memory_space<vmem>>
    %dma_start3A_51 = arith.constant 0 : i32
    %dma_start3A_52 = arith.constant 0 : i32
    %dma_start3A_53 = tpu.memref_slice %arg4[%dma_start3A_51, %dma_start3A_52] : memref<100000x128xf32, #tpu.memory_space<hbm>> -> memref<100000x128xf32, #tpu.memory_space<hbm>>
    tpu.enqueue_indirect_dma source(%dma_start3A_53 : memref<100000x128xf32, #tpu.memory_space<hbm>>) target(%arg9 : memref<64x128xf32, #tpu.memory_space<vmem>>) offsets(%dma_start3A_50 : memref<64xi32, #tpu.memory_space<vmem>>) semaphore(%arg14 : memref<!tpu.dma_semaphore, #tpu.memory_space<semaphore_mem>>)
    %dma_start3A_54 = arith.constant 2 : i32
    %dma_start3A_55 = arith.constant 0 : i32
    %dma_start3A_56 = tpu.memref_slice %arg8[%dma_start3A_54, %dma_start3A_55] : memref<8x64xi32, #tpu.memory_space<vmem>> -> memref<1x64xi32, #tpu.memory_space<vmem>>
    %dma_start3A_57 = tpu.memref_squeeze %dma_start3A_56 : memref<1x64xi32, #tpu.memory_space<vmem>> -> memref<64xi32, #tpu.memory_space<vmem>>
    %dma_start3A_58 = arith.constant 0 : i32
    %dma_start3A_59 = arith.constant 0 : i32
    %dma_start3A_60 = tpu.memref_slice %arg5[%dma_start3A_58, %dma_start3A_59] : memref<100000x128xf32, #tpu.memory_space<hbm>> -> memref<100000x128xf32, #tpu.memory_space<hbm>>
    tpu.enqueue_indirect_dma source(%dma_start3A_60 : memref<100000x128xf32, #tpu.memory_space<hbm>>) target(%arg11 : memref<64x128xf32, #tpu.memory_space<vmem>>) offsets(%dma_start3A_57 : memref<64xi32, #tpu.memory_space<vmem>>) semaphore(%arg16 : memref<!tpu.dma_semaphore, #tpu.memory_space<semaphore_mem>>)
    %dma_wait3A_61 = arith.constant 1 : i32
    %dma_wait3A_62 = arith.constant 0 : i32
    %dma_wait3A_63 = tpu.memref_slice %arg7[%dma_wait3A_61, %dma_wait3A_62] : memref<8x64xi32, #tpu.memory_space<vmem>> -> memref<1x64xi32, #tpu.memory_space<vmem>>
    %dma_wait3A_64 = tpu.memref_squeeze %dma_wait3A_63 : memref<1x64xi32, #tpu.memory_space<vmem>> -> memref<64xi32, #tpu.memory_space<vmem>>
    %dma_wait3A_65 = arith.constant 0 : i32
    %dma_wait3A_66 = arith.constant 0 : i32
    %dma_wait3A_67 = tpu.memref_slice %arg4[%dma_wait3A_65, %dma_wait3A_66] : memref<100000x128xf32, #tpu.memory_space<hbm>> -> memref<100000x128xf32, #tpu.memory_space<hbm>>
    tpu.wait_indirect_dma semaphore(%arg15 : memref<!tpu.dma_semaphore, #tpu.memory_space<semaphore_mem>>) src(%dma_wait3A_67 : memref<100000x128xf32, #tpu.memory_space<hbm>>) dst(%arg10 : memref<64x128xf32, #tpu.memory_space<vmem>>)
    %dma_wait3A_68 = arith.constant 1 : i32
    %dma_wait3A_69 = arith.constant 0 : i32
    %dma_wait3A_70 = tpu.memref_slice %arg8[%dma_wait3A_68, %dma_wait3A_69] : memref<8x64xi32, #tpu.memory_space<vmem>> -> memref<1x64xi32, #tpu.memory_space<vmem>>
    %dma_wait3A_71 = tpu.memref_squeeze %dma_wait3A_70 : memref<1x64xi32, #tpu.memory_space<vmem>> -> memref<64xi32, #tpu.memory_space<vmem>>
    %dma_wait3A_72 = arith.constant 0 : i32
    %dma_wait3A_73 = arith.constant 0 : i32
    %dma_wait3A_74 = tpu.memref_slice %arg5[%dma_wait3A_72, %dma_wait3A_73] : memref<100000x128xf32, #tpu.memory_space<hbm>> -> memref<100000x128xf32, #tpu.memory_space<hbm>>
    tpu.wait_indirect_dma semaphore(%arg17 : memref<!tpu.dma_semaphore, #tpu.memory_space<semaphore_mem>>) src(%dma_wait3A_74 : memref<100000x128xf32, #tpu.memory_space<hbm>>) dst(%arg12 : memref<64x128xf32, #tpu.memory_space<vmem>>)
    %scan3A_75 = arith.constant 0 : i32
    %scan3A_76 = arith.constant 0 : i32
    %scan3A_77 = arith.constant 4 : i32
    %scan3A_78 = arith.addi %scan3A_76, %scan3A_77 : i32
    %scan3A_79 = arith.constant 1 : i32
    %scan3A_80 = scf.for %scan3A_278 = %scan3A_76 to %scan3A_78 step %scan3A_79 iter_args(%scan3A_279 = %scan3A_75) -> (i32)  : i32 {
      %mul3A_280 = arith.constant 16 : i32
      %mul3A_281 = arith.muli %scan3A_278, %mul3A_280 : i32
      %iota3A = tpu.iota {dimensions = array<i32: 0>} : vector<16xi32>
      %add3A_282 = vector.broadcast %mul3A_281 : i32 to vector<16xi32>
      %add3A_283 = arith.addi %add3A_282, %iota3A : vector<16xi32>
      %broadcast_in_dim3A = arith.constant 0.000000e+00 : f32
      %broadcast_in_dim3A_284 = vector.broadcast %broadcast_in_dim3A : f32 to vector<16xf32>
      %scan3A_285 = arith.constant 0 : i32
      %scan3A_286 = arith.constant 16 : i32
      %scan3A_287 = arith.addi %scan3A_285, %scan3A_286 : i32
      %scan3A_288 = arith.constant 1 : i32
      %scan3A_289:4 = scf.for %scan3A_300 = %scan3A_285 to %scan3A_287 step %scan3A_288 iter_args(%scan3A_301 = %broadcast_in_dim3A_284, %scan3A_302 = %broadcast_in_dim3A_284, %scan3A_303 = %broadcast_in_dim3A_284, %scan3A_304 = %broadcast_in_dim3A_284) -> (vector<16xf32>, vector<16xf32>, vector<16xf32>, vector<16xf32>)  : i32 {
        %mul3A_305 = arith.constant 8 : i32
        %mul3A_306 = arith.muli %scan3A_300, %mul3A_305 : i32
        %add3A_307 = arith.constant 0 : i32
        %add3A_308 = arith.addi %mul3A_306, %add3A_307 : i32
        %broadcast_in_dim3A_309 = vector.broadcast %add3A_308 : i32 to vector<16xi32>
        %gather3A = tpu.vector_load_idx %arg10[%add3A_283, %broadcast_in_dim3A_309] : memref<64x128xf32, #tpu.memory_space<vmem>>[vector<16xi32>, vector<16xi32>], vector<16xf32>,
        %gather3A_310 = tpu.vector_load_idx %arg12[%add3A_283, %broadcast_in_dim3A_309] : memref<64x128xf32, #tpu.memory_space<vmem>>[vector<16xi32>, vector<16xi32>], vector<16xf32>,
        %mul3A_311 = arith.mulf %gather3A, %gather3A_310 : vector<16xf32>
        %add3A_312 = arith.addf %scan3A_301, %mul3A_311 : vector<16xf32>
        %add3A_313 = arith.constant 1 : i32
        %add3A_314 = arith.addi %mul3A_306, %add3A_313 : i32
        %broadcast_in_dim3A_315 = vector.broadcast %add3A_314 : i32 to vector<16xi32>
        %gather3A_316 = tpu.vector_load_idx %arg10[%add3A_283, %broadcast_in_dim3A_315] : memref<64x128xf32, #tpu.memory_space<vmem>>[vector<16xi32>, vector<16xi32>], vector<16xf32>,
        %gather3A_317 = tpu.vector_load_idx %arg12[%add3A_283, %broadcast_in_dim3A_315] : memref<64x128xf32, #tpu.memory_space<vmem>>[vector<16xi32>, vector<16xi32>], vector<16xf32>,
        %mul3A_318 = arith.mulf %gather3A_316, %gather3A_317 : vector<16xf32>
        %add3A_319 = arith.addf %scan3A_302, %mul3A_318 : vector<16xf32>
        %add3A_320 = arith.constant 2 : i32
        %add3A_321 = arith.addi %mul3A_306, %add3A_320 : i32
        %broadcast_in_dim3A_322 = vector.broadcast %add3A_321 : i32 to vector<16xi32>
        %gather3A_323 = tpu.vector_load_idx %arg10[%add3A_283, %broadcast_in_dim3A_322] : memref<64x128xf32, #tpu.memory_space<vmem>>[vector<16xi32>, vector<16xi32>], vector<16xf32>,
        %gather3A_324 = tpu.vector_load_idx %arg12[%add3A_283, %broadcast_in_dim3A_322] : memref<64x128xf32, #tpu.memory_space<vmem>>[vector<16xi32>, vector<16xi32>], vector<16xf32>,
        %mul3A_325 = arith.mulf %gather3A_323, %gather3A_324 : vector<16xf32>
        %add3A_326 = arith.addf %scan3A_303, %mul3A_325 : vector<16xf32>
        %add3A_327 = arith.constant 3 : i32
        %add3A_328 = arith.addi %mul3A_306, %add3A_327 : i32
        %broadcast_in_dim3A_329 = vector.broadcast %add3A_328 : i32 to vector<16xi32>
        %gather3A_330 = tpu.vector_load_idx %arg10[%add3A_283, %broadcast_in_dim3A_329] : memref<64x128xf32, #tpu.memory_space<vmem>>[vector<16xi32>, vector<16xi32>], vector<16xf32>,
        %gather3A_331 = tpu.vector_load_idx %arg12[%add3A_283, %broadcast_in_dim3A_329] : memref<64x128xf32, #tpu.memory_space<vmem>>[vector<16xi32>, vector<16xi32>], vector<16xf32>,
        %mul3A_332 = arith.mulf %gather3A_330, %gather3A_331 : vector<16xf32>
        %add3A_333 = arith.addf %scan3A_304, %mul3A_332 : vector<16xf32>
        %add3A_334 = arith.constant 4 : i32
        %add3A_335 = arith.addi %mul3A_306, %add3A_334 : i32
        %broadcast_in_dim3A_336 = vector.broadcast %add3A_335 : i32 to vector<16xi32>
        %gather3A_337 = tpu.vector_load_idx %arg10[%add3A_283, %broadcast_in_dim3A_336] : memref<64x128xf32, #tpu.memory_space<vmem>>[vector<16xi32>, vector<16xi32>], vector<16xf32>,
        %gather3A_338 = tpu.vector_load_idx %arg12[%add3A_283, %broadcast_in_dim3A_336] : memref<64x128xf32, #tpu.memory_space<vmem>>[vector<16xi32>, vector<16xi32>], vector<16xf32>,
        %mul3A_339 = arith.mulf %gather3A_337, %gather3A_338 : vector<16xf32>
        %add3A_340 = arith.addf %add3A_312, %mul3A_339 : vector<16xf32>
        %add3A_341 = arith.constant 5 : i32
        %add3A_342 = arith.addi %mul3A_306, %add3A_341 : i32
        %broadcast_in_dim3A_343 = vector.broadcast %add3A_342 : i32 to vector<16xi32>
        %gather3A_344 = tpu.vector_load_idx %arg10[%add3A_283, %broadcast_in_dim3A_343] : memref<64x128xf32, #tpu.memory_space<vmem>>[vector<16xi32>, vector<16xi32>], vector<16xf32>,
        %gather3A_345 = tpu.vector_load_idx %arg12[%add3A_283, %broadcast_in_dim3A_343] : memref<64x128xf32, #tpu.memory_space<vmem>>[vector<16xi32>, vector<16xi32>], vector<16xf32>,
        %mul3A_346 = arith.mulf %gather3A_344, %gather3A_345 : vector<16xf32>
        %add3A_347 = arith.addf %add3A_319, %mul3A_346 : vector<16xf32>
        %add3A_348 = arith.constant 6 : i32
        %add3A_349 = arith.addi %mul3A_306, %add3A_348 : i32
        %broadcast_in_dim3A_350 = vector.broadcast %add3A_349 : i32 to vector<16xi32>
        %gather3A_351 = tpu.vector_load_idx %arg10[%add3A_283, %broadcast_in_dim3A_350] : memref<64x128xf32, #tpu.memory_space<vmem>>[vector<16xi32>, vector<16xi32>], vector<16xf32>,
        %gather3A_352 = tpu.vector_load_idx %arg12[%add3A_283, %broadcast_in_dim3A_350] : memref<64x128xf32, #tpu.memory_space<vmem>>[vector<16xi32>, vector<16xi32>], vector<16xf32>,
        %mul3A_353 = arith.mulf %gather3A_351, %gather3A_352 : vector<16xf32>
        %add3A_354 = arith.addf %add3A_326, %mul3A_353 : vector<16xf32>
        %add3A_355 = arith.constant 7 : i32
        %add3A_356 = arith.addi %mul3A_306, %add3A_355 : i32
        %broadcast_in_dim3A_357 = vector.broadcast %add3A_356 : i32 to vector<16xi32>
        %gather3A_358 = tpu.vector_load_idx %arg10[%add3A_283, %broadcast_in_dim3A_357] : memref<64x128xf32, #tpu.memory_space<vmem>>[vector<16xi32>, vector<16xi32>], vector<16xf32>,
        %gather3A_359 = tpu.vector_load_idx %arg12[%add3A_283, %broadcast_in_dim3A_357] : memref<64x128xf32, #tpu.memory_space<vmem>>[vector<16xi32>, vector<16xi32>], vector<16xf32>,
        %mul3A_360 = arith.mulf %gather3A_358, %gather3A_359 : vector<16xf32>
        %add3A_361 = arith.addf %add3A_333, %mul3A_360 : vector<16xf32>
        scf.yield %add3A_340, %add3A_347, %add3A_354, %add3A_361 : vector<16xf32>, vector<16xf32>, vector<16xf32>, vector<16xf32>
      }
      %scan3A_290 = arith.constant 16 : i32
      %add3A_291 = arith.addf %scan3A_289#0, %scan3A_289#1 : vector<16xf32>
      %add3A_292 = arith.addf %scan3A_289#2, %scan3A_289#3 : vector<16xf32>
      %add3A_293 = arith.addf %add3A_291, %add3A_292 : vector<16xf32>
      %mul3A_294 = arith.constant 16 : i32
      %mul3A_295 = arith.muli %scan3A_278, %mul3A_294 : i32
      %add3A_296 = arith.constant 64 : i32
      %add3A_297 = arith.addi %add3A_296, %mul3A_295 : i32
      %multiple_of3A = tpu.assume_multiple %add3A_297, 16 : i32
      %swap3A = arith.index_cast %multiple_of3A : i32 to index
      %swap3A_298 = tpu.vector_load %arg13[%swap3A] {strides = array<i32>} : memref<512xf32, #tpu.memory_space<vmem>>, vector<16xf32>,
      tpu.vector_store %arg13[%swap3A], %add3A_293 {strides = array<i32>} : memref<512xf32, #tpu.memory_space<vmem>>, vector<16xf32>,
      %scan3A_299 = arith.constant 0 : i32
      scf.yield %scan3A_299 : i32
    }
    %scan3A_81 = arith.constant 4 : i32
    %dma_start3A_82 = arith.constant 3 : i32
    %dma_start3A_83 = arith.constant 0 : i32
    %dma_start3A_84 = tpu.memref_slice %arg7[%dma_start3A_82, %dma_start3A_83] : memref<8x64xi32, #tpu.memory_space<vmem>> -> memref<1x64xi32, #tpu.memory_space<vmem>>
    %dma_start3A_85 = tpu.memref_squeeze %dma_start3A_84 : memref<1x64xi32, #tpu.memory_space<vmem>> -> memref<64xi32, #tpu.memory_space<vmem>>
    %dma_start3A_86 = arith.constant 0 : i32
    %dma_start3A_87 = arith.constant 0 : i32
    %dma_start3A_88 = tpu.memref_slice %arg4[%dma_start3A_86, %dma_start3A_87] : memref<100000x128xf32, #tpu.memory_space<hbm>> -> memref<100000x128xf32, #tpu.memory_space<hbm>>
    tpu.enqueue_indirect_dma source(%dma_start3A_88 : memref<100000x128xf32, #tpu.memory_space<hbm>>) target(%arg10 : memref<64x128xf32, #tpu.memory_space<vmem>>) offsets(%dma_start3A_85 : memref<64xi32, #tpu.memory_space<vmem>>) semaphore(%arg15 : memref<!tpu.dma_semaphore, #tpu.memory_space<semaphore_mem>>)
    %dma_start3A_89 = arith.constant 3 : i32
    %dma_start3A_90 = arith.constant 0 : i32
    %dma_start3A_91 = tpu.memref_slice %arg8[%dma_start3A_89, %dma_start3A_90] : memref<8x64xi32, #tpu.memory_space<vmem>> -> memref<1x64xi32, #tpu.memory_space<vmem>>
    %dma_start3A_92 = tpu.memref_squeeze %dma_start3A_91 : memref<1x64xi32, #tpu.memory_space<vmem>> -> memref<64xi32, #tpu.memory_space<vmem>>
    %dma_start3A_93 = arith.constant 0 : i32
    %dma_start3A_94 = arith.constant 0 : i32
    %dma_start3A_95 = tpu.memref_slice %arg5[%dma_start3A_93, %dma_start3A_94] : memref<100000x128xf32, #tpu.memory_space<hbm>> -> memref<100000x128xf32, #tpu.memory_space<hbm>>
    tpu.enqueue_indirect_dma source(%dma_start3A_95 : memref<100000x128xf32, #tpu.memory_space<hbm>>) target(%arg12 : memref<64x128xf32, #tpu.memory_space<vmem>>) offsets(%dma_start3A_92 : memref<64xi32, #tpu.memory_space<vmem>>) semaphore(%arg17 : memref<!tpu.dma_semaphore, #tpu.memory_space<semaphore_mem>>)
    %dma_wait3A_96 = arith.constant 2 : i32
    %dma_wait3A_97 = arith.constant 0 : i32
    %dma_wait3A_98 = tpu.memref_slice %arg7[%dma_wait3A_96, %dma_wait3A_97] : memref<8x64xi32, #tpu.memory_space<vmem>> -> memref<1x64xi32, #tpu.memory_space<vmem>>
    %dma_wait3A_99 = tpu.memref_squeeze %dma_wait3A_98 : memref<1x64xi32, #tpu.memory_space<vmem>> -> memref<64xi32, #tpu.memory_space<vmem>>
    %dma_wait3A_100 = arith.constant 0 : i32
    %dma_wait3A_101 = arith.constant 0 : i32
    %dma_wait3A_102 = tpu.memref_slice %arg4[%dma_wait3A_100, %dma_wait3A_101] : memref<100000x128xf32, #tpu.memory_space<hbm>> -> memref<100000x128xf32, #tpu.memory_space<hbm>>
    tpu.wait_indirect_dma semaphore(%arg14 : memref<!tpu.dma_semaphore, #tpu.memory_space<semaphore_mem>>) src(%dma_wait3A_102 : memref<100000x128xf32, #tpu.memory_space<hbm>>) dst(%arg9 : memref<64x128xf32, #tpu.memory_space<vmem>>)
    %dma_wait3A_103 = arith.constant 2 : i32
    %dma_wait3A_104 = arith.constant 0 : i32
    %dma_wait3A_105 = tpu.memref_slice %arg8[%dma_wait3A_103, %dma_wait3A_104] : memref<8x64xi32, #tpu.memory_space<vmem>> -> memref<1x64xi32, #tpu.memory_space<vmem>>
    %dma_wait3A_106 = tpu.memref_squeeze %dma_wait3A_105 : memref<1x64xi32, #tpu.memory_space<vmem>> -> memref<64xi32, #tpu.memory_space<vmem>>
    %dma_wait3A_107 = arith.constant 0 : i32
    %dma_wait3A_108 = arith.constant 0 : i32
    %dma_wait3A_109 = tpu.memref_slice %arg5[%dma_wait3A_107, %dma_wait3A_108] : memref<100000x128xf32, #tpu.memory_space<hbm>> -> memref<100000x128xf32, #tpu.memory_space<hbm>>
    tpu.wait_indirect_dma semaphore(%arg16 : memref<!tpu.dma_semaphore, #tpu.memory_space<semaphore_mem>>) src(%dma_wait3A_109 : memref<100000x128xf32, #tpu.memory_space<hbm>>) dst(%arg11 : memref<64x128xf32, #tpu.memory_space<vmem>>)
    %scan3A_110 = arith.constant 0 : i32
    %scan3A_111 = arith.constant 0 : i32
    %scan3A_112 = arith.constant 4 : i32
    %scan3A_113 = arith.addi %scan3A_111, %scan3A_112 : i32
    %scan3A_114 = arith.constant 1 : i32
    %scan3A_115 = scf.for %scan3A_278 = %scan3A_111 to %scan3A_113 step %scan3A_114 iter_args(%scan3A_279 = %scan3A_110) -> (i32)  : i32 {
      %mul3A_280 = arith.constant 16 : i32
      %mul3A_281 = arith.muli %scan3A_278, %mul3A_280 : i32
      %iota3A = tpu.iota {dimensions = array<i32: 0>} : vector<16xi32>
      %add3A_282 = vector.broadcast %mul3A_281 : i32 to vector<16xi32>
      %add3A_283 = arith.addi %add3A_282, %iota3A : vector<16xi32>
      %broadcast_in_dim3A = arith.constant 0.000000e+00 : f32
      %broadcast_in_dim3A_284 = vector.broadcast %broadcast_in_dim3A : f32 to vector<16xf32>
      %scan3A_285 = arith.constant 0 : i32
      %scan3A_286 = arith.constant 16 : i32
      %scan3A_287 = arith.addi %scan3A_285, %scan3A_286 : i32
      %scan3A_288 = arith.constant 1 : i32
      %scan3A_289:4 = scf.for %scan3A_300 = %scan3A_285 to %scan3A_287 step %scan3A_288 iter_args(%scan3A_301 = %broadcast_in_dim3A_284, %scan3A_302 = %broadcast_in_dim3A_284, %scan3A_303 = %broadcast_in_dim3A_284, %scan3A_304 = %broadcast_in_dim3A_284) -> (vector<16xf32>, vector<16xf32>, vector<16xf32>, vector<16xf32>)  : i32 {
        %mul3A_305 = arith.constant 8 : i32
        %mul3A_306 = arith.muli %scan3A_300, %mul3A_305 : i32
        %add3A_307 = arith.constant 0 : i32
        %add3A_308 = arith.addi %mul3A_306, %add3A_307 : i32
        %broadcast_in_dim3A_309 = vector.broadcast %add3A_308 : i32 to vector<16xi32>
        %gather3A = tpu.vector_load_idx %arg9[%add3A_283, %broadcast_in_dim3A_309] : memref<64x128xf32, #tpu.memory_space<vmem>>[vector<16xi32>, vector<16xi32>], vector<16xf32>,
        %gather3A_310 = tpu.vector_load_idx %arg11[%add3A_283, %broadcast_in_dim3A_309] : memref<64x128xf32, #tpu.memory_space<vmem>>[vector<16xi32>, vector<16xi32>], vector<16xf32>,
        %mul3A_311 = arith.mulf %gather3A, %gather3A_310 : vector<16xf32>
        %add3A_312 = arith.addf %scan3A_301, %mul3A_311 : vector<16xf32>
        %add3A_313 = arith.constant 1 : i32
        %add3A_314 = arith.addi %mul3A_306, %add3A_313 : i32
        %broadcast_in_dim3A_315 = vector.broadcast %add3A_314 : i32 to vector<16xi32>
        %gather3A_316 = tpu.vector_load_idx %arg9[%add3A_283, %broadcast_in_dim3A_315] : memref<64x128xf32, #tpu.memory_space<vmem>>[vector<16xi32>, vector<16xi32>], vector<16xf32>,
        %gather3A_317 = tpu.vector_load_idx %arg11[%add3A_283, %broadcast_in_dim3A_315] : memref<64x128xf32, #tpu.memory_space<vmem>>[vector<16xi32>, vector<16xi32>], vector<16xf32>,
        %mul3A_318 = arith.mulf %gather3A_316, %gather3A_317 : vector<16xf32>
        %add3A_319 = arith.addf %scan3A_302, %mul3A_318 : vector<16xf32>
        %add3A_320 = arith.constant 2 : i32
        %add3A_321 = arith.addi %mul3A_306, %add3A_320 : i32
        %broadcast_in_dim3A_322 = vector.broadcast %add3A_321 : i32 to vector<16xi32>
        %gather3A_323 = tpu.vector_load_idx %arg9[%add3A_283, %broadcast_in_dim3A_322] : memref<64x128xf32, #tpu.memory_space<vmem>>[vector<16xi32>, vector<16xi32>], vector<16xf32>,
        %gather3A_324 = tpu.vector_load_idx %arg11[%add3A_283, %broadcast_in_dim3A_322] : memref<64x128xf32, #tpu.memory_space<vmem>>[vector<16xi32>, vector<16xi32>], vector<16xf32>,
        %mul3A_325 = arith.mulf %gather3A_323, %gather3A_324 : vector<16xf32>
        %add3A_326 = arith.addf %scan3A_303, %mul3A_325 : vector<16xf32>
        %add3A_327 = arith.constant 3 : i32
        %add3A_328 = arith.addi %mul3A_306, %add3A_327 : i32
        %broadcast_in_dim3A_329 = vector.broadcast %add3A_328 : i32 to vector<16xi32>
        %gather3A_330 = tpu.vector_load_idx %arg9[%add3A_283, %broadcast_in_dim3A_329] : memref<64x128xf32, #tpu.memory_space<vmem>>[vector<16xi32>, vector<16xi32>], vector<16xf32>,
        %gather3A_331 = tpu.vector_load_idx %arg11[%add3A_283, %broadcast_in_dim3A_329] : memref<64x128xf32, #tpu.memory_space<vmem>>[vector<16xi32>, vector<16xi32>], vector<16xf32>,
        %mul3A_332 = arith.mulf %gather3A_330, %gather3A_331 : vector<16xf32>
        %add3A_333 = arith.addf %scan3A_304, %mul3A_332 : vector<16xf32>
        %add3A_334 = arith.constant 4 : i32
        %add3A_335 = arith.addi %mul3A_306, %add3A_334 : i32
        %broadcast_in_dim3A_336 = vector.broadcast %add3A_335 : i32 to vector<16xi32>
        %gather3A_337 = tpu.vector_load_idx %arg9[%add3A_283, %broadcast_in_dim3A_336] : memref<64x128xf32, #tpu.memory_space<vmem>>[vector<16xi32>, vector<16xi32>], vector<16xf32>,
        %gather3A_338 = tpu.vector_load_idx %arg11[%add3A_283, %broadcast_in_dim3A_336] : memref<64x128xf32, #tpu.memory_space<vmem>>[vector<16xi32>, vector<16xi32>], vector<16xf32>,
        %mul3A_339 = arith.mulf %gather3A_337, %gather3A_338 : vector<16xf32>
        %add3A_340 = arith.addf %add3A_312, %mul3A_339 : vector<16xf32>
        %add3A_341 = arith.constant 5 : i32
        %add3A_342 = arith.addi %mul3A_306, %add3A_341 : i32
        %broadcast_in_dim3A_343 = vector.broadcast %add3A_342 : i32 to vector<16xi32>
        %gather3A_344 = tpu.vector_load_idx %arg9[%add3A_283, %broadcast_in_dim3A_343] : memref<64x128xf32, #tpu.memory_space<vmem>>[vector<16xi32>, vector<16xi32>], vector<16xf32>,
        %gather3A_345 = tpu.vector_load_idx %arg11[%add3A_283, %broadcast_in_dim3A_343] : memref<64x128xf32, #tpu.memory_space<vmem>>[vector<16xi32>, vector<16xi32>], vector<16xf32>,
        %mul3A_346 = arith.mulf %gather3A_344, %gather3A_345 : vector<16xf32>
        %add3A_347 = arith.addf %add3A_319, %mul3A_346 : vector<16xf32>
        %add3A_348 = arith.constant 6 : i32
        %add3A_349 = arith.addi %mul3A_306, %add3A_348 : i32
        %broadcast_in_dim3A_350 = vector.broadcast %add3A_349 : i32 to vector<16xi32>
        %gather3A_351 = tpu.vector_load_idx %arg9[%add3A_283, %broadcast_in_dim3A_350] : memref<64x128xf32, #tpu.memory_space<vmem>>[vector<16xi32>, vector<16xi32>], vector<16xf32>,
        %gather3A_352 = tpu.vector_load_idx %arg11[%add3A_283, %broadcast_in_dim3A_350] : memref<64x128xf32, #tpu.memory_space<vmem>>[vector<16xi32>, vector<16xi32>], vector<16xf32>,
        %mul3A_353 = arith.mulf %gather3A_351, %gather3A_352 : vector<16xf32>
        %add3A_354 = arith.addf %add3A_326, %mul3A_353 : vector<16xf32>
        %add3A_355 = arith.constant 7 : i32
        %add3A_356 = arith.addi %mul3A_306, %add3A_355 : i32
        %broadcast_in_dim3A_357 = vector.broadcast %add3A_356 : i32 to vector<16xi32>
        %gather3A_358 = tpu.vector_load_idx %arg9[%add3A_283, %broadcast_in_dim3A_357] : memref<64x128xf32, #tpu.memory_space<vmem>>[vector<16xi32>, vector<16xi32>], vector<16xf32>,
        %gather3A_359 = tpu.vector_load_idx %arg11[%add3A_283, %broadcast_in_dim3A_357] : memref<64x128xf32, #tpu.memory_space<vmem>>[vector<16xi32>, vector<16xi32>], vector<16xf32>,
        %mul3A_360 = arith.mulf %gather3A_358, %gather3A_359 : vector<16xf32>
        %add3A_361 = arith.addf %add3A_333, %mul3A_360 : vector<16xf32>
        scf.yield %add3A_340, %add3A_347, %add3A_354, %add3A_361 : vector<16xf32>, vector<16xf32>, vector<16xf32>, vector<16xf32>
      }
      %scan3A_290 = arith.constant 16 : i32
      %add3A_291 = arith.addf %scan3A_289#0, %scan3A_289#1 : vector<16xf32>
      %add3A_292 = arith.addf %scan3A_289#2, %scan3A_289#3 : vector<16xf32>
      %add3A_293 = arith.addf %add3A_291, %add3A_292 : vector<16xf32>
      %mul3A_294 = arith.constant 16 : i32
      %mul3A_295 = arith.muli %scan3A_278, %mul3A_294 : i32
      %add3A_296 = arith.constant 128 : i32
      %add3A_297 = arith.addi %add3A_296, %mul3A_295 : i32
      %multiple_of3A = tpu.assume_multiple %add3A_297, 16 : i32
      %swap3A = arith.index_cast %multiple_of3A : i32 to index
      %swap3A_298 = tpu.vector_load %arg13[%swap3A] {strides = array<i32>} : memref<512xf32, #tpu.memory_space<vmem>>, vector<16xf32>,
      tpu.vector_store %arg13[%swap3A], %add3A_293 {strides = array<i32>} : memref<512xf32, #tpu.memory_space<vmem>>, vector<16xf32>,
      %scan3A_299 = arith.constant 0 : i32
      scf.yield %scan3A_299 : i32
    }
    %scan3A_116 = arith.constant 4 : i32
    %dma_start3A_117 = arith.constant 4 : i32
    %dma_start3A_118 = arith.constant 0 : i32
    %dma_start3A_119 = tpu.memref_slice %arg7[%dma_start3A_117, %dma_start3A_118] : memref<8x64xi32, #tpu.memory_space<vmem>> -> memref<1x64xi32, #tpu.memory_space<vmem>>
    %dma_start3A_120 = tpu.memref_squeeze %dma_start3A_119 : memref<1x64xi32, #tpu.memory_space<vmem>> -> memref<64xi32, #tpu.memory_space<vmem>>
    %dma_start3A_121 = arith.constant 0 : i32
    %dma_start3A_122 = arith.constant 0 : i32
    %dma_start3A_123 = tpu.memref_slice %arg4[%dma_start3A_121, %dma_start3A_122] : memref<100000x128xf32, #tpu.memory_space<hbm>> -> memref<100000x128xf32, #tpu.memory_space<hbm>>
    tpu.enqueue_indirect_dma source(%dma_start3A_123 : memref<100000x128xf32, #tpu.memory_space<hbm>>) target(%arg9 : memref<64x128xf32, #tpu.memory_space<vmem>>) offsets(%dma_start3A_120 : memref<64xi32, #tpu.memory_space<vmem>>) semaphore(%arg14 : memref<!tpu.dma_semaphore, #tpu.memory_space<semaphore_mem>>)
    %dma_start3A_124 = arith.constant 4 : i32
    %dma_start3A_125 = arith.constant 0 : i32
    %dma_start3A_126 = tpu.memref_slice %arg8[%dma_start3A_124, %dma_start3A_125] : memref<8x64xi32, #tpu.memory_space<vmem>> -> memref<1x64xi32, #tpu.memory_space<vmem>>
    %dma_start3A_127 = tpu.memref_squeeze %dma_start3A_126 : memref<1x64xi32, #tpu.memory_space<vmem>> -> memref<64xi32, #tpu.memory_space<vmem>>
    %dma_start3A_128 = arith.constant 0 : i32
    %dma_start3A_129 = arith.constant 0 : i32
    %dma_start3A_130 = tpu.memref_slice %arg5[%dma_start3A_128, %dma_start3A_129] : memref<100000x128xf32, #tpu.memory_space<hbm>> -> memref<100000x128xf32, #tpu.memory_space<hbm>>
    tpu.enqueue_indirect_dma source(%dma_start3A_130 : memref<100000x128xf32, #tpu.memory_space<hbm>>) target(%arg11 : memref<64x128xf32, #tpu.memory_space<vmem>>) offsets(%dma_start3A_127 : memref<64xi32, #tpu.memory_space<vmem>>) semaphore(%arg16 : memref<!tpu.dma_semaphore, #tpu.memory_space<semaphore_mem>>)
    %dma_wait3A_131 = arith.constant 3 : i32
    %dma_wait3A_132 = arith.constant 0 : i32
    %dma_wait3A_133 = tpu.memref_slice %arg7[%dma_wait3A_131, %dma_wait3A_132] : memref<8x64xi32, #tpu.memory_space<vmem>> -> memref<1x64xi32, #tpu.memory_space<vmem>>
    %dma_wait3A_134 = tpu.memref_squeeze %dma_wait3A_133 : memref<1x64xi32, #tpu.memory_space<vmem>> -> memref<64xi32, #tpu.memory_space<vmem>>
    %dma_wait3A_135 = arith.constant 0 : i32
    %dma_wait3A_136 = arith.constant 0 : i32
    %dma_wait3A_137 = tpu.memref_slice %arg4[%dma_wait3A_135, %dma_wait3A_136] : memref<100000x128xf32, #tpu.memory_space<hbm>> -> memref<100000x128xf32, #tpu.memory_space<hbm>>
    tpu.wait_indirect_dma semaphore(%arg15 : memref<!tpu.dma_semaphore, #tpu.memory_space<semaphore_mem>>) src(%dma_wait3A_137 : memref<100000x128xf32, #tpu.memory_space<hbm>>) dst(%arg10 : memref<64x128xf32, #tpu.memory_space<vmem>>)
    %dma_wait3A_138 = arith.constant 3 : i32
    %dma_wait3A_139 = arith.constant 0 : i32
    %dma_wait3A_140 = tpu.memref_slice %arg8[%dma_wait3A_138, %dma_wait3A_139] : memref<8x64xi32, #tpu.memory_space<vmem>> -> memref<1x64xi32, #tpu.memory_space<vmem>>
    %dma_wait3A_141 = tpu.memref_squeeze %dma_wait3A_140 : memref<1x64xi32, #tpu.memory_space<vmem>> -> memref<64xi32, #tpu.memory_space<vmem>>
    %dma_wait3A_142 = arith.constant 0 : i32
    %dma_wait3A_143 = arith.constant 0 : i32
    %dma_wait3A_144 = tpu.memref_slice %arg5[%dma_wait3A_142, %dma_wait3A_143] : memref<100000x128xf32, #tpu.memory_space<hbm>> -> memref<100000x128xf32, #tpu.memory_space<hbm>>
    tpu.wait_indirect_dma semaphore(%arg17 : memref<!tpu.dma_semaphore, #tpu.memory_space<semaphore_mem>>) src(%dma_wait3A_144 : memref<100000x128xf32, #tpu.memory_space<hbm>>) dst(%arg12 : memref<64x128xf32, #tpu.memory_space<vmem>>)
    %scan3A_145 = arith.constant 0 : i32
    %scan3A_146 = arith.constant 0 : i32
    %scan3A_147 = arith.constant 4 : i32
    %scan3A_148 = arith.addi %scan3A_146, %scan3A_147 : i32
    %scan3A_149 = arith.constant 1 : i32
    %scan3A_150 = scf.for %scan3A_278 = %scan3A_146 to %scan3A_148 step %scan3A_149 iter_args(%scan3A_279 = %scan3A_145) -> (i32)  : i32 {
      %mul3A_280 = arith.constant 16 : i32
      %mul3A_281 = arith.muli %scan3A_278, %mul3A_280 : i32
      %iota3A = tpu.iota {dimensions = array<i32: 0>} : vector<16xi32>
      %add3A_282 = vector.broadcast %mul3A_281 : i32 to vector<16xi32>
      %add3A_283 = arith.addi %add3A_282, %iota3A : vector<16xi32>
      %broadcast_in_dim3A = arith.constant 0.000000e+00 : f32
      %broadcast_in_dim3A_284 = vector.broadcast %broadcast_in_dim3A : f32 to vector<16xf32>
      %scan3A_285 = arith.constant 0 : i32
      %scan3A_286 = arith.constant 16 : i32
      %scan3A_287 = arith.addi %scan3A_285, %scan3A_286 : i32
      %scan3A_288 = arith.constant 1 : i32
      %scan3A_289:4 = scf.for %scan3A_300 = %scan3A_285 to %scan3A_287 step %scan3A_288 iter_args(%scan3A_301 = %broadcast_in_dim3A_284, %scan3A_302 = %broadcast_in_dim3A_284, %scan3A_303 = %broadcast_in_dim3A_284, %scan3A_304 = %broadcast_in_dim3A_284) -> (vector<16xf32>, vector<16xf32>, vector<16xf32>, vector<16xf32>)  : i32 {
        %mul3A_305 = arith.constant 8 : i32
        %mul3A_306 = arith.muli %scan3A_300, %mul3A_305 : i32
        %add3A_307 = arith.constant 0 : i32
        %add3A_308 = arith.addi %mul3A_306, %add3A_307 : i32
        %broadcast_in_dim3A_309 = vector.broadcast %add3A_308 : i32 to vector<16xi32>
        %gather3A = tpu.vector_load_idx %arg10[%add3A_283, %broadcast_in_dim3A_309] : memref<64x128xf32, #tpu.memory_space<vmem>>[vector<16xi32>, vector<16xi32>], vector<16xf32>,
        %gather3A_310 = tpu.vector_load_idx %arg12[%add3A_283, %broadcast_in_dim3A_309] : memref<64x128xf32, #tpu.memory_space<vmem>>[vector<16xi32>, vector<16xi32>], vector<16xf32>,
        %mul3A_311 = arith.mulf %gather3A, %gather3A_310 : vector<16xf32>
        %add3A_312 = arith.addf %scan3A_301, %mul3A_311 : vector<16xf32>
        %add3A_313 = arith.constant 1 : i32
        %add3A_314 = arith.addi %mul3A_306, %add3A_313 : i32
        %broadcast_in_dim3A_315 = vector.broadcast %add3A_314 : i32 to vector<16xi32>
        %gather3A_316 = tpu.vector_load_idx %arg10[%add3A_283, %broadcast_in_dim3A_315] : memref<64x128xf32, #tpu.memory_space<vmem>>[vector<16xi32>, vector<16xi32>], vector<16xf32>,
        %gather3A_317 = tpu.vector_load_idx %arg12[%add3A_283, %broadcast_in_dim3A_315] : memref<64x128xf32, #tpu.memory_space<vmem>>[vector<16xi32>, vector<16xi32>], vector<16xf32>,
        %mul3A_318 = arith.mulf %gather3A_316, %gather3A_317 : vector<16xf32>
        %add3A_319 = arith.addf %scan3A_302, %mul3A_318 : vector<16xf32>
        %add3A_320 = arith.constant 2 : i32
        %add3A_321 = arith.addi %mul3A_306, %add3A_320 : i32
        %broadcast_in_dim3A_322 = vector.broadcast %add3A_321 : i32 to vector<16xi32>
        %gather3A_323 = tpu.vector_load_idx %arg10[%add3A_283, %broadcast_in_dim3A_322] : memref<64x128xf32, #tpu.memory_space<vmem>>[vector<16xi32>, vector<16xi32>], vector<16xf32>,
        %gather3A_324 = tpu.vector_load_idx %arg12[%add3A_283, %broadcast_in_dim3A_322] : memref<64x128xf32, #tpu.memory_space<vmem>>[vector<16xi32>, vector<16xi32>], vector<16xf32>,
        %mul3A_325 = arith.mulf %gather3A_323, %gather3A_324 : vector<16xf32>
        %add3A_326 = arith.addf %scan3A_303, %mul3A_325 : vector<16xf32>
        %add3A_327 = arith.constant 3 : i32
        %add3A_328 = arith.addi %mul3A_306, %add3A_327 : i32
        %broadcast_in_dim3A_329 = vector.broadcast %add3A_328 : i32 to vector<16xi32>
        %gather3A_330 = tpu.vector_load_idx %arg10[%add3A_283, %broadcast_in_dim3A_329] : memref<64x128xf32, #tpu.memory_space<vmem>>[vector<16xi32>, vector<16xi32>], vector<16xf32>,
        %gather3A_331 = tpu.vector_load_idx %arg12[%add3A_283, %broadcast_in_dim3A_329] : memref<64x128xf32, #tpu.memory_space<vmem>>[vector<16xi32>, vector<16xi32>], vector<16xf32>,
        %mul3A_332 = arith.mulf %gather3A_330, %gather3A_331 : vector<16xf32>
        %add3A_333 = arith.addf %scan3A_304, %mul3A_332 : vector<16xf32>
        %add3A_334 = arith.constant 4 : i32
        %add3A_335 = arith.addi %mul3A_306, %add3A_334 : i32
        %broadcast_in_dim3A_336 = vector.broadcast %add3A_335 : i32 to vector<16xi32>
        %gather3A_337 = tpu.vector_load_idx %arg10[%add3A_283, %broadcast_in_dim3A_336] : memref<64x128xf32, #tpu.memory_space<vmem>>[vector<16xi32>, vector<16xi32>], vector<16xf32>,
        %gather3A_338 = tpu.vector_load_idx %arg12[%add3A_283, %broadcast_in_dim3A_336] : memref<64x128xf32, #tpu.memory_space<vmem>>[vector<16xi32>, vector<16xi32>], vector<16xf32>,
        %mul3A_339 = arith.mulf %gather3A_337, %gather3A_338 : vector<16xf32>
        %add3A_340 = arith.addf %add3A_312, %mul3A_339 : vector<16xf32>
        %add3A_341 = arith.constant 5 : i32
        %add3A_342 = arith.addi %mul3A_306, %add3A_341 : i32
        %broadcast_in_dim3A_343 = vector.broadcast %add3A_342 : i32 to vector<16xi32>
        %gather3A_344 = tpu.vector_load_idx %arg10[%add3A_283, %broadcast_in_dim3A_343] : memref<64x128xf32, #tpu.memory_space<vmem>>[vector<16xi32>, vector<16xi32>], vector<16xf32>,
        %gather3A_345 = tpu.vector_load_idx %arg12[%add3A_283, %broadcast_in_dim3A_343] : memref<64x128xf32, #tpu.memory_space<vmem>>[vector<16xi32>, vector<16xi32>], vector<16xf32>,
        %mul3A_346 = arith.mulf %gather3A_344, %gather3A_345 : vector<16xf32>
        %add3A_347 = arith.addf %add3A_319, %mul3A_346 : vector<16xf32>
        %add3A_348 = arith.constant 6 : i32
        %add3A_349 = arith.addi %mul3A_306, %add3A_348 : i32
        %broadcast_in_dim3A_350 = vector.broadcast %add3A_349 : i32 to vector<16xi32>
        %gather3A_351 = tpu.vector_load_idx %arg10[%add3A_283, %broadcast_in_dim3A_350] : memref<64x128xf32, #tpu.memory_space<vmem>>[vector<16xi32>, vector<16xi32>], vector<16xf32>,
        %gather3A_352 = tpu.vector_load_idx %arg12[%add3A_283, %broadcast_in_dim3A_350] : memref<64x128xf32, #tpu.memory_space<vmem>>[vector<16xi32>, vector<16xi32>], vector<16xf32>,
        %mul3A_353 = arith.mulf %gather3A_351, %gather3A_352 : vector<16xf32>
        %add3A_354 = arith.addf %add3A_326, %mul3A_353 : vector<16xf32>
        %add3A_355 = arith.constant 7 : i32
        %add3A_356 = arith.addi %mul3A_306, %add3A_355 : i32
        %broadcast_in_dim3A_357 = vector.broadcast %add3A_356 : i32 to vector<16xi32>
        %gather3A_358 = tpu.vector_load_idx %arg10[%add3A_283, %broadcast_in_dim3A_357] : memref<64x128xf32, #tpu.memory_space<vmem>>[vector<16xi32>, vector<16xi32>], vector<16xf32>,
        %gather3A_359 = tpu.vector_load_idx %arg12[%add3A_283, %broadcast_in_dim3A_357] : memref<64x128xf32, #tpu.memory_space<vmem>>[vector<16xi32>, vector<16xi32>], vector<16xf32>,
        %mul3A_360 = arith.mulf %gather3A_358, %gather3A_359 : vector<16xf32>
        %add3A_361 = arith.addf %add3A_333, %mul3A_360 : vector<16xf32>
        scf.yield %add3A_340, %add3A_347, %add3A_354, %add3A_361 : vector<16xf32>, vector<16xf32>, vector<16xf32>, vector<16xf32>
      }
      %scan3A_290 = arith.constant 16 : i32
      %add3A_291 = arith.addf %scan3A_289#0, %scan3A_289#1 : vector<16xf32>
      %add3A_292 = arith.addf %scan3A_289#2, %scan3A_289#3 : vector<16xf32>
      %add3A_293 = arith.addf %add3A_291, %add3A_292 : vector<16xf32>
      %mul3A_294 = arith.constant 16 : i32
      %mul3A_295 = arith.muli %scan3A_278, %mul3A_294 : i32
      %add3A_296 = arith.constant 192 : i32
      %add3A_297 = arith.addi %add3A_296, %mul3A_295 : i32
      %multiple_of3A = tpu.assume_multiple %add3A_297, 16 : i32
      %swap3A = arith.index_cast %multiple_of3A : i32 to index
      %swap3A_298 = tpu.vector_load %arg13[%swap3A] {strides = array<i32>} : memref<512xf32, #tpu.memory_space<vmem>>, vector<16xf32>,
      tpu.vector_store %arg13[%swap3A], %add3A_293 {strides = array<i32>} : memref<512xf32, #tpu.memory_space<vmem>>, vector<16xf32>,
      %scan3A_299 = arith.constant 0 : i32
      scf.yield %scan3A_299 : i32
    }
    %scan3A_151 = arith.constant 4 : i32
    %dma_start3A_152 = arith.constant 5 : i32
    %dma_start3A_153 = arith.constant 0 : i32
    %dma_start3A_154 = tpu.memref_slice %arg7[%dma_start3A_152, %dma_start3A_153] : memref<8x64xi32, #tpu.memory_space<vmem>> -> memref<1x64xi32, #tpu.memory_space<vmem>>
    %dma_start3A_155 = tpu.memref_squeeze %dma_start3A_154 : memref<1x64xi32, #tpu.memory_space<vmem>> -> memref<64xi32, #tpu.memory_space<vmem>>
    %dma_start3A_156 = arith.constant 0 : i32
    %dma_start3A_157 = arith.constant 0 : i32
    %dma_start3A_158 = tpu.memref_slice %arg4[%dma_start3A_156, %dma_start3A_157] : memref<100000x128xf32, #tpu.memory_space<hbm>> -> memref<100000x128xf32, #tpu.memory_space<hbm>>
    tpu.enqueue_indirect_dma source(%dma_start3A_158 : memref<100000x128xf32, #tpu.memory_space<hbm>>) target(%arg10 : memref<64x128xf32, #tpu.memory_space<vmem>>) offsets(%dma_start3A_155 : memref<64xi32, #tpu.memory_space<vmem>>) semaphore(%arg15 : memref<!tpu.dma_semaphore, #tpu.memory_space<semaphore_mem>>)
    %dma_start3A_159 = arith.constant 5 : i32
    %dma_start3A_160 = arith.constant 0 : i32
    %dma_start3A_161 = tpu.memref_slice %arg8[%dma_start3A_159, %dma_start3A_160] : memref<8x64xi32, #tpu.memory_space<vmem>> -> memref<1x64xi32, #tpu.memory_space<vmem>>
    %dma_start3A_162 = tpu.memref_squeeze %dma_start3A_161 : memref<1x64xi32, #tpu.memory_space<vmem>> -> memref<64xi32, #tpu.memory_space<vmem>>
    %dma_start3A_163 = arith.constant 0 : i32
    %dma_start3A_164 = arith.constant 0 : i32
    %dma_start3A_165 = tpu.memref_slice %arg5[%dma_start3A_163, %dma_start3A_164] : memref<100000x128xf32, #tpu.memory_space<hbm>> -> memref<100000x128xf32, #tpu.memory_space<hbm>>
    tpu.enqueue_indirect_dma source(%dma_start3A_165 : memref<100000x128xf32, #tpu.memory_space<hbm>>) target(%arg12 : memref<64x128xf32, #tpu.memory_space<vmem>>) offsets(%dma_start3A_162 : memref<64xi32, #tpu.memory_space<vmem>>) semaphore(%arg17 : memref<!tpu.dma_semaphore, #tpu.memory_space<semaphore_mem>>)
    %dma_wait3A_166 = arith.constant 4 : i32
    %dma_wait3A_167 = arith.constant 0 : i32
    %dma_wait3A_168 = tpu.memref_slice %arg7[%dma_wait3A_166, %dma_wait3A_167] : memref<8x64xi32, #tpu.memory_space<vmem>> -> memref<1x64xi32, #tpu.memory_space<vmem>>
    %dma_wait3A_169 = tpu.memref_squeeze %dma_wait3A_168 : memref<1x64xi32, #tpu.memory_space<vmem>> -> memref<64xi32, #tpu.memory_space<vmem>>
    %dma_wait3A_170 = arith.constant 0 : i32
    %dma_wait3A_171 = arith.constant 0 : i32
    %dma_wait3A_172 = tpu.memref_slice %arg4[%dma_wait3A_170, %dma_wait3A_171] : memref<100000x128xf32, #tpu.memory_space<hbm>> -> memref<100000x128xf32, #tpu.memory_space<hbm>>
    tpu.wait_indirect_dma semaphore(%arg14 : memref<!tpu.dma_semaphore, #tpu.memory_space<semaphore_mem>>) src(%dma_wait3A_172 : memref<100000x128xf32, #tpu.memory_space<hbm>>) dst(%arg9 : memref<64x128xf32, #tpu.memory_space<vmem>>)
    %dma_wait3A_173 = arith.constant 4 : i32
    %dma_wait3A_174 = arith.constant 0 : i32
    %dma_wait3A_175 = tpu.memref_slice %arg8[%dma_wait3A_173, %dma_wait3A_174] : memref<8x64xi32, #tpu.memory_space<vmem>> -> memref<1x64xi32, #tpu.memory_space<vmem>>
    %dma_wait3A_176 = tpu.memref_squeeze %dma_wait3A_175 : memref<1x64xi32, #tpu.memory_space<vmem>> -> memref<64xi32, #tpu.memory_space<vmem>>
    %dma_wait3A_177 = arith.constant 0 : i32
    %dma_wait3A_178 = arith.constant 0 : i32
    %dma_wait3A_179 = tpu.memref_slice %arg5[%dma_wait3A_177, %dma_wait3A_178] : memref<100000x128xf32, #tpu.memory_space<hbm>> -> memref<100000x128xf32, #tpu.memory_space<hbm>>
    tpu.wait_indirect_dma semaphore(%arg16 : memref<!tpu.dma_semaphore, #tpu.memory_space<semaphore_mem>>) src(%dma_wait3A_179 : memref<100000x128xf32, #tpu.memory_space<hbm>>) dst(%arg11 : memref<64x128xf32, #tpu.memory_space<vmem>>)
    %scan3A_180 = arith.constant 0 : i32
    %scan3A_181 = arith.constant 0 : i32
    %scan3A_182 = arith.constant 4 : i32
    %scan3A_183 = arith.addi %scan3A_181, %scan3A_182 : i32
    %scan3A_184 = arith.constant 1 : i32
    %scan3A_185 = scf.for %scan3A_278 = %scan3A_181 to %scan3A_183 step %scan3A_184 iter_args(%scan3A_279 = %scan3A_180) -> (i32)  : i32 {
      %mul3A_280 = arith.constant 16 : i32
      %mul3A_281 = arith.muli %scan3A_278, %mul3A_280 : i32
      %iota3A = tpu.iota {dimensions = array<i32: 0>} : vector<16xi32>
      %add3A_282 = vector.broadcast %mul3A_281 : i32 to vector<16xi32>
      %add3A_283 = arith.addi %add3A_282, %iota3A : vector<16xi32>
      %broadcast_in_dim3A = arith.constant 0.000000e+00 : f32
      %broadcast_in_dim3A_284 = vector.broadcast %broadcast_in_dim3A : f32 to vector<16xf32>
      %scan3A_285 = arith.constant 0 : i32
      %scan3A_286 = arith.constant 16 : i32
      %scan3A_287 = arith.addi %scan3A_285, %scan3A_286 : i32
      %scan3A_288 = arith.constant 1 : i32
      %scan3A_289:4 = scf.for %scan3A_300 = %scan3A_285 to %scan3A_287 step %scan3A_288 iter_args(%scan3A_301 = %broadcast_in_dim3A_284, %scan3A_302 = %broadcast_in_dim3A_284, %scan3A_303 = %broadcast_in_dim3A_284, %scan3A_304 = %broadcast_in_dim3A_284) -> (vector<16xf32>, vector<16xf32>, vector<16xf32>, vector<16xf32>)  : i32 {
        %mul3A_305 = arith.constant 8 : i32
        %mul3A_306 = arith.muli %scan3A_300, %mul3A_305 : i32
        %add3A_307 = arith.constant 0 : i32
        %add3A_308 = arith.addi %mul3A_306, %add3A_307 : i32
        %broadcast_in_dim3A_309 = vector.broadcast %add3A_308 : i32 to vector<16xi32>
        %gather3A = tpu.vector_load_idx %arg9[%add3A_283, %broadcast_in_dim3A_309] : memref<64x128xf32, #tpu.memory_space<vmem>>[vector<16xi32>, vector<16xi32>], vector<16xf32>,
        %gather3A_310 = tpu.vector_load_idx %arg11[%add3A_283, %broadcast_in_dim3A_309] : memref<64x128xf32, #tpu.memory_space<vmem>>[vector<16xi32>, vector<16xi32>], vector<16xf32>,
        %mul3A_311 = arith.mulf %gather3A, %gather3A_310 : vector<16xf32>
        %add3A_312 = arith.addf %scan3A_301, %mul3A_311 : vector<16xf32>
        %add3A_313 = arith.constant 1 : i32
        %add3A_314 = arith.addi %mul3A_306, %add3A_313 : i32
        %broadcast_in_dim3A_315 = vector.broadcast %add3A_314 : i32 to vector<16xi32>
        %gather3A_316 = tpu.vector_load_idx %arg9[%add3A_283, %broadcast_in_dim3A_315] : memref<64x128xf32, #tpu.memory_space<vmem>>[vector<16xi32>, vector<16xi32>], vector<16xf32>,
        %gather3A_317 = tpu.vector_load_idx %arg11[%add3A_283, %broadcast_in_dim3A_315] : memref<64x128xf32, #tpu.memory_space<vmem>>[vector<16xi32>, vector<16xi32>], vector<16xf32>,
        %mul3A_318 = arith.mulf %gather3A_316, %gather3A_317 : vector<16xf32>
        %add3A_319 = arith.addf %scan3A_302, %mul3A_318 : vector<16xf32>
        %add3A_320 = arith.constant 2 : i32
        %add3A_321 = arith.addi %mul3A_306, %add3A_320 : i32
        %broadcast_in_dim3A_322 = vector.broadcast %add3A_321 : i32 to vector<16xi32>
        %gather3A_323 = tpu.vector_load_idx %arg9[%add3A_283, %broadcast_in_dim3A_322] : memref<64x128xf32, #tpu.memory_space<vmem>>[vector<16xi32>, vector<16xi32>], vector<16xf32>,
        %gather3A_324 = tpu.vector_load_idx %arg11[%add3A_283, %broadcast_in_dim3A_322] : memref<64x128xf32, #tpu.memory_space<vmem>>[vector<16xi32>, vector<16xi32>], vector<16xf32>,
        %mul3A_325 = arith.mulf %gather3A_323, %gather3A_324 : vector<16xf32>
        %add3A_326 = arith.addf %scan3A_303, %mul3A_325 : vector<16xf32>
        %add3A_327 = arith.constant 3 : i32
        %add3A_328 = arith.addi %mul3A_306, %add3A_327 : i32
        %broadcast_in_dim3A_329 = vector.broadcast %add3A_328 : i32 to vector<16xi32>
        %gather3A_330 = tpu.vector_load_idx %arg9[%add3A_283, %broadcast_in_dim3A_329] : memref<64x128xf32, #tpu.memory_space<vmem>>[vector<16xi32>, vector<16xi32>], vector<16xf32>,
        %gather3A_331 = tpu.vector_load_idx %arg11[%add3A_283, %broadcast_in_dim3A_329] : memref<64x128xf32, #tpu.memory_space<vmem>>[vector<16xi32>, vector<16xi32>], vector<16xf32>,
        %mul3A_332 = arith.mulf %gather3A_330, %gather3A_331 : vector<16xf32>
        %add3A_333 = arith.addf %scan3A_304, %mul3A_332 : vector<16xf32>
        %add3A_334 = arith.constant 4 : i32
        %add3A_335 = arith.addi %mul3A_306, %add3A_334 : i32
        %broadcast_in_dim3A_336 = vector.broadcast %add3A_335 : i32 to vector<16xi32>
        %gather3A_337 = tpu.vector_load_idx %arg9[%add3A_283, %broadcast_in_dim3A_336] : memref<64x128xf32, #tpu.memory_space<vmem>>[vector<16xi32>, vector<16xi32>], vector<16xf32>,
        %gather3A_338 = tpu.vector_load_idx %arg11[%add3A_283, %broadcast_in_dim3A_336] : memref<64x128xf32, #tpu.memory_space<vmem>>[vector<16xi32>, vector<16xi32>], vector<16xf32>,
        %mul3A_339 = arith.mulf %gather3A_337, %gather3A_338 : vector<16xf32>
        %add3A_340 = arith.addf %add3A_312, %mul3A_339 : vector<16xf32>
        %add3A_341 = arith.constant 5 : i32
        %add3A_342 = arith.addi %mul3A_306, %add3A_341 : i32
        %broadcast_in_dim3A_343 = vector.broadcast %add3A_342 : i32 to vector<16xi32>
        %gather3A_344 = tpu.vector_load_idx %arg9[%add3A_283, %broadcast_in_dim3A_343] : memref<64x128xf32, #tpu.memory_space<vmem>>[vector<16xi32>, vector<16xi32>], vector<16xf32>,
        %gather3A_345 = tpu.vector_load_idx %arg11[%add3A_283, %broadcast_in_dim3A_343] : memref<64x128xf32, #tpu.memory_space<vmem>>[vector<16xi32>, vector<16xi32>], vector<16xf32>,
        %mul3A_346 = arith.mulf %gather3A_344, %gather3A_345 : vector<16xf32>
        %add3A_347 = arith.addf %add3A_319, %mul3A_346 : vector<16xf32>
        %add3A_348 = arith.constant 6 : i32
        %add3A_349 = arith.addi %mul3A_306, %add3A_348 : i32
        %broadcast_in_dim3A_350 = vector.broadcast %add3A_349 : i32 to vector<16xi32>
        %gather3A_351 = tpu.vector_load_idx %arg9[%add3A_283, %broadcast_in_dim3A_350] : memref<64x128xf32, #tpu.memory_space<vmem>>[vector<16xi32>, vector<16xi32>], vector<16xf32>,
        %gather3A_352 = tpu.vector_load_idx %arg11[%add3A_283, %broadcast_in_dim3A_350] : memref<64x128xf32, #tpu.memory_space<vmem>>[vector<16xi32>, vector<16xi32>], vector<16xf32>,
        %mul3A_353 = arith.mulf %gather3A_351, %gather3A_352 : vector<16xf32>
        %add3A_354 = arith.addf %add3A_326, %mul3A_353 : vector<16xf32>
        %add3A_355 = arith.constant 7 : i32
        %add3A_356 = arith.addi %mul3A_306, %add3A_355 : i32
        %broadcast_in_dim3A_357 = vector.broadcast %add3A_356 : i32 to vector<16xi32>
        %gather3A_358 = tpu.vector_load_idx %arg9[%add3A_283, %broadcast_in_dim3A_357] : memref<64x128xf32, #tpu.memory_space<vmem>>[vector<16xi32>, vector<16xi32>], vector<16xf32>,
        %gather3A_359 = tpu.vector_load_idx %arg11[%add3A_283, %broadcast_in_dim3A_357] : memref<64x128xf32, #tpu.memory_space<vmem>>[vector<16xi32>, vector<16xi32>], vector<16xf32>,
        %mul3A_360 = arith.mulf %gather3A_358, %gather3A_359 : vector<16xf32>
        %add3A_361 = arith.addf %add3A_333, %mul3A_360 : vector<16xf32>
        scf.yield %add3A_340, %add3A_347, %add3A_354, %add3A_361 : vector<16xf32>, vector<16xf32>, vector<16xf32>, vector<16xf32>
      }
      %scan3A_290 = arith.constant 16 : i32
      %add3A_291 = arith.addf %scan3A_289#0, %scan3A_289#1 : vector<16xf32>
      %add3A_292 = arith.addf %scan3A_289#2, %scan3A_289#3 : vector<16xf32>
      %add3A_293 = arith.addf %add3A_291, %add3A_292 : vector<16xf32>
      %mul3A_294 = arith.constant 16 : i32
      %mul3A_295 = arith.muli %scan3A_278, %mul3A_294 : i32
      %add3A_296 = arith.constant 256 : i32
      %add3A_297 = arith.addi %add3A_296, %mul3A_295 : i32
      %multiple_of3A = tpu.assume_multiple %add3A_297, 16 : i32
      %swap3A = arith.index_cast %multiple_of3A : i32 to index
      %swap3A_298 = tpu.vector_load %arg13[%swap3A] {strides = array<i32>} : memref<512xf32, #tpu.memory_space<vmem>>, vector<16xf32>,
      tpu.vector_store %arg13[%swap3A], %add3A_293 {strides = array<i32>} : memref<512xf32, #tpu.memory_space<vmem>>, vector<16xf32>,
      %scan3A_299 = arith.constant 0 : i32
      scf.yield %scan3A_299 : i32
    }
    %scan3A_186 = arith.constant 4 : i32
    %dma_start3A_187 = arith.constant 6 : i32
    %dma_start3A_188 = arith.constant 0 : i32
    %dma_start3A_189 = tpu.memref_slice %arg7[%dma_start3A_187, %dma_start3A_188] : memref<8x64xi32, #tpu.memory_space<vmem>> -> memref<1x64xi32, #tpu.memory_space<vmem>>
    %dma_start3A_190 = tpu.memref_squeeze %dma_start3A_189 : memref<1x64xi32, #tpu.memory_space<vmem>> -> memref<64xi32, #tpu.memory_space<vmem>>
    %dma_start3A_191 = arith.constant 0 : i32
    %dma_start3A_192 = arith.constant 0 : i32
    %dma_start3A_193 = tpu.memref_slice %arg4[%dma_start3A_191, %dma_start3A_192] : memref<100000x128xf32, #tpu.memory_space<hbm>> -> memref<100000x128xf32, #tpu.memory_space<hbm>>
    tpu.enqueue_indirect_dma source(%dma_start3A_193 : memref<100000x128xf32, #tpu.memory_space<hbm>>) target(%arg9 : memref<64x128xf32, #tpu.memory_space<vmem>>) offsets(%dma_start3A_190 : memref<64xi32, #tpu.memory_space<vmem>>) semaphore(%arg14 : memref<!tpu.dma_semaphore, #tpu.memory_space<semaphore_mem>>)
    %dma_start3A_194 = arith.constant 6 : i32
    %dma_start3A_195 = arith.constant 0 : i32
    %dma_start3A_196 = tpu.memref_slice %arg8[%dma_start3A_194, %dma_start3A_195] : memref<8x64xi32, #tpu.memory_space<vmem>> -> memref<1x64xi32, #tpu.memory_space<vmem>>
    %dma_start3A_197 = tpu.memref_squeeze %dma_start3A_196 : memref<1x64xi32, #tpu.memory_space<vmem>> -> memref<64xi32, #tpu.memory_space<vmem>>
    %dma_start3A_198 = arith.constant 0 : i32
    %dma_start3A_199 = arith.constant 0 : i32
    %dma_start3A_200 = tpu.memref_slice %arg5[%dma_start3A_198, %dma_start3A_199] : memref<100000x128xf32, #tpu.memory_space<hbm>> -> memref<100000x128xf32, #tpu.memory_space<hbm>>
    tpu.enqueue_indirect_dma source(%dma_start3A_200 : memref<100000x128xf32, #tpu.memory_space<hbm>>) target(%arg11 : memref<64x128xf32, #tpu.memory_space<vmem>>) offsets(%dma_start3A_197 : memref<64xi32, #tpu.memory_space<vmem>>) semaphore(%arg16 : memref<!tpu.dma_semaphore, #tpu.memory_space<semaphore_mem>>)
    %dma_wait3A_201 = arith.constant 5 : i32
    %dma_wait3A_202 = arith.constant 0 : i32
    %dma_wait3A_203 = tpu.memref_slice %arg7[%dma_wait3A_201, %dma_wait3A_202] : memref<8x64xi32, #tpu.memory_space<vmem>> -> memref<1x64xi32, #tpu.memory_space<vmem>>
    %dma_wait3A_204 = tpu.memref_squeeze %dma_wait3A_203 : memref<1x64xi32, #tpu.memory_space<vmem>> -> memref<64xi32, #tpu.memory_space<vmem>>
    %dma_wait3A_205 = arith.constant 0 : i32
    %dma_wait3A_206 = arith.constant 0 : i32
    %dma_wait3A_207 = tpu.memref_slice %arg4[%dma_wait3A_205, %dma_wait3A_206] : memref<100000x128xf32, #tpu.memory_space<hbm>> -> memref<100000x128xf32, #tpu.memory_space<hbm>>
    tpu.wait_indirect_dma semaphore(%arg15 : memref<!tpu.dma_semaphore, #tpu.memory_space<semaphore_mem>>) src(%dma_wait3A_207 : memref<100000x128xf32, #tpu.memory_space<hbm>>) dst(%arg10 : memref<64x128xf32, #tpu.memory_space<vmem>>)
    %dma_wait3A_208 = arith.constant 5 : i32
    %dma_wait3A_209 = arith.constant 0 : i32
    %dma_wait3A_210 = tpu.memref_slice %arg8[%dma_wait3A_208, %dma_wait3A_209] : memref<8x64xi32, #tpu.memory_space<vmem>> -> memref<1x64xi32, #tpu.memory_space<vmem>>
    %dma_wait3A_211 = tpu.memref_squeeze %dma_wait3A_210 : memref<1x64xi32, #tpu.memory_space<vmem>> -> memref<64xi32, #tpu.memory_space<vmem>>
    %dma_wait3A_212 = arith.constant 0 : i32
    %dma_wait3A_213 = arith.constant 0 : i32
    %dma_wait3A_214 = tpu.memref_slice %arg5[%dma_wait3A_212, %dma_wait3A_213] : memref<100000x128xf32, #tpu.memory_space<hbm>> -> memref<100000x128xf32, #tpu.memory_space<hbm>>
    tpu.wait_indirect_dma semaphore(%arg17 : memref<!tpu.dma_semaphore, #tpu.memory_space<semaphore_mem>>) src(%dma_wait3A_214 : memref<100000x128xf32, #tpu.memory_space<hbm>>) dst(%arg12 : memref<64x128xf32, #tpu.memory_space<vmem>>)
    %scan3A_215 = arith.constant 0 : i32
    %scan3A_216 = arith.constant 0 : i32
    %scan3A_217 = arith.constant 4 : i32
    %scan3A_218 = arith.addi %scan3A_216, %scan3A_217 : i32
    %scan3A_219 = arith.constant 1 : i32
    %scan3A_220 = scf.for %scan3A_278 = %scan3A_216 to %scan3A_218 step %scan3A_219 iter_args(%scan3A_279 = %scan3A_215) -> (i32)  : i32 {
      %mul3A_280 = arith.constant 16 : i32
      %mul3A_281 = arith.muli %scan3A_278, %mul3A_280 : i32
      %iota3A = tpu.iota {dimensions = array<i32: 0>} : vector<16xi32>
      %add3A_282 = vector.broadcast %mul3A_281 : i32 to vector<16xi32>
      %add3A_283 = arith.addi %add3A_282, %iota3A : vector<16xi32>
      %broadcast_in_dim3A = arith.constant 0.000000e+00 : f32
      %broadcast_in_dim3A_284 = vector.broadcast %broadcast_in_dim3A : f32 to vector<16xf32>
      %scan3A_285 = arith.constant 0 : i32
      %scan3A_286 = arith.constant 16 : i32
      %scan3A_287 = arith.addi %scan3A_285, %scan3A_286 : i32
      %scan3A_288 = arith.constant 1 : i32
      %scan3A_289:4 = scf.for %scan3A_300 = %scan3A_285 to %scan3A_287 step %scan3A_288 iter_args(%scan3A_301 = %broadcast_in_dim3A_284, %scan3A_302 = %broadcast_in_dim3A_284, %scan3A_303 = %broadcast_in_dim3A_284, %scan3A_304 = %broadcast_in_dim3A_284) -> (vector<16xf32>, vector<16xf32>, vector<16xf32>, vector<16xf32>)  : i32 {
        %mul3A_305 = arith.constant 8 : i32
        %mul3A_306 = arith.muli %scan3A_300, %mul3A_305 : i32
        %add3A_307 = arith.constant 0 : i32
        %add3A_308 = arith.addi %mul3A_306, %add3A_307 : i32
        %broadcast_in_dim3A_309 = vector.broadcast %add3A_308 : i32 to vector<16xi32>
        %gather3A = tpu.vector_load_idx %arg10[%add3A_283, %broadcast_in_dim3A_309] : memref<64x128xf32, #tpu.memory_space<vmem>>[vector<16xi32>, vector<16xi32>], vector<16xf32>,
        %gather3A_310 = tpu.vector_load_idx %arg12[%add3A_283, %broadcast_in_dim3A_309] : memref<64x128xf32, #tpu.memory_space<vmem>>[vector<16xi32>, vector<16xi32>], vector<16xf32>,
        %mul3A_311 = arith.mulf %gather3A, %gather3A_310 : vector<16xf32>
        %add3A_312 = arith.addf %scan3A_301, %mul3A_311 : vector<16xf32>
        %add3A_313 = arith.constant 1 : i32
        %add3A_314 = arith.addi %mul3A_306, %add3A_313 : i32
        %broadcast_in_dim3A_315 = vector.broadcast %add3A_314 : i32 to vector<16xi32>
        %gather3A_316 = tpu.vector_load_idx %arg10[%add3A_283, %broadcast_in_dim3A_315] : memref<64x128xf32, #tpu.memory_space<vmem>>[vector<16xi32>, vector<16xi32>], vector<16xf32>,
        %gather3A_317 = tpu.vector_load_idx %arg12[%add3A_283, %broadcast_in_dim3A_315] : memref<64x128xf32, #tpu.memory_space<vmem>>[vector<16xi32>, vector<16xi32>], vector<16xf32>,
        %mul3A_318 = arith.mulf %gather3A_316, %gather3A_317 : vector<16xf32>
        %add3A_319 = arith.addf %scan3A_302, %mul3A_318 : vector<16xf32>
        %add3A_320 = arith.constant 2 : i32
        %add3A_321 = arith.addi %mul3A_306, %add3A_320 : i32
        %broadcast_in_dim3A_322 = vector.broadcast %add3A_321 : i32 to vector<16xi32>
        %gather3A_323 = tpu.vector_load_idx %arg10[%add3A_283, %broadcast_in_dim3A_322] : memref<64x128xf32, #tpu.memory_space<vmem>>[vector<16xi32>, vector<16xi32>], vector<16xf32>,
        %gather3A_324 = tpu.vector_load_idx %arg12[%add3A_283, %broadcast_in_dim3A_322] : memref<64x128xf32, #tpu.memory_space<vmem>>[vector<16xi32>, vector<16xi32>], vector<16xf32>,
        %mul3A_325 = arith.mulf %gather3A_323, %gather3A_324 : vector<16xf32>
        %add3A_326 = arith.addf %scan3A_303, %mul3A_325 : vector<16xf32>
        %add3A_327 = arith.constant 3 : i32
        %add3A_328 = arith.addi %mul3A_306, %add3A_327 : i32
        %broadcast_in_dim3A_329 = vector.broadcast %add3A_328 : i32 to vector<16xi32>
        %gather3A_330 = tpu.vector_load_idx %arg10[%add3A_283, %broadcast_in_dim3A_329] : memref<64x128xf32, #tpu.memory_space<vmem>>[vector<16xi32>, vector<16xi32>], vector<16xf32>,
        %gather3A_331 = tpu.vector_load_idx %arg12[%add3A_283, %broadcast_in_dim3A_329] : memref<64x128xf32, #tpu.memory_space<vmem>>[vector<16xi32>, vector<16xi32>], vector<16xf32>,
        %mul3A_332 = arith.mulf %gather3A_330, %gather3A_331 : vector<16xf32>
        %add3A_333 = arith.addf %scan3A_304, %mul3A_332 : vector<16xf32>
        %add3A_334 = arith.constant 4 : i32
        %add3A_335 = arith.addi %mul3A_306, %add3A_334 : i32
        %broadcast_in_dim3A_336 = vector.broadcast %add3A_335 : i32 to vector<16xi32>
        %gather3A_337 = tpu.vector_load_idx %arg10[%add3A_283, %broadcast_in_dim3A_336] : memref<64x128xf32, #tpu.memory_space<vmem>>[vector<16xi32>, vector<16xi32>], vector<16xf32>,
        %gather3A_338 = tpu.vector_load_idx %arg12[%add3A_283, %broadcast_in_dim3A_336] : memref<64x128xf32, #tpu.memory_space<vmem>>[vector<16xi32>, vector<16xi32>], vector<16xf32>,
        %mul3A_339 = arith.mulf %gather3A_337, %gather3A_338 : vector<16xf32>
        %add3A_340 = arith.addf %add3A_312, %mul3A_339 : vector<16xf32>
        %add3A_341 = arith.constant 5 : i32
        %add3A_342 = arith.addi %mul3A_306, %add3A_341 : i32
        %broadcast_in_dim3A_343 = vector.broadcast %add3A_342 : i32 to vector<16xi32>
        %gather3A_344 = tpu.vector_load_idx %arg10[%add3A_283, %broadcast_in_dim3A_343] : memref<64x128xf32, #tpu.memory_space<vmem>>[vector<16xi32>, vector<16xi32>], vector<16xf32>,
        %gather3A_345 = tpu.vector_load_idx %arg12[%add3A_283, %broadcast_in_dim3A_343] : memref<64x128xf32, #tpu.memory_space<vmem>>[vector<16xi32>, vector<16xi32>], vector<16xf32>,
        %mul3A_346 = arith.mulf %gather3A_344, %gather3A_345 : vector<16xf32>
        %add3A_347 = arith.addf %add3A_319, %mul3A_346 : vector<16xf32>
        %add3A_348 = arith.constant 6 : i32
        %add3A_349 = arith.addi %mul3A_306, %add3A_348 : i32
        %broadcast_in_dim3A_350 = vector.broadcast %add3A_349 : i32 to vector<16xi32>
        %gather3A_351 = tpu.vector_load_idx %arg10[%add3A_283, %broadcast_in_dim3A_350] : memref<64x128xf32, #tpu.memory_space<vmem>>[vector<16xi32>, vector<16xi32>], vector<16xf32>,
        %gather3A_352 = tpu.vector_load_idx %arg12[%add3A_283, %broadcast_in_dim3A_350] : memref<64x128xf32, #tpu.memory_space<vmem>>[vector<16xi32>, vector<16xi32>], vector<16xf32>,
        %mul3A_353 = arith.mulf %gather3A_351, %gather3A_352 : vector<16xf32>
        %add3A_354 = arith.addf %add3A_326, %mul3A_353 : vector<16xf32>
        %add3A_355 = arith.constant 7 : i32
        %add3A_356 = arith.addi %mul3A_306, %add3A_355 : i32
        %broadcast_in_dim3A_357 = vector.broadcast %add3A_356 : i32 to vector<16xi32>
        %gather3A_358 = tpu.vector_load_idx %arg10[%add3A_283, %broadcast_in_dim3A_357] : memref<64x128xf32, #tpu.memory_space<vmem>>[vector<16xi32>, vector<16xi32>], vector<16xf32>,
        %gather3A_359 = tpu.vector_load_idx %arg12[%add3A_283, %broadcast_in_dim3A_357] : memref<64x128xf32, #tpu.memory_space<vmem>>[vector<16xi32>, vector<16xi32>], vector<16xf32>,
        %mul3A_360 = arith.mulf %gather3A_358, %gather3A_359 : vector<16xf32>
        %add3A_361 = arith.addf %add3A_333, %mul3A_360 : vector<16xf32>
        scf.yield %add3A_340, %add3A_347, %add3A_354, %add3A_361 : vector<16xf32>, vector<16xf32>, vector<16xf32>, vector<16xf32>
      }
      %scan3A_290 = arith.constant 16 : i32
      %add3A_291 = arith.addf %scan3A_289#0, %scan3A_289#1 : vector<16xf32>
      %add3A_292 = arith.addf %scan3A_289#2, %scan3A_289#3 : vector<16xf32>
      %add3A_293 = arith.addf %add3A_291, %add3A_292 : vector<16xf32>
      %mul3A_294 = arith.constant 16 : i32
      %mul3A_295 = arith.muli %scan3A_278, %mul3A_294 : i32
      %add3A_296 = arith.constant 320 : i32
      %add3A_297 = arith.addi %add3A_296, %mul3A_295 : i32
      %multiple_of3A = tpu.assume_multiple %add3A_297, 16 : i32
      %swap3A = arith.index_cast %multiple_of3A : i32 to index
      %swap3A_298 = tpu.vector_load %arg13[%swap3A] {strides = array<i32>} : memref<512xf32, #tpu.memory_space<vmem>>, vector<16xf32>,
      tpu.vector_store %arg13[%swap3A], %add3A_293 {strides = array<i32>} : memref<512xf32, #tpu.memory_space<vmem>>, vector<16xf32>,
      %scan3A_299 = arith.constant 0 : i32
      scf.yield %scan3A_299 : i32
    }
    %scan3A_221 = arith.constant 4 : i32
    %dma_start3A_222 = arith.constant 7 : i32
    %dma_start3A_223 = arith.constant 0 : i32
    %dma_start3A_224 = tpu.memref_slice %arg7[%dma_start3A_222, %dma_start3A_223] : memref<8x64xi32, #tpu.memory_space<vmem>> -> memref<1x64xi32, #tpu.memory_space<vmem>>
    %dma_start3A_225 = tpu.memref_squeeze %dma_start3A_224 : memref<1x64xi32, #tpu.memory_space<vmem>> -> memref<64xi32, #tpu.memory_space<vmem>>
    %dma_start3A_226 = arith.constant 0 : i32
    %dma_start3A_227 = arith.constant 0 : i32
    %dma_start3A_228 = tpu.memref_slice %arg4[%dma_start3A_226, %dma_start3A_227] : memref<100000x128xf32, #tpu.memory_space<hbm>> -> memref<100000x128xf32, #tpu.memory_space<hbm>>
    tpu.enqueue_indirect_dma source(%dma_start3A_228 : memref<100000x128xf32, #tpu.memory_space<hbm>>) target(%arg10 : memref<64x128xf32, #tpu.memory_space<vmem>>) offsets(%dma_start3A_225 : memref<64xi32, #tpu.memory_space<vmem>>) semaphore(%arg15 : memref<!tpu.dma_semaphore, #tpu.memory_space<semaphore_mem>>)
    %dma_start3A_229 = arith.constant 7 : i32
    %dma_start3A_230 = arith.constant 0 : i32
    %dma_start3A_231 = tpu.memref_slice %arg8[%dma_start3A_229, %dma_start3A_230] : memref<8x64xi32, #tpu.memory_space<vmem>> -> memref<1x64xi32, #tpu.memory_space<vmem>>
    %dma_start3A_232 = tpu.memref_squeeze %dma_start3A_231 : memref<1x64xi32, #tpu.memory_space<vmem>> -> memref<64xi32, #tpu.memory_space<vmem>>
    %dma_start3A_233 = arith.constant 0 : i32
    %dma_start3A_234 = arith.constant 0 : i32
    %dma_start3A_235 = tpu.memref_slice %arg5[%dma_start3A_233, %dma_start3A_234] : memref<100000x128xf32, #tpu.memory_space<hbm>> -> memref<100000x128xf32, #tpu.memory_space<hbm>>
    tpu.enqueue_indirect_dma source(%dma_start3A_235 : memref<100000x128xf32, #tpu.memory_space<hbm>>) target(%arg12 : memref<64x128xf32, #tpu.memory_space<vmem>>) offsets(%dma_start3A_232 : memref<64xi32, #tpu.memory_space<vmem>>) semaphore(%arg17 : memref<!tpu.dma_semaphore, #tpu.memory_space<semaphore_mem>>)
    %dma_wait3A_236 = arith.constant 6 : i32
    %dma_wait3A_237 = arith.constant 0 : i32
    %dma_wait3A_238 = tpu.memref_slice %arg7[%dma_wait3A_236, %dma_wait3A_237] : memref<8x64xi32, #tpu.memory_space<vmem>> -> memref<1x64xi32, #tpu.memory_space<vmem>>
    %dma_wait3A_239 = tpu.memref_squeeze %dma_wait3A_238 : memref<1x64xi32, #tpu.memory_space<vmem>> -> memref<64xi32, #tpu.memory_space<vmem>>
    %dma_wait3A_240 = arith.constant 0 : i32
    %dma_wait3A_241 = arith.constant 0 : i32
    %dma_wait3A_242 = tpu.memref_slice %arg4[%dma_wait3A_240, %dma_wait3A_241] : memref<100000x128xf32, #tpu.memory_space<hbm>> -> memref<100000x128xf32, #tpu.memory_space<hbm>>
    tpu.wait_indirect_dma semaphore(%arg14 : memref<!tpu.dma_semaphore, #tpu.memory_space<semaphore_mem>>) src(%dma_wait3A_242 : memref<100000x128xf32, #tpu.memory_space<hbm>>) dst(%arg9 : memref<64x128xf32, #tpu.memory_space<vmem>>)
    %dma_wait3A_243 = arith.constant 6 : i32
    %dma_wait3A_244 = arith.constant 0 : i32
    %dma_wait3A_245 = tpu.memref_slice %arg8[%dma_wait3A_243, %dma_wait3A_244] : memref<8x64xi32, #tpu.memory_space<vmem>> -> memref<1x64xi32, #tpu.memory_space<vmem>>
    %dma_wait3A_246 = tpu.memref_squeeze %dma_wait3A_245 : memref<1x64xi32, #tpu.memory_space<vmem>> -> memref<64xi32, #tpu.memory_space<vmem>>
    %dma_wait3A_247 = arith.constant 0 : i32
    %dma_wait3A_248 = arith.constant 0 : i32
    %dma_wait3A_249 = tpu.memref_slice %arg5[%dma_wait3A_247, %dma_wait3A_248] : memref<100000x128xf32, #tpu.memory_space<hbm>> -> memref<100000x128xf32, #tpu.memory_space<hbm>>
    tpu.wait_indirect_dma semaphore(%arg16 : memref<!tpu.dma_semaphore, #tpu.memory_space<semaphore_mem>>) src(%dma_wait3A_249 : memref<100000x128xf32, #tpu.memory_space<hbm>>) dst(%arg11 : memref<64x128xf32, #tpu.memory_space<vmem>>)
    %scan3A_250 = arith.constant 0 : i32
    %scan3A_251 = arith.constant 0 : i32
    %scan3A_252 = arith.constant 4 : i32
    %scan3A_253 = arith.addi %scan3A_251, %scan3A_252 : i32
    %scan3A_254 = arith.constant 1 : i32
    %scan3A_255 = scf.for %scan3A_278 = %scan3A_251 to %scan3A_253 step %scan3A_254 iter_args(%scan3A_279 = %scan3A_250) -> (i32)  : i32 {
      %mul3A_280 = arith.constant 16 : i32
      %mul3A_281 = arith.muli %scan3A_278, %mul3A_280 : i32
      %iota3A = tpu.iota {dimensions = array<i32: 0>} : vector<16xi32>
      %add3A_282 = vector.broadcast %mul3A_281 : i32 to vector<16xi32>
      %add3A_283 = arith.addi %add3A_282, %iota3A : vector<16xi32>
      %broadcast_in_dim3A = arith.constant 0.000000e+00 : f32
      %broadcast_in_dim3A_284 = vector.broadcast %broadcast_in_dim3A : f32 to vector<16xf32>
      %scan3A_285 = arith.constant 0 : i32
      %scan3A_286 = arith.constant 16 : i32
      %scan3A_287 = arith.addi %scan3A_285, %scan3A_286 : i32
      %scan3A_288 = arith.constant 1 : i32
      %scan3A_289:4 = scf.for %scan3A_300 = %scan3A_285 to %scan3A_287 step %scan3A_288 iter_args(%scan3A_301 = %broadcast_in_dim3A_284, %scan3A_302 = %broadcast_in_dim3A_284, %scan3A_303 = %broadcast_in_dim3A_284, %scan3A_304 = %broadcast_in_dim3A_284) -> (vector<16xf32>, vector<16xf32>, vector<16xf32>, vector<16xf32>)  : i32 {
        %mul3A_305 = arith.constant 8 : i32
        %mul3A_306 = arith.muli %scan3A_300, %mul3A_305 : i32
        %add3A_307 = arith.constant 0 : i32
        %add3A_308 = arith.addi %mul3A_306, %add3A_307 : i32
        %broadcast_in_dim3A_309 = vector.broadcast %add3A_308 : i32 to vector<16xi32>
        %gather3A = tpu.vector_load_idx %arg9[%add3A_283, %broadcast_in_dim3A_309] : memref<64x128xf32, #tpu.memory_space<vmem>>[vector<16xi32>, vector<16xi32>], vector<16xf32>,
        %gather3A_310 = tpu.vector_load_idx %arg11[%add3A_283, %broadcast_in_dim3A_309] : memref<64x128xf32, #tpu.memory_space<vmem>>[vector<16xi32>, vector<16xi32>], vector<16xf32>,
        %mul3A_311 = arith.mulf %gather3A, %gather3A_310 : vector<16xf32>
        %add3A_312 = arith.addf %scan3A_301, %mul3A_311 : vector<16xf32>
        %add3A_313 = arith.constant 1 : i32
        %add3A_314 = arith.addi %mul3A_306, %add3A_313 : i32
        %broadcast_in_dim3A_315 = vector.broadcast %add3A_314 : i32 to vector<16xi32>
        %gather3A_316 = tpu.vector_load_idx %arg9[%add3A_283, %broadcast_in_dim3A_315] : memref<64x128xf32, #tpu.memory_space<vmem>>[vector<16xi32>, vector<16xi32>], vector<16xf32>,
        %gather3A_317 = tpu.vector_load_idx %arg11[%add3A_283, %broadcast_in_dim3A_315] : memref<64x128xf32, #tpu.memory_space<vmem>>[vector<16xi32>, vector<16xi32>], vector<16xf32>,
        %mul3A_318 = arith.mulf %gather3A_316, %gather3A_317 : vector<16xf32>
        %add3A_319 = arith.addf %scan3A_302, %mul3A_318 : vector<16xf32>
        %add3A_320 = arith.constant 2 : i32
        %add3A_321 = arith.addi %mul3A_306, %add3A_320 : i32
        %broadcast_in_dim3A_322 = vector.broadcast %add3A_321 : i32 to vector<16xi32>
        %gather3A_323 = tpu.vector_load_idx %arg9[%add3A_283, %broadcast_in_dim3A_322] : memref<64x128xf32, #tpu.memory_space<vmem>>[vector<16xi32>, vector<16xi32>], vector<16xf32>,
        %gather3A_324 = tpu.vector_load_idx %arg11[%add3A_283, %broadcast_in_dim3A_322] : memref<64x128xf32, #tpu.memory_space<vmem>>[vector<16xi32>, vector<16xi32>], vector<16xf32>,
        %mul3A_325 = arith.mulf %gather3A_323, %gather3A_324 : vector<16xf32>
        %add3A_326 = arith.addf %scan3A_303, %mul3A_325 : vector<16xf32>
        %add3A_327 = arith.constant 3 : i32
        %add3A_328 = arith.addi %mul3A_306, %add3A_327 : i32
        %broadcast_in_dim3A_329 = vector.broadcast %add3A_328 : i32 to vector<16xi32>
        %gather3A_330 = tpu.vector_load_idx %arg9[%add3A_283, %broadcast_in_dim3A_329] : memref<64x128xf32, #tpu.memory_space<vmem>>[vector<16xi32>, vector<16xi32>], vector<16xf32>,
        %gather3A_331 = tpu.vector_load_idx %arg11[%add3A_283, %broadcast_in_dim3A_329] : memref<64x128xf32, #tpu.memory_space<vmem>>[vector<16xi32>, vector<16xi32>], vector<16xf32>,
        %mul3A_332 = arith.mulf %gather3A_330, %gather3A_331 : vector<16xf32>
        %add3A_333 = arith.addf %scan3A_304, %mul3A_332 : vector<16xf32>
        %add3A_334 = arith.constant 4 : i32
        %add3A_335 = arith.addi %mul3A_306, %add3A_334 : i32
        %broadcast_in_dim3A_336 = vector.broadcast %add3A_335 : i32 to vector<16xi32>
        %gather3A_337 = tpu.vector_load_idx %arg9[%add3A_283, %broadcast_in_dim3A_336] : memref<64x128xf32, #tpu.memory_space<vmem>>[vector<16xi32>, vector<16xi32>], vector<16xf32>,
        %gather3A_338 = tpu.vector_load_idx %arg11[%add3A_283, %broadcast_in_dim3A_336] : memref<64x128xf32, #tpu.memory_space<vmem>>[vector<16xi32>, vector<16xi32>], vector<16xf32>,
        %mul3A_339 = arith.mulf %gather3A_337, %gather3A_338 : vector<16xf32>
        %add3A_340 = arith.addf %add3A_312, %mul3A_339 : vector<16xf32>
        %add3A_341 = arith.constant 5 : i32
        %add3A_342 = arith.addi %mul3A_306, %add3A_341 : i32
        %broadcast_in_dim3A_343 = vector.broadcast %add3A_342 : i32 to vector<16xi32>
        %gather3A_344 = tpu.vector_load_idx %arg9[%add3A_283, %broadcast_in_dim3A_343] : memref<64x128xf32, #tpu.memory_space<vmem>>[vector<16xi32>, vector<16xi32>], vector<16xf32>,
        %gather3A_345 = tpu.vector_load_idx %arg11[%add3A_283, %broadcast_in_dim3A_343] : memref<64x128xf32, #tpu.memory_space<vmem>>[vector<16xi32>, vector<16xi32>], vector<16xf32>,
        %mul3A_346 = arith.mulf %gather3A_344, %gather3A_345 : vector<16xf32>
        %add3A_347 = arith.addf %add3A_319, %mul3A_346 : vector<16xf32>
        %add3A_348 = arith.constant 6 : i32
        %add3A_349 = arith.addi %mul3A_306, %add3A_348 : i32
        %broadcast_in_dim3A_350 = vector.broadcast %add3A_349 : i32 to vector<16xi32>
        %gather3A_351 = tpu.vector_load_idx %arg9[%add3A_283, %broadcast_in_dim3A_350] : memref<64x128xf32, #tpu.memory_space<vmem>>[vector<16xi32>, vector<16xi32>], vector<16xf32>,
        %gather3A_352 = tpu.vector_load_idx %arg11[%add3A_283, %broadcast_in_dim3A_350] : memref<64x128xf32, #tpu.memory_space<vmem>>[vector<16xi32>, vector<16xi32>], vector<16xf32>,
        %mul3A_353 = arith.mulf %gather3A_351, %gather3A_352 : vector<16xf32>
        %add3A_354 = arith.addf %add3A_326, %mul3A_353 : vector<16xf32>
        %add3A_355 = arith.constant 7 : i32
        %add3A_356 = arith.addi %mul3A_306, %add3A_355 : i32
        %broadcast_in_dim3A_357 = vector.broadcast %add3A_356 : i32 to vector<16xi32>
        %gather3A_358 = tpu.vector_load_idx %arg9[%add3A_283, %broadcast_in_dim3A_357] : memref<64x128xf32, #tpu.memory_space<vmem>>[vector<16xi32>, vector<16xi32>], vector<16xf32>,
        %gather3A_359 = tpu.vector_load_idx %arg11[%add3A_283, %broadcast_in_dim3A_357] : memref<64x128xf32, #tpu.memory_space<vmem>>[vector<16xi32>, vector<16xi32>], vector<16xf32>,
        %mul3A_360 = arith.mulf %gather3A_358, %gather3A_359 : vector<16xf32>
        %add3A_361 = arith.addf %add3A_333, %mul3A_360 : vector<16xf32>
        scf.yield %add3A_340, %add3A_347, %add3A_354, %add3A_361 : vector<16xf32>, vector<16xf32>, vector<16xf32>, vector<16xf32>
      }
      %scan3A_290 = arith.constant 16 : i32
      %add3A_291 = arith.addf %scan3A_289#0, %scan3A_289#1 : vector<16xf32>
      %add3A_292 = arith.addf %scan3A_289#2, %scan3A_289#3 : vector<16xf32>
      %add3A_293 = arith.addf %add3A_291, %add3A_292 : vector<16xf32>
      %mul3A_294 = arith.constant 16 : i32
      %mul3A_295 = arith.muli %scan3A_278, %mul3A_294 : i32
      %add3A_296 = arith.constant 384 : i32
      %add3A_297 = arith.addi %add3A_296, %mul3A_295 : i32
      %multiple_of3A = tpu.assume_multiple %add3A_297, 16 : i32
      %swap3A = arith.index_cast %multiple_of3A : i32 to index
      %swap3A_298 = tpu.vector_load %arg13[%swap3A] {strides = array<i32>} : memref<512xf32, #tpu.memory_space<vmem>>, vector<16xf32>,
      tpu.vector_store %arg13[%swap3A], %add3A_293 {strides = array<i32>} : memref<512xf32, #tpu.memory_space<vmem>>, vector<16xf32>,
      %scan3A_299 = arith.constant 0 : i32
      scf.yield %scan3A_299 : i32
    }
    %scan3A_256 = arith.constant 4 : i32
    %dma_wait3A_257 = arith.constant 7 : i32
    %dma_wait3A_258 = arith.constant 0 : i32
    %dma_wait3A_259 = tpu.memref_slice %arg7[%dma_wait3A_257, %dma_wait3A_258] : memref<8x64xi32, #tpu.memory_space<vmem>> -> memref<1x64xi32, #tpu.memory_space<vmem>>
    %dma_wait3A_260 = tpu.memref_squeeze %dma_wait3A_259 : memref<1x64xi32, #tpu.memory_space<vmem>> -> memref<64xi32, #tpu.memory_space<vmem>>
    %dma_wait3A_261 = arith.constant 0 : i32
    %dma_wait3A_262 = arith.constant 0 : i32
    %dma_wait3A_263 = tpu.memref_slice %arg4[%dma_wait3A_261, %dma_wait3A_262] : memref<100000x128xf32, #tpu.memory_space<hbm>> -> memref<100000x128xf32, #tpu.memory_space<hbm>>
    tpu.wait_indirect_dma semaphore(%arg15 : memref<!tpu.dma_semaphore, #tpu.memory_space<semaphore_mem>>) src(%dma_wait3A_263 : memref<100000x128xf32, #tpu.memory_space<hbm>>) dst(%arg10 : memref<64x128xf32, #tpu.memory_space<vmem>>)
    %dma_wait3A_264 = arith.constant 7 : i32
    %dma_wait3A_265 = arith.constant 0 : i32
    %dma_wait3A_266 = tpu.memref_slice %arg8[%dma_wait3A_264, %dma_wait3A_265] : memref<8x64xi32, #tpu.memory_space<vmem>> -> memref<1x64xi32, #tpu.memory_space<vmem>>
    %dma_wait3A_267 = tpu.memref_squeeze %dma_wait3A_266 : memref<1x64xi32, #tpu.memory_space<vmem>> -> memref<64xi32, #tpu.memory_space<vmem>>
    %dma_wait3A_268 = arith.constant 0 : i32
    %dma_wait3A_269 = arith.constant 0 : i32
    %dma_wait3A_270 = tpu.memref_slice %arg5[%dma_wait3A_268, %dma_wait3A_269] : memref<100000x128xf32, #tpu.memory_space<hbm>> -> memref<100000x128xf32, #tpu.memory_space<hbm>>
    tpu.wait_indirect_dma semaphore(%arg17 : memref<!tpu.dma_semaphore, #tpu.memory_space<semaphore_mem>>) src(%dma_wait3A_270 : memref<100000x128xf32, #tpu.memory_space<hbm>>) dst(%arg12 : memref<64x128xf32, #tpu.memory_space<vmem>>)
    %scan3A_271 = arith.constant 0 : i32
    %scan3A_272 = arith.constant 0 : i32
    %scan3A_273 = arith.constant 4 : i32
    %scan3A_274 = arith.addi %scan3A_272, %scan3A_273 : i32
    %scan3A_275 = arith.constant 1 : i32
    %scan3A_276 = scf.for %scan3A_278 = %scan3A_272 to %scan3A_274 step %scan3A_275 iter_args(%scan3A_279 = %scan3A_271) -> (i32)  : i32 {
      %mul3A_280 = arith.constant 16 : i32
      %mul3A_281 = arith.muli %scan3A_278, %mul3A_280 : i32
      %iota3A = tpu.iota {dimensions = array<i32: 0>} : vector<16xi32>
      %add3A_282 = vector.broadcast %mul3A_281 : i32 to vector<16xi32>
      %add3A_283 = arith.addi %add3A_282, %iota3A : vector<16xi32>
      %broadcast_in_dim3A = arith.constant 0.000000e+00 : f32
      %broadcast_in_dim3A_284 = vector.broadcast %broadcast_in_dim3A : f32 to vector<16xf32>
      %scan3A_285 = arith.constant 0 : i32
      %scan3A_286 = arith.constant 16 : i32
      %scan3A_287 = arith.addi %scan3A_285, %scan3A_286 : i32
      %scan3A_288 = arith.constant 1 : i32
      %scan3A_289:4 = scf.for %scan3A_300 = %scan3A_285 to %scan3A_287 step %scan3A_288 iter_args(%scan3A_301 = %broadcast_in_dim3A_284, %scan3A_302 = %broadcast_in_dim3A_284, %scan3A_303 = %broadcast_in_dim3A_284, %scan3A_304 = %broadcast_in_dim3A_284) -> (vector<16xf32>, vector<16xf32>, vector<16xf32>, vector<16xf32>)  : i32 {
        %mul3A_305 = arith.constant 8 : i32
        %mul3A_306 = arith.muli %scan3A_300, %mul3A_305 : i32
        %add3A_307 = arith.constant 0 : i32
        %add3A_308 = arith.addi %mul3A_306, %add3A_307 : i32
        %broadcast_in_dim3A_309 = vector.broadcast %add3A_308 : i32 to vector<16xi32>
        %gather3A = tpu.vector_load_idx %arg10[%add3A_283, %broadcast_in_dim3A_309] : memref<64x128xf32, #tpu.memory_space<vmem>>[vector<16xi32>, vector<16xi32>], vector<16xf32>,
        %gather3A_310 = tpu.vector_load_idx %arg12[%add3A_283, %broadcast_in_dim3A_309] : memref<64x128xf32, #tpu.memory_space<vmem>>[vector<16xi32>, vector<16xi32>], vector<16xf32>,
        %mul3A_311 = arith.mulf %gather3A, %gather3A_310 : vector<16xf32>
        %add3A_312 = arith.addf %scan3A_301, %mul3A_311 : vector<16xf32>
        %add3A_313 = arith.constant 1 : i32
        %add3A_314 = arith.addi %mul3A_306, %add3A_313 : i32
        %broadcast_in_dim3A_315 = vector.broadcast %add3A_314 : i32 to vector<16xi32>
        %gather3A_316 = tpu.vector_load_idx %arg10[%add3A_283, %broadcast_in_dim3A_315] : memref<64x128xf32, #tpu.memory_space<vmem>>[vector<16xi32>, vector<16xi32>], vector<16xf32>,
        %gather3A_317 = tpu.vector_load_idx %arg12[%add3A_283, %broadcast_in_dim3A_315] : memref<64x128xf32, #tpu.memory_space<vmem>>[vector<16xi32>, vector<16xi32>], vector<16xf32>,
        %mul3A_318 = arith.mulf %gather3A_316, %gather3A_317 : vector<16xf32>
        %add3A_319 = arith.addf %scan3A_302, %mul3A_318 : vector<16xf32>
        %add3A_320 = arith.constant 2 : i32
        %add3A_321 = arith.addi %mul3A_306, %add3A_320 : i32
        %broadcast_in_dim3A_322 = vector.broadcast %add3A_321 : i32 to vector<16xi32>
        %gather3A_323 = tpu.vector_load_idx %arg10[%add3A_283, %broadcast_in_dim3A_322] : memref<64x128xf32, #tpu.memory_space<vmem>>[vector<16xi32>, vector<16xi32>], vector<16xf32>,
        %gather3A_324 = tpu.vector_load_idx %arg12[%add3A_283, %broadcast_in_dim3A_322] : memref<64x128xf32, #tpu.memory_space<vmem>>[vector<16xi32>, vector<16xi32>], vector<16xf32>,
        %mul3A_325 = arith.mulf %gather3A_323, %gather3A_324 : vector<16xf32>
        %add3A_326 = arith.addf %scan3A_303, %mul3A_325 : vector<16xf32>
        %add3A_327 = arith.constant 3 : i32
        %add3A_328 = arith.addi %mul3A_306, %add3A_327 : i32
        %broadcast_in_dim3A_329 = vector.broadcast %add3A_328 : i32 to vector<16xi32>
        %gather3A_330 = tpu.vector_load_idx %arg10[%add3A_283, %broadcast_in_dim3A_329] : memref<64x128xf32, #tpu.memory_space<vmem>>[vector<16xi32>, vector<16xi32>], vector<16xf32>,
        %gather3A_331 = tpu.vector_load_idx %arg12[%add3A_283, %broadcast_in_dim3A_329] : memref<64x128xf32, #tpu.memory_space<vmem>>[vector<16xi32>, vector<16xi32>], vector<16xf32>,
        %mul3A_332 = arith.mulf %gather3A_330, %gather3A_331 : vector<16xf32>
        %add3A_333 = arith.addf %scan3A_304, %mul3A_332 : vector<16xf32>
        %add3A_334 = arith.constant 4 : i32
        %add3A_335 = arith.addi %mul3A_306, %add3A_334 : i32
        %broadcast_in_dim3A_336 = vector.broadcast %add3A_335 : i32 to vector<16xi32>
        %gather3A_337 = tpu.vector_load_idx %arg10[%add3A_283, %broadcast_in_dim3A_336] : memref<64x128xf32, #tpu.memory_space<vmem>>[vector<16xi32>, vector<16xi32>], vector<16xf32>,
        %gather3A_338 = tpu.vector_load_idx %arg12[%add3A_283, %broadcast_in_dim3A_336] : memref<64x128xf32, #tpu.memory_space<vmem>>[vector<16xi32>, vector<16xi32>], vector<16xf32>,
        %mul3A_339 = arith.mulf %gather3A_337, %gather3A_338 : vector<16xf32>
        %add3A_340 = arith.addf %add3A_312, %mul3A_339 : vector<16xf32>
        %add3A_341 = arith.constant 5 : i32
        %add3A_342 = arith.addi %mul3A_306, %add3A_341 : i32
        %broadcast_in_dim3A_343 = vector.broadcast %add3A_342 : i32 to vector<16xi32>
        %gather3A_344 = tpu.vector_load_idx %arg10[%add3A_283, %broadcast_in_dim3A_343] : memref<64x128xf32, #tpu.memory_space<vmem>>[vector<16xi32>, vector<16xi32>], vector<16xf32>,
        %gather3A_345 = tpu.vector_load_idx %arg12[%add3A_283, %broadcast_in_dim3A_343] : memref<64x128xf32, #tpu.memory_space<vmem>>[vector<16xi32>, vector<16xi32>], vector<16xf32>,
        %mul3A_346 = arith.mulf %gather3A_344, %gather3A_345 : vector<16xf32>
        %add3A_347 = arith.addf %add3A_319, %mul3A_346 : vector<16xf32>
        %add3A_348 = arith.constant 6 : i32
        %add3A_349 = arith.addi %mul3A_306, %add3A_348 : i32
        %broadcast_in_dim3A_350 = vector.broadcast %add3A_349 : i32 to vector<16xi32>
        %gather3A_351 = tpu.vector_load_idx %arg10[%add3A_283, %broadcast_in_dim3A_350] : memref<64x128xf32, #tpu.memory_space<vmem>>[vector<16xi32>, vector<16xi32>], vector<16xf32>,
        %gather3A_352 = tpu.vector_load_idx %arg12[%add3A_283, %broadcast_in_dim3A_350] : memref<64x128xf32, #tpu.memory_space<vmem>>[vector<16xi32>, vector<16xi32>], vector<16xf32>,
        %mul3A_353 = arith.mulf %gather3A_351, %gather3A_352 : vector<16xf32>
        %add3A_354 = arith.addf %add3A_326, %mul3A_353 : vector<16xf32>
        %add3A_355 = arith.constant 7 : i32
        %add3A_356 = arith.addi %mul3A_306, %add3A_355 : i32
        %broadcast_in_dim3A_357 = vector.broadcast %add3A_356 : i32 to vector<16xi32>
        %gather3A_358 = tpu.vector_load_idx %arg10[%add3A_283, %broadcast_in_dim3A_357] : memref<64x128xf32, #tpu.memory_space<vmem>>[vector<16xi32>, vector<16xi32>], vector<16xf32>,
        %gather3A_359 = tpu.vector_load_idx %arg12[%add3A_283, %broadcast_in_dim3A_357] : memref<64x128xf32, #tpu.memory_space<vmem>>[vector<16xi32>, vector<16xi32>], vector<16xf32>,
        %mul3A_360 = arith.mulf %gather3A_358, %gather3A_359 : vector<16xf32>
        %add3A_361 = arith.addf %add3A_333, %mul3A_360 : vector<16xf32>
        scf.yield %add3A_340, %add3A_347, %add3A_354, %add3A_361 : vector<16xf32>, vector<16xf32>, vector<16xf32>, vector<16xf32>
      }
      %scan3A_290 = arith.constant 16 : i32
      %add3A_291 = arith.addf %scan3A_289#0, %scan3A_289#1 : vector<16xf32>
      %add3A_292 = arith.addf %scan3A_289#2, %scan3A_289#3 : vector<16xf32>
      %add3A_293 = arith.addf %add3A_291, %add3A_292 : vector<16xf32>
      %mul3A_294 = arith.constant 16 : i32
      %mul3A_295 = arith.muli %scan3A_278, %mul3A_294 : i32
      %add3A_296 = arith.constant 448 : i32
      %add3A_297 = arith.addi %add3A_296, %mul3A_295 : i32
      %multiple_of3A = tpu.assume_multiple %add3A_297, 16 : i32
      %swap3A = arith.index_cast %multiple_of3A : i32 to index
      %swap3A_298 = tpu.vector_load %arg13[%swap3A] {strides = array<i32>} : memref<512xf32, #tpu.memory_space<vmem>>, vector<16xf32>,
      tpu.vector_store %arg13[%swap3A], %add3A_293 {strides = array<i32>} : memref<512xf32, #tpu.memory_space<vmem>>, vector<16xf32>,
      %scan3A_299 = arith.constant 0 : i32
      scf.yield %scan3A_299 : i32
    }
    %scan3A_277 = arith.constant 4 : i32
    "tpu.region"() ({
      %run_scoped3A = tpu.sem_alloc : memref<!tpu.dma_semaphore, #tpu.memory_space<semaphore_mem>>
      %dma_start3A_278 = arith.constant 0 : i32
      %dma_start3A_279 = tpu.memref_slice %arg6[%add3A, %dma_start3A_278] : memref<32x512xf32, #tpu.memory_space<hbm>> -> memref<1x512xf32, #tpu.memory_space<hbm>>
      %dma_start3A_280 = tpu.memref_squeeze %dma_start3A_279 : memref<1x512xf32, #tpu.memory_space<hbm>> -> memref<512xf32, #tpu.memory_space<hbm>>
      %dma_start3A_281 = arith.constant 0 : i32
      %dma_start3A_282 = tpu.memref_slice %arg6[%add3A, %dma_start3A_281] : memref<32x512xf32, #tpu.memory_space<hbm>> -> memref<1x512xf32, #tpu.memory_space<hbm>>
      %dma_start3A_283 = tpu.memref_squeeze %dma_start3A_282 : memref<1x512xf32, #tpu.memory_space<hbm>> -> memref<512xf32, #tpu.memory_space<hbm>>
      tpu.enqueue_dma source(%arg13 : memref<512xf32, #tpu.memory_space<vmem>>) target(%dma_start3A_283 : memref<512xf32, #tpu.memory_space<hbm>>) target_semaphore(%run_scoped3A : memref<!tpu.dma_semaphore, #tpu.memory_space<semaphore_mem>>)
      %dma_wait3A_284 = arith.constant 0 : i32
      %dma_wait3A_285 = tpu.memref_slice %arg6[%add3A, %dma_wait3A_284] : memref<32x512xf32, #tpu.memory_space<hbm>> -> memref<1x512xf32, #tpu.memory_space<hbm>>
      %dma_wait3A_286 = tpu.memref_squeeze %dma_wait3A_285 : memref<1x512xf32, #tpu.memory_space<hbm>> -> memref<512xf32, #tpu.memory_space<hbm>>
      %dma_wait3A_287 = arith.constant 0 : i32
      %dma_wait3A_288 = tpu.memref_slice %arg6[%add3A, %dma_wait3A_287] : memref<32x512xf32, #tpu.memory_space<hbm>> -> memref<1x512xf32, #tpu.memory_space<hbm>>
      %dma_wait3A_289 = tpu.memref_squeeze %dma_wait3A_288 : memref<1x512xf32, #tpu.memory_space<hbm>> -> memref<512xf32, #tpu.memory_space<hbm>>
      tpu.wait_dma2 semaphore(%run_scoped3A : memref<!tpu.dma_semaphore, #tpu.memory_space<semaphore_mem>>) src(%arg13 : memref<512xf32, #tpu.memory_space<vmem>>) dst(%dma_wait3A_289 : memref<512xf32, #tpu.memory_space<hbm>>)
      tpu.yield
    }) : () -> ()
    return
  }
}

</mosaic_0001>

<sc_bundles>
// kernel: kernel.3.cloned.1.call-start
scs
__scs_entry_jumppad:
0x0: {  	(pc) =	sbr.rel $0x88, $3  }
0x1: {  	(tag) =	ssettag $0x0;
	lr =	simm.s32 $0x1  }
0x2: {  	[smem:$0x3F9D] =	sst lr;
	_ =	strace $0xD0000000  }
0x3: {  	_ = 	snop  }
0x4: {  	_ = 	snop  }
0x5: {  	_ = 	snop  }
0x6: {  	_ = 	snop  }
0x7: {  	_ = 	snop  }
__scs_overlays_trampoline_lowered:
0x8: {  	[smem:$0x3FAC] =	sst s0  }
0x9: {  	[smem:$0x3FAD] =	sst s1  }
0xa: {  	[smem:$0x3FAE] =	sst s2  }
0xb: {  	[smem:$0x3FAF] =	sst s3  }
0xc: {  	[smem:$0x3FB0] =	sst s4  }
0xd: {  	[smem:$0x3FB1] =	sst s5  }
0xe: {  	[smem:$0x3FB2] =	sst s6  }
0xf: {  	[smem:$0x3FB3] =	sst s7  }
0x10: {  	[smem:$0x3FB4] =	sst s8  }
0x11: {  	[smem:$0x3FB5] =	sst s9;
	s0 =	simm.s32 @!p0 $0x0  }
0x12: {  	s1 =	sld [smem:$0x3F9B];
	s0 =	simm.s32 @p0 $0x1  }
0x13: {  	[smem:$0x3FB6] =	sst s0;
	s0 =	simm.s32 @!p1 $0x0  }
0x14: {  	s2 =	sld [smem:$0x3F9A];
	s0 =	simm.s32 @p1 $0x1  }
0x15: {  	[smem:$0x3FB7] =	sst s0;
	s0 =	simm.s32 @!p2 $0x0  }
0x16: {  	s3 =	sld [smem:$0x3FDB];
	s0 =	simm.s32 @p2 $0x1  }
0x17: {  	s4 =	simm.s32 $0x1BF5;
	[smem:$0x3FB9] =	sst s0  }
0x18: {  	s0 =	sld [smem:$0x3F9C];
	_ =	swait.ge [sflag:s4], $0x0  }
0x19: {  	s7 =	sld [smem:$0x3F9D]  }
0x1a: {  	s8 =	sadd.s32 $0xFFFFE003, lr  }
0x1b: {  	s9 =	sadd.s32 $0xFFFFFEF7, lr;
	s5 =	simm.s32 $0xFFFFFFFF;
	p2 =	slt.u32 s8, $0xFFFFF086  }
0x1c: {  	p1 =	slt.u32 s9, $0xF7A;
	s5 =	simm.s32 @!p2 $0x0  }
0x1d: {  	s5 =	simm.s32 @p1 $0x1;
	p0 =	seq.s32 s7, s2  }
0x1e: {  	s7 =	smul.u32 @!p0 $0xF7A, s2;
	p2 =	seq.s32 @!p0 s5, $0x0  }
0x1f: {  	s9 =	smul.u32 $0xF7A, s1;
	s8 =	simm.s32 @!p0 $0x1BF5;
	p2 =	por !p2, p0  }
0x20: {  	[sflag:s8] =	ssyncset.s32 @!p0 $0xFFFFF086;
	s6 =	sadd.s32 @!p0 s3, s7;
	s7 =	simm.s32 @!p0 $0x108  }
0x21: {  	s3 =	sadd.s32 s3, s9;
	s6 =	sadd.s32 @!p0 $0x88, s6;
	s7 =	simm.s32 @p2 $0x1082  }
0x22: {  	[simem:s7], [sflag:s8] =	dma.local @!p0 [hbm:s6], $0xF7A  }
0x23: {  	s9 =	sor.u32 $0xD0000000, s2;
	s6 =	simm.s32 $0x108;
	_ =	swait.ge @!p0 [sflag:s8], $0x0  }
0x24: {  	s3 =	sadd.s32 $0x88, s3;
	s6 =	simm.s32 @!p1 $0x1082;
	[sflag:s4] =	ssyncset.s32 $0xFFFFF086  }
0x25: {  	[simem:s6], [sflag:s4] =	dma.local [hbm:s3], $0xF7A  }
0x26: {  	[smem:$0x3F9D] =	sst s1;
	(tag) =	ssettag s2;
	_ =	strace s9  }
0x27: {  	s1 =	sld [smem:$0x3FAD]  }
0x28: {  	s2 =	sld [smem:$0x3FAE]  }
0x29: {  	s4 =	sld [smem:$0x3FB0]  }
0x2a: {  	p0 =	seq.s32 s5, $0x0;
	s5 =	sld [smem:$0x3FB1]  }
0x2b: {  	s6 =	sld [smem:$0x3FB2]  }
0x2c: {  	s7 =	sld [smem:$0x3FB3]  }
0x2d: {  	s3 =	simm.s32 $0x108;
	s8 =	sld [smem:$0x3FB4]  }
0x2e: {  	s3 =	simm.s32 @!p0 $0x1082;
	s9 =	sld [smem:$0x3FB5]  }
0x2f: {  	lr =	sadd.s32 s0, s3;
	s0 =	sld [smem:$0x3FAC]  }
0x30: {  	s3 =	sld [smem:$0x3FAF]  }
0x31: {  	[smem:$0x3FB8] =	sst s10  }
0x32: {  	s10 =	sld [smem:$0x3FB6];
	_ =	sdelay $0x3  }
0x33: {  	p0 =	seq.s32 s10, $0x1;
	s10 =	sld [smem:$0x3FB8];
	_ =	sdelay $0x3  }
0x34: {  	[smem:$0x3FB8] =	sst s10  }
0x35: {  	s10 =	sld [smem:$0x3FB7];
	_ =	sdelay $0x3  }
0x36: {  	p1 =	seq.s32 s10, $0x1;
	s10 =	sld [smem:$0x3FB8];
	_ =	sdelay $0x3  }
0x37: {  	[smem:$0x3FB8] =	sst s10  }
0x38: {  	s10 =	sld [smem:$0x3FB9]  }
0x39: {  	_ = 	snop;
	(pc) =	sbr.ind lr, $3  }
0x3a: {  	_ = 	snop  }
0x3b: {  	_ = 	snop  }
0x3c: {  	p2 =	seq.s32 s10, $0x1;
	s10 =	sld [smem:$0x3FB8]  }
0x3d: {  	_ =	shalt  }
0x3e: {  	_ =	shalt  }
0x3f: {  	_ =	shalt  }
0x40: {  	_ =	shalt  }
0x41: {  	_ =	shalt  }
0x42: {  	_ =	shalt  }
0x43: {  	_ =	shalt  }
0x44: {  	_ =	shalt  }
0x45: {  	_ =	shalt  }
0x46: {  	_ =	shalt  }
0x47: {  	_ =	shalt  }
0x48: {  	_ =	shalt  }
0x49: {  	_ =	shalt  }
0x4a: {  	_ =	shalt  }
0x4b: {  	_ =	shalt  }
0x4c: {  	_ =	shalt  }
0x4d: {  	_ =	shalt  }
0x4e: {  	_ =	shalt  }
0x4f: {  	_ =	shalt  }
0x50: {  	_ =	shalt  }
0x51: {  	_ =	shalt  }
0x52: {  	_ =	shalt  }
0x53: {  	_ =	shalt  }
0x54: {  	_ =	shalt  }
0x55: {  	_ =	shalt  }
0x56: {  	_ =	shalt  }
0x57: {  	_ =	shalt  }
0x58: {  	_ =	shalt  }
0x59: {  	_ =	shalt  }
0x5a: {  	_ =	shalt  }
0x5b: {  	_ =	shalt  }
0x5c: {  	_ =	shalt  }
0x5d: {  	_ =	shalt  }
0x5e: {  	_ =	shalt  }
0x5f: {  	_ =	shalt  }
0x60: {  	_ =	shalt  }
0x61: {  	_ =	shalt  }
0x62: {  	_ =	shalt  }
0x63: {  	_ =	shalt  }
0x64: {  	_ =	shalt  }
0x65: {  	_ =	shalt  }
0x66: {  	_ =	shalt  }
0x67: {  	_ =	shalt  }
0x68: {  	_ =	shalt  }
0x69: {  	_ =	shalt  }
0x6a: {  	_ =	shalt  }
0x6b: {  	_ =	shalt  }
0x6c: {  	_ =	shalt  }
0x6d: {  	_ =	shalt  }
0x6e: {  	_ =	shalt  }
0x6f: {  	_ =	shalt  }
0x70: {  	_ =	shalt  }
0x71: {  	_ =	shalt  }
0x72: {  	_ =	shalt  }
0x73: {  	_ =	shalt  }
0x74: {  	_ =	shalt  }
0x75: {  	_ =	shalt  }
0x76: {  	_ =	shalt  }
0x77: {  	_ =	shalt  }
0x78: {  	_ =	shalt  }
0x79: {  	_ =	shalt  }
0x7a: {  	_ =	shalt  }
0x7b: {  	_ =	shalt  }
0x7c: {  	_ =	shalt  }
0x7d: {  	_ =	shalt  }
0x7e: {  	_ =	shalt  }
0x7f: {  	_ =	shalt  }
0x80: {  	_ =	shalt  }
0x81: {  	_ =	shalt  }
0x82: {  	_ =	shalt  }
0x83: {  	_ =	shalt  }
0x84: {  	_ =	shalt  }
0x85: {  	_ =	shalt  }
0x86: {  	_ =	shalt  }
0x87: {  	_ =	shalt  }
.Lfunc_end0:
.L_simem_size_0:
called_computation_lowered:
.L_overlay_start_0:
0x88: {  	s2 =	sld [smem:$0x3FD9]  }
0x89: {  	s3 =	sld [smem:$0x3FFE];
	_ =	sdelay $0x1  }
0x8a: {  	s1 =	srdreg.scid  }
0x8b: {  	s0 =	sand.u32 $0x1, s1  }
0x8c: {  	s17 =	sshll.u32 s0, $0xA;
	s2 =	sadd.s32 s3, s2  }
0x8d: {  	s2 =	sadd.s32 s2, s17  }
0x8e: {  	[smem:$0x3FC4] =	sst s2  }
0x8f: {  	_ = 	snop  }
0x90: {  	s2 =	sld [smem:$0x3FC7]  }
0x91: {  	s18 =	sld [smem:$0x3FC6];
	(tm) =	ssettm $0x1  }
0x92: {  	s4 =	sld [smem:$0x3FFB];
	_ =	sdelay $0x3  }
0x93: {  	_ =	strace s4  }
0x94: {  	s4 =	sld [smem:$0x3FFC];
	_ =	sdelay $0x3  }
0x95: {  	_ =	strace s4  }
0x96: {  	s4 =	sld [smem:$0x3FFD];
	_ =	sdelay $0x3  }
0x97: {  	_ =	strace s4  }
0x98: {  	_ =	strace $0x8FFFFFFF  }
0x99: {  	s19 =	sld [smem:$0x3FDB];
	_ =	sdelay $0x1  }
0x9a: {  	s5 =	simm.s32 $_scs_section_size  }
0x9b: {  	s6 =	simm.s32 $_size__tile_overlayer_lowered;
	s7 =	simm.s32 $_tile_overlayer_lowered  }
0x9c: {  	s22 =	simm.s32 $0x1BFF;
	s21 =	sshll.u32 s7, $0x1;
	s4 =	sadd.s32 s5, s19  }
0x9d: {  	s8 =	simm.s32 $0x0;
	s20 =	sshll.u32 s6, $0x1;
	s6 =	sadd.s32 s21, s4  }
0x9e: {  	[timem:s8], [sflag:s22] =	dma.local [hbm:s6], s20  }
0x9f: {  	_ =	swait.ge [sflag:s22], s20  }
0xa0: {  	s5 =	ssub.s32 $0x0, s20;
	[sflag:s22] =	ssyncset.done $0x0  }
0xa1: {  	[sflag:s22] =	ssyncadd.s32 s5;
	_ =	sdelay $0x1  }
0xa2: {  	s23 =	simm.s32 $0x1B8B  }
0xa3: {  	_ =	swait.ge [sflag:s23], $0x1  }
0xa4: {  	[sflag:s23] =	ssyncset.done $0x0  }
0xa5: {  	s25 =	simm.s32 $0x1B8E;
	s24 =	sld [smem:$0x3FFE];
	[sflag:s23] =	ssyncadd.s32 $0xFFFFFFFF  }
0xa6: {  	s26 =	simm.s32 $execute0_lowered;
	[smem:$0x3FD2] =	sst s25  }
0xa7: {  	s6 =	sshll.u32 s26, $0x1;
	_ =	strace $0x80000046;
	[dreg:$0x1] =	wrdreg $0xFFFFFFFF  }
0xa8: {  	s28 =	simm.s32 $_size_execute0_lowered;
	s4 =	sadd.s32 s4, s6;
	[dreg:$0x0] =	wrdreg $0x0  }
0xa9: {  	s6 =	sshll.u32 s28, $0x1;
	[dreg:$0x2] =	wrdreg s4  }
0xaa: {  	[dreg:$0x3] =	wrdreg s6  }
0xab: {  	[dreg:$0x4] =	wrdreg $0xC0  }
0xac: {  	_ =	task [dreg:s8], $0x5FFFF  }
0xad: {  	[dreg:$0x1] =	wrdreg $0xFFFFFFFF  }
0xae: {  	[dreg:$0x0] =	wrdreg $0x60  }
0xaf: {  	[dreg:$0x2] =	wrdreg s24  }
0xb0: {  	[dreg:$0x3] =	wrdreg s2  }
0xb1: {  	[dreg:$0x4] =	wrdreg s18  }
0xb2: {  	[dreg:$0x5] =	wrdreg $0x9  }
0xb3: {  	_ =	task.clear_ibuf [dreg:s8], $0x6FFFF;
	_ =	strace $0x90000046  }
0xb4: {  	s29 =	simm.s32 $0x9;
	_ =	strace $0x80000048  }
0xb5: {  	_ =	swait.ge [sflag:s29], $0x1  }
0xb6: {  	[sflag:s29] =	ssyncadd.s32 $0xFFFFFFFF  }
0xb7: {  	_ =	strace $0x90000048  }
0xb8: {  	_ =	sfence  }
0xb9: {  	s30 =	sld [smem:$0x0];
	_ =	sdelay $0x2  }
0xba: {  	s31 =	sshll.u32 s1, $0xD;
	s1 =	sshrl.u32 s1, $0x2  }
0xbb: {  	s3 =	sand.u32 $0x4000, s31;
	s1 =	sadd.s32 s1, s30  }
0xbc: {  	s0 =	sor.u32 s3, s0;
	s1 =	sshll.u32 s1, $0x11  }
0xbd: {  	s0 =	sor.u32 s1, s0  }
0xbe: {  	s0 =	sadd.s32 $0x8F2B, s0  }
0xbf: {  	[sflag:s0] =	ssyncadd.remote.s32 $0x1  }
0xc0: {  	_ =	sfence.sel $0xFFFF  }
0xc1: {  	[dreg:$0x0] =	wrdreg $0xFFFFFFFF;
	(pc) =	sbr.abs _section_cstart, $3  }
0xc2: {  	[dreg:$0x1] =	wrdreg $0xFFFFFFFF  }
0xc3: {  	_ =	task.clear_ibuf [dreg:s8], $0x2FFFF;
	_ =	strace $0x9FFFFFFF  }
0xc4: {  	(tm) =	ssettm $0x7FFFFFFF  }
0xc5: {  	_ =	shalt  }
tec
execute0_lowered:
.L_overlay_start_1:
0x0: {  	(tag) =	ssettag $0x1  }
0x1: {  	s0 =	rddreg [dreg:$0x0]  }
0x2: {  	s1 =	srdreg.scid;
	s2 =	rddreg [dreg:$0x1]  }
0x3: {  	s3 =	rddreg [dreg:$0x2];
	s7 =	stileid.u32;
	s4 =	simm.s32 $0x0  }
0x4: {  	s9 =	simm.s32 $0x5;
	s10 =	simm.s32 $0x400;
	s11 =	simm.s32 $0x40  }
0x5: {  	s12 =	simm.s32 $0x800;
	s13 =	simm.s32 $0x4800;
	s14 =	simm.s32 $0x80  }
0x6: {  	s15 =	simm.s32 $0x2800;
	s17 =	simm.s32 $0x6800;
	s18 =	simm.s32 $0x1  }
0x7: {  	s19 =	simm.s32 $0x3;
	s22 =	simm.s32 $0x2;
	s23 =	simm.s32 $0x4  }
0x8: {  	s16 =	simm.s32 $0x780;
	s20 =	simm.s32 $0x8800;
	s1 =	sand.u32 $0x1, s1  }
0x9: {  	s21 =	simm.s32 $0x0;
	[smem:$0x7FF] =	sst s4;
	s5 =	sshll.u32 s1, $0x4  }
0xa: {  	_ =	strace $0x80000047;
	s1 =	ssub.s32 $0x2, s1;
	s5 =	sor.u32 s7, s5  }
0xb: {  	s7 =	sshll.u32 s7, $0x4;
	s31 =	sshrl.u32 s1, $0x1;
	s6 =	sshll.u32 s5, $0x7  }
0xc: {  	s7 =	sand.u32 $0x70, s7;
	s5 =	sshll.u32 s5, $0x6;
	s1 =	ssub.s32 s1, s31  }
0xd: {  	s6 =	sadd.s32 s6, s0;
	s0 =	sadd.s32 s7, s0;
	s8 =	sand.u32 $0x600, s5  }
0xe: {  	v0 =	vlaneseq.u32;
	s5 =	sadd.s32 $0x400, s6;
	s0 =	sadd.s32 s8, s0;
	s6 =	sadd.s32 $0x1400, s6  }
0xf: {  	v0 =	vmul.u32 $0x80, v0;
	s8 =	smax.u32 s1, $0x1;
	s1 =	simm.s32 $0x380;
	s7 =	sadd.s32 $0x2400, s0  }
.LBB2_1:
0x10: {  	[tilespmem:s4], [sflag:$0x5] =	stream.linear.gather [hbm4b:s5+s4], $0x400, $0x38;
	[tilespmem:$0x8A00] =	vst v63  }
0x11: {  	_ =	swait.ge [sflag:s9], $0x400  }
0x12: {  	[sflag:s9] =	ssyncset.done $0x0  }
0x13: {  	[sflag:s9] =	ssyncadd.s32 $0xFFFFFC00  }
0x14: {  	[tilespmem:s10], [sflag:$0x5] =	stream.linear.gather [hbm4b:s6+s4], $0x400, $0x38;
	[tilespmem:$0x8A00] =	vst v63  }
0x15: {  	_ =	swait.ge [sflag:s9], $0x400  }
0x16: {  	[sflag:s9] =	ssyncset.done $0x0  }
0x17: {  	[sflag:s9] =	ssyncadd.s32 $0xFFFFFC00  }
0x18: {  	[tilespmem:s12], [sflag:$0x1] =	stream.indirect.gather [hbm4b:s2+s11], $0x80, s4, s11, $0xb8;
	[tilespmem:$0x8A00] =	vst v63  }
0x19: {  	_ = 	snop  }
0x1a: {  	[tilespmem:s13], [sflag:$0x3] =	stream.indirect.gather [hbm4b:s3+s11], $0x80, s10, s11, $0xb8;
	[tilespmem:$0x8A00] =	vst v63  }
0x1b: {  	_ = 	snop  }
0x1c: {  	[tilespmem:s15], [sflag:$0x2] =	stream.indirect.gather [hbm4b:s2+s11], $0x80, s14, s11, $0xb8;
	[tilespmem:$0x8A00] =	vst v63  }
0x1d: {  	s0 =	simm.s32 $0x480  }
0x1e: {  	[tilespmem:s17], [sflag:$0x4] =	stream.indirect.gather [hbm4b:s3+s11], $0x80, s0, s11, $0xb8;
	[tilespmem:$0x8A00] =	vst v63  }
0x1f: {  	_ =	swait.ge [sflag:s18], $0x2000  }
0x20: {  	[sflag:s18] =	ssyncset.done $0x0  }
0x21: {  	[sflag:s18] =	ssyncadd.s32 $0xFFFFE000  }
0x22: {  	_ =	swait.ge [sflag:s19], $0x2000  }
0x23: {  	[sflag:s19] =	ssyncset.done $0x0  }
0x24: {  	s24 =	simm.s32 $0x0;
	[sflag:s19] =	ssyncadd.s32 $0xFFFFE000  }
.LBB2_2:
0x25: {  	s26 =	simm.s32 $0x3  }
0x26: {  	s25 =	sshll.u32 s24, $0x4;
	s28 =	simm.s32 $0x1;
	v1 =	vmov s26  }
0x27: {  	v2 =	vmov s25;
	v3 =	vmov s28;
	v1 =	vand.u32 $0x7B, v1  }
0x28: {  	v2 =	vshll.u32 v2, $0x7;
	v3 =	vand.u32 $0x79, v3;
	v4 =	vbroadcast v1, $0x0  }
0x29: {  	s31 =	simm.s32 $0x6;
	v1 =	vor.u32 v0, v2;
	v3 =	vbroadcast v3, $0x0  }
0x2a: {  	s0 =	simm.s32 $0x2;
	v5 =	vmov s31;
	v4 =	vor.u32 v1, v4  }
0x2b: {  	v6 =	vmov s0;
	v5 =	vand.u32 $0x7E, v5;
	v3 =	vor.u32 v1, v3  }
0x2c: {  	v6 =	vand.u32 $0x7A, v6;
	v5 =	vbroadcast v5, $0x0  }
0x2d: {  	s30 =	simm.s32 $0x0;
	v6 =	vbroadcast v6, $0x0  }
0x2e: {  	v2 =	vmov s30;
	v5 =	vor.u32 v1, v5  }
0x2f: {  	s31 =	simm.s32 $0x5;
	v2 =	vand.u32 $0x78, v2;
	v6 =	vor.u32 v1, v6;
	v8 =	vld.idx.msk [tilespmem:v4+s13+$0x0], $0xffff  }
0x30: {  	s29 =	simm.s32 $0x7;
	v11 =	vmov s31;
	v2 =	vbroadcast v2, $0x0;
	v10 =	vld.idx.msk [tilespmem:v3+s12+$0x0], $0xffff  }
0x31: {  	v7 =	vmov s29;
	s30 =	simm.s32 $0x4;
	v11 =	vand.u32 $0x7D, v11;
	v3 =	vld.idx.msk [tilespmem:v3+s13+$0x0], $0xffff  }
0x32: {  	v9 =	vmov s30;
	v11 =	vbroadcast v11, $0x0;
	s30 =	simm.s32 $0x9;
	v2 =	vor.u32 v1, v2;
	v4 =	vld.idx.msk [tilespmem:v4+s12+$0x0], $0xffff  }
0x33: {  	v7 =	vand.u32 $0x7F, v7;
	v16 =	vmov s30;
	v22 =	vld.idx.msk [tilespmem:v5+s12+$0x0], $0xffff  }
0x34: {  	v7 =	vbroadcast v7, $0x0;
	v11 =	vor.u32 v1, v11;
	v16 =	vand.u32 $0x79, v16;
	v17 =	vld.idx.msk [tilespmem:v6+s13+$0x0], $0xffff  }
0x35: {  	v19 =	vimm.f32 $0.0e+00;
	s29 =	simm.s32 $0xB;
	v9 =	vand.u32 $0x7C, v9;
	v16 =	vbroadcast v16, $0x0;
	v6 =	vld.idx.msk [tilespmem:v6+s12+$0x0], $0xffff  }
0x36: {  	s0 =	simm.s32 $0xF;
	v15 =	vmov s29;
	v12 =	vor.u32 v1, v7;
	v9 =	vbroadcast v9, $0x0;
	v23 =	vld.idx.msk [tilespmem:v5+s13+$0x0], $0xffff  }
0x37: {  	s31 =	simm.s32 $0x8;
	v14 =	vmov s0;
	s0 =	simm.s32 $0xA;
	v15 =	vand.u32 $0x7B, v15;
	v25 =	vor.u32 v1, v16;
	v7 =	vld.idx.msk [tilespmem:v2+s13+$0x0], $0xffff  }
0x38: {  	s29 =	simm.s32 $0xC;
	v20 =	vmov s0;
	v9 =	vor.u32 v1, v9;
	v13 =	vld.idx.msk [tilespmem:v2+s12+$0x0], $0xffff;
	v2 =	vmov s31  }
0x39: {  	v21 =	vmov s29;
	v15 =	vbroadcast v15, $0x0;
	v24 =	vld.idx.msk [tilespmem:v11+s12+$0x0], $0xffff;
	v18 =	vand.u32 $0x78, v2  }
0x3a: {  	v14 =	vand.u32 $0x7F, v14;
	s30 =	simm.s32 $0xE;
	v27 =	vld.idx.msk [tilespmem:v11+s13+$0x0], $0xffff;
	v5 =	vbroadcast v18, $0x0;
	v18 =	vand.u32 $0x7A, v20  }
0x3b: {  	v2 =	vld.idx.msk [tilespmem:v12+s13+$0x0], $0xffff;
	v20 =	vor.u32 v1, v15;
	v15 =	vmov s30;
	v8 =	vmul.f32 v8, v4  }
0x3c: {  	v16 =	vand.u32 $0x7E, v15;
	v10 =	vmul.f32 v3, v10;
	v28 =	vmul.f32 v17, v6;
	v6 =	vld.idx.msk [tilespmem:v25+s13+$0x0], $0xffff  }
0x3d: {  	s31 =	simm.s32 $0xD;
	v3 =	vand.u32 $0x7C, v21;
	v15 =	vor.u32 v1, v5;
	v26 =	vmul.f32 v7, v13;
	v7 =	vld.idx.msk [tilespmem:v9+s13+$0x0], $0xffff  }
0x3e: {  	v22 =	vmul.f32 v23, v22;
	v5 =	vbroadcast v14, $0x0;
	v13 =	vmov s31;
	v9 =	vld.idx.msk [tilespmem:v9+s12+$0x0], $0xffff  }
0x3f: {  	v21 =	vbroadcast v3, $0x0;
	v11 =	vand.u32 $0x7D, v13;
	v13 =	vbroadcast v16, $0x0;
	v16 =	vld.idx.msk [tilespmem:v12+s12+$0x0], $0xffff  }
0x40: {  	v17 =	vadd.f32 v10, v19;
	v12 =	vbroadcast v18, $0x0;
	v3 =	vor.u32 v1, v5;
	v5 =	vld.idx.msk [tilespmem:v25+s12+$0x0], $0xffff  }
0x41: {  	v14 =	vadd.f32 v8, v19;
	v4 =	vld.idx.msk [tilespmem:v20+s13+$0x0], $0xffff;
	v11 =	vbroadcast v11, $0x0;
	v13 =	vor.u32 v1, v13  }
0x42: {  	v18 =	vor.u32 v1, v12;
	v12 =	vor.u32 v1, v21;
	v21 =	vadd.f32 v28, v19;
	v8 =	vld.idx.msk [tilespmem:v15+s13+$0x0], $0xffff  }
0x43: {  	s26 =	simm.s32 $0x17;
	v19 =	vadd.f32 v26, v19;
	v10 =	vor.u32 v1, v11;
	v11 =	vld.idx.msk [tilespmem:v20+s12+$0x0], $0xffff;
	v20 =	vmul.f32 v27, v24  }
.LBB2_3:
0x44: {  	s28 =	sadd.s32 $0xFFFFFFF9, s26  }
0x45: {  	s29 =	sadd.s32 $0xFFFFFFFA, s26;
	s30 =	sadd.s32 $0xFFFFFFFB, s26;
	v23 =	vmov s26;
	v15 =	vld.idx.msk [tilespmem:v15+s12+$0x0], $0xffff;
	v7 =	vmul.f32 v7, v9;
	v9 =	vmul.f32 v2, v16;
	s31 =	smov.u32 s26  }
0x46: {  	v2 =	vmov s28;
	v16 =	vmov s29;
	s29 =	sadd.s32 $0xFFFFFFFC, s31;
	s0 =	sadd.s32 $0xFFFFFFFD, s31;
	s28 =	sadd.s32 $0x8, s26;
	v24 =	vld.idx.msk [tilespmem:v13+s12+$0x0], $0xffff;
	v21 =	vadd.f32 v22, v21  }
0x47: {  	p0 =	sne.s32 s26, $0x7F;
	v22 =	vand.u32 $0x78, v2;
	v2 =	vmov s29;
	v25 =	vld.idx.msk [tilespmem:v18+s13+$0x0], $0xffff;
	v19 =	vadd.f32 v7, v19  }
0x48: {  	v17 =	vadd.f32 v20, v17;
	v7 =	vmov s30;
	v26 =	vand.u32 $0x7B, v2;
	v2 =	vld.idx.msk [tilespmem:v3+s13+$0x0], $0xffff  }
0x49: {  	s26 =	sadd.s32 $0xFFFFFFFF, s31;
	v16 =	vand.u32 $0x79, v16;
	v14 =	vadd.f32 v9, v14;
	v20 =	vbroadcast v26, $0x0;
	v18 =	vld.idx.msk [tilespmem:v18+s12+$0x0], $0xffff  }
0x4a: {  	v23 =	vand.u32 $0x7F, v23;
	v9 =	vbroadcast v16, $0x0;
	v16 =	vmov s0;
	v26 =	vld.idx.msk [tilespmem:v13+s13+$0x0], $0xffff  }
0x4b: {  	v13 =	vbroadcast v22, $0x0;
	v22 =	vand.u32 $0x7A, v7;
	v20 =	vor.u32 v1, v20;
	v27 =	vld.idx.msk [tilespmem:v10+s12+$0x0], $0xffff  }
0x4c: {  	s0 =	sadd.s32 $0xFFFFFFFE, s31;
	v28 =	vor.u32 v1, v9;
	v9 =	vmov s26;
	v29 =	vmul.f32 v8, v15;
	v7 =	vld.idx.msk [tilespmem:v12+s13+$0x0], $0xffff  }
0x4d: {  	v11 =	vmul.f32 v4, v11;
	v8 =	vmov s0;
	v30 =	vand.u32 $0x7E, v9;
	v9 =	vld.idx.msk [tilespmem:v12+s12+$0x0], $0xffff  }
0x4e: {  	v15 =	vor.u32 v1, v13;
	v12 =	vbroadcast v23, $0x0;
	v23 =	vmul.f32 v6, v5;
	v31 =	vld.idx.msk [tilespmem:v10+s13+$0x0], $0xffff  }
0x4f: {  	v5 =	vand.u32 $0x7C, v16;
	v6 =	vand.u32 $0x7D, v8;
	v8 =	vbroadcast v30, $0x0;
	v16 =	vld.idx.msk [tilespmem:v3+s12+$0x0], $0xffff  }
.Ltmp0:
0x50: {  	v10 =	vbroadcast v22, $0x0;
	v22 =	vbroadcast v5, $0x0;
	v3 =	vor.u32 v1, v12;
	v4 =	vld.idx.msk [tilespmem:v20+s13+$0x0], $0xffff;
	(pc) =	sbr.rel @p0 .LBB2_3-.Ltmp0, $4  }
0x51: {  	v30 =	vbroadcast v6, $0x0;
	v25 =	vmul.f32 v25, v18;
	v13 =	vor.u32 v1, v8;
	v5 =	vld.idx.msk [tilespmem:v28+s12+$0x0], $0xffff  }
0x52: {  	v14 =	vadd.f32 v11, v14;
	v17 =	vadd.f32 v23, v17;
	v18 =	vor.u32 v1, v10;
	v6 =	vld.idx.msk [tilespmem:v28+s13+$0x0], $0xffff  }
0x53: {  	v12 =	vor.u32 v1, v22;
	v10 =	vor.u32 v1, v30;
	v21 =	vadd.f32 v25, v21;
	v8 =	vld.idx.msk [tilespmem:v15+s13+$0x0], $0xffff  }
0x54: {  	s26 =	smov.u32 s28;
	v19 =	vadd.f32 v29, v19;
	v22 =	vmul.f32 v26, v24;
	v11 =	vld.idx.msk [tilespmem:v20+s12+$0x0], $0xffff;
	v20 =	vmul.f32 v31, v27  }
0x55: {  	_ =	sdelay $0x3  }
0x56: {  	v1 =	vld.idx.msk [tilespmem:v15+s12+$0x0], $0xffff  }
0x57: {  	v53 =	vld.idx.msk [tilespmem:v13+s12+$0x0], $0xffff  }
0x58: {  	v23 =	vld.idx.msk [tilespmem:v18+s13+$0x0], $0xffff  }
0x59: {  	v24 =	vld.idx.msk [tilespmem:v3+s13+$0x0], $0xffff  }
0x5a: {  	v54 =	vld.idx.msk [tilespmem:v18+s12+$0x0], $0xffff  }
0x5b: {  	v55 =	vld.idx.msk [tilespmem:v13+s13+$0x0], $0xffff  }
0x5c: {  	v25 =	vld.idx.msk [tilespmem:v10+s12+$0x0], $0xffff  }
0x5d: {  	v26 =	vld.idx.msk [tilespmem:v12+s13+$0x0], $0xffff  }
0x5e: {  	v57 =	vld.idx.msk [tilespmem:v10+s13+$0x0], $0xffff  }
0x5f: {  	v7 =	vmul.f32 v7, v9;
	v3 =	vld.idx.msk [tilespmem:v3+s12+$0x0], $0xffff  }
0x60: {  	v56 =	vld.idx.msk [tilespmem:v12+s12+$0x0], $0xffff;
	v2 =	vmul.f32 v2, v16;
	v58 =	vadd.f32 v22, v21  }
0x61: {  	v59 =	vadd.f32 v20, v17;
	v5 =	vmul.f32 v6, v5;
	v7 =	vadd.f32 v7, v19  }
0x62: {  	v2 =	vadd.f32 v2, v14;
	v4 =	vmul.f32 v4, v11;
	v60 =	vmul.f32 v23, v54  }
0x63: {  	v5 =	vadd.f32 v5, v59;
	v1 =	vmul.f32 v8, v1;
	v61 =	vmul.f32 v55, v53  }
0x64: {  	v63 =	vmul.f32 v57, v25;
	v3 =	vmul.f32 v24, v3;
	v2 =	vadd.f32 v4, v2  }
0x65: {  	v62 =	vmul.f32 v26, v56;
	v6 =	vadd.f32 v60, v58;
	v1 =	vadd.f32 v1, v7  }
0x66: {  	v4 =	vadd.f32 v63, v5;
	v2 =	vadd.f32 v3, v2  }
0x67: {  	s24 =	sadd.s32 $0x1, s24;
	v6 =	vadd.f32 v61, v6;
	v1 =	vadd.f32 v62, v1  }
0x68: {  	p0 =	sne.s32 s24, $0x4  }
.Ltmp1:
0x69: {  	v1 =	vadd.f32 v4, v1;
	v2 =	vadd.f32 v2, v6;
	(pc) =	sbr.rel @p0 .LBB2_2-.Ltmp1, $3  }
0x6a: {  	_ = 	snop  }
0x6b: {  	v1 =	vadd.f32 v2, v1;
	_ =	sdelay $0x1  }
0x6c: {  	[tilespmem:s25+$0x8800] =	vst v1  }
0x6d: {  	s0 =	simm.s32 $0x100  }
0x6e: {  	[tilespmem:s12], [sflag:$0x1] =	stream.indirect.gather [hbm4b:s2+s11], $0x80, s0, s11, $0xb8;
	[tilespmem:$0x8A00] =	vst v63  }
0x6f: {  	s31 =	simm.s32 $0x500  }
0x70: {  	[tilespmem:s13], [sflag:$0x3] =	stream.indirect.gather [hbm4b:s3+s11], $0x80, s31, s11, $0xb8;
	[tilespmem:$0x8A00] =	vst v63  }
0x71: {  	_ =	swait.ge [sflag:s22], $0x2000  }
0x72: {  	[sflag:s22] =	ssyncset.done $0x0  }
0x73: {  	[sflag:s22] =	ssyncadd.s32 $0xFFFFE000  }
0x74: {  	_ =	swait.ge [sflag:s23], $0x2000  }
0x75: {  	[sflag:s23] =	ssyncset.done $0x0  }
0x76: {  	s24 =	simm.s32 $0x0;
	[sflag:s23] =	ssyncadd.s32 $0xFFFFE000  }
.LBB2_6:
0x77: {  	s0 =	simm.s32 $0x3  }
0x78: {  	s25 =	sshll.u32 s24, $0x4;
	s26 =	simm.s32 $0x1;
	v1 =	vmov s0  }
0x79: {  	v2 =	vmov s25;
	v3 =	vmov s26;
	v1 =	vand.u32 $0x7B, v1  }
0x7a: {  	v2 =	vshll.u32 v2, $0x7;
	v3 =	vand.u32 $0x79, v3;
	v4 =	vbroadcast v1, $0x0  }
0x7b: {  	s29 =	simm.s32 $0x6;
	v1 =	vor.u32 v0, v2;
	v3 =	vbroadcast v3, $0x0  }
0x7c: {  	s30 =	simm.s32 $0x2;
	v5 =	vmov s29;
	v4 =	vor.u32 v1, v4  }
0x7d: {  	v6 =	vmov s30;
	v5 =	vand.u32 $0x7E, v5;
	v3 =	vor.u32 v1, v3  }
0x7e: {  	v6 =	vand.u32 $0x7A, v6;
	v5 =	vbroadcast v5, $0x0  }
0x7f: {  	s26 =	simm.s32 $0x0;
	v6 =	vbroadcast v6, $0x0  }
0x80: {  	v2 =	vmov s26;
	v5 =	vor.u32 v1, v5  }
0x81: {  	s29 =	simm.s32 $0x5;
	v2 =	vand.u32 $0x78, v2;
	v6 =	vor.u32 v1, v6;
	v8 =	vld.idx.msk [tilespmem:v4+s17+$0x0], $0xffff  }
0x82: {  	s31 =	simm.s32 $0x7;
	v11 =	vmov s29;
	v2 =	vbroadcast v2, $0x0;
	v10 =	vld.idx.msk [tilespmem:v3+s15+$0x0], $0xffff  }
0x83: {  	v7 =	vmov s31;
	v11 =	vand.u32 $0x7D, v11;
	v3 =	vld.idx.msk [tilespmem:v3+s17+$0x0], $0xffff  }
0x84: {  	v7 =	vand.u32 $0x7F, v7;
	s29 =	simm.s32 $0x9;
	v11 =	vbroadcast v11, $0x0;
	v2 =	vor.u32 v1, v2;
	v4 =	vld.idx.msk [tilespmem:v4+s15+$0x0], $0xffff  }
0x85: {  	s26 =	simm.s32 $0x4;
	v7 =	vbroadcast v7, $0x0;
	v16 =	vmov s29;
	v22 =	vld.idx.msk [tilespmem:v5+s15+$0x0], $0xffff  }
0x86: {  	v9 =	vmov s26;
	v16 =	vand.u32 $0x79, v16;
	v11 =	vor.u32 v1, v11;
	v17 =	vld.idx.msk [tilespmem:v6+s17+$0x0], $0xffff  }
0x87: {  	v19 =	vimm.f32 $0.0e+00;
	s28 =	simm.s32 $0xB;
	v9 =	vand.u32 $0x7C, v9;
	v16 =	vbroadcast v16, $0x0;
	v6 =	vld.idx.msk [tilespmem:v6+s15+$0x0], $0xffff  }
0x88: {  	s30 =	simm.s32 $0xF;
	v15 =	vmov s28;
	v12 =	vor.u32 v1, v7;
	v9 =	vbroadcast v9, $0x0;
	v23 =	vld.idx.msk [tilespmem:v5+s17+$0x0], $0xffff  }
0x89: {  	s31 =	simm.s32 $0x8;
	v14 =	vmov s30;
	v15 =	vand.u32 $0x7B, v15;
	v25 =	vor.u32 v1, v16;
	v7 =	vld.idx.msk [tilespmem:v2+s17+$0x0], $0xffff  }
0x8a: {  	v15 =	vbroadcast v15, $0x0;
	s26 =	simm.s32 $0xA;
	v9 =	vor.u32 v1, v9;
	v13 =	vld.idx.msk [tilespmem:v2+s15+$0x0], $0xffff;
	v2 =	vmov s31  }
0x8b: {  	s29 =	simm.s32 $0xC;
	v14 =	vand.u32 $0x7F, v14;
	v20 =	vmov s26;
	v24 =	vld.idx.msk [tilespmem:v11+s15+$0x0], $0xffff;
	v18 =	vand.u32 $0x78, v2  }
0x8c: {  	s30 =	simm.s32 $0xE;
	v21 =	vmov s29;
	v27 =	vld.idx.msk [tilespmem:v11+s17+$0x0], $0xffff;
	v5 =	vbroadcast v18, $0x0;
	v18 =	vand.u32 $0x7A, v20  }
0x8d: {  	v2 =	vld.idx.msk [tilespmem:v12+s17+$0x0], $0xffff;
	v20 =	vor.u32 v1, v15;
	v15 =	vmov s30;
	v8 =	vmul.f32 v8, v4  }
0x8e: {  	v16 =	vand.u32 $0x7E, v15;
	v10 =	vmul.f32 v3, v10;
	v28 =	vmul.f32 v17, v6;
	v6 =	vld.idx.msk [tilespmem:v25+s17+$0x0], $0xffff  }
0x8f: {  	s31 =	simm.s32 $0xD;
	v3 =	vand.u32 $0x7C, v21;
	v15 =	vor.u32 v1, v5;
	v26 =	vmul.f32 v7, v13;
	v7 =	vld.idx.msk [tilespmem:v9+s17+$0x0], $0xffff  }
0x90: {  	v22 =	vmul.f32 v23, v22;
	v5 =	vbroadcast v14, $0x0;
	v13 =	vmov s31;
	v9 =	vld.idx.msk [tilespmem:v9+s15+$0x0], $0xffff  }
0x91: {  	v21 =	vbroadcast v3, $0x0;
	v11 =	vand.u32 $0x7D, v13;
	v13 =	vbroadcast v16, $0x0;
	v16 =	vld.idx.msk [tilespmem:v12+s15+$0x0], $0xffff  }
0x92: {  	v17 =	vadd.f32 v10, v19;
	v12 =	vbroadcast v18, $0x0;
	v3 =	vor.u32 v1, v5;
	v5 =	vld.idx.msk [tilespmem:v25+s15+$0x0], $0xffff  }
0x93: {  	v14 =	vadd.f32 v8, v19;
	v4 =	vld.idx.msk [tilespmem:v20+s17+$0x0], $0xffff;
	v11 =	vbroadcast v11, $0x0;
	v13 =	vor.u32 v1, v13  }
0x94: {  	v18 =	vor.u32 v1, v12;
	v12 =	vor.u32 v1, v21;
	v21 =	vadd.f32 v28, v19;
	v8 =	vld.idx.msk [tilespmem:v15+s17+$0x0], $0xffff  }
0x95: {  	s28 =	simm.s32 $0x17;
	v19 =	vadd.f32 v26, v19;
	v10 =	vor.u32 v1, v11;
	v11 =	vld.idx.msk [tilespmem:v20+s15+$0x0], $0xffff;
	v20 =	vmul.f32 v27, v24  }
.LBB2_7:
0x96: {  	s0 =	sadd.s32 $0xFFFFFFF9, s28  }
0x97: {  	s26 =	sadd.s32 $0xFFFFFFFA, s28;
	s29 =	sadd.s32 $0xFFFFFFFB, s28;
	v23 =	vmov s28;
	v15 =	vld.idx.msk [tilespmem:v15+s15+$0x0], $0xffff;
	v7 =	vmul.f32 v7, v9;
	v9 =	vmul.f32 v2, v16;
	s30 =	smov.u32 s28  }
0x98: {  	v2 =	vmov s0;
	v16 =	vmov s26;
	s0 =	sadd.s32 $0xFFFFFFFC, s30;
	s31 =	sadd.s32 $0xFFFFFFFD, s30;
	s26 =	sadd.s32 $0x8, s28;
	v24 =	vld.idx.msk [tilespmem:v13+s15+$0x0], $0xffff;
	v21 =	vadd.f32 v22, v21  }
0x99: {  	p0 =	sne.s32 s28, $0x7F;
	v22 =	vand.u32 $0x78, v2;
	v2 =	vmov s0;
	v25 =	vld.idx.msk [tilespmem:v18+s17+$0x0], $0xffff;
	v19 =	vadd.f32 v7, v19  }
0x9a: {  	v17 =	vadd.f32 v20, v17;
	v7 =	vmov s29;
	v26 =	vand.u32 $0x7B, v2;
	v2 =	vld.idx.msk [tilespmem:v3+s17+$0x0], $0xffff  }
0x9b: {  	v16 =	vand.u32 $0x79, v16;
	s0 =	sadd.s32 $0xFFFFFFFF, s30;
	v14 =	vadd.f32 v9, v14;
	v20 =	vbroadcast v26, $0x0;
	v18 =	vld.idx.msk [tilespmem:v18+s15+$0x0], $0xffff  }
0x9c: {  	v23 =	vand.u32 $0x7F, v23;
	v9 =	vbroadcast v16, $0x0;
	v16 =	vmov s31;
	v26 =	vld.idx.msk [tilespmem:v13+s17+$0x0], $0xffff  }
0x9d: {  	v13 =	vbroadcast v22, $0x0;
	v22 =	vand.u32 $0x7A, v7;
	v20 =	vor.u32 v1, v20;
	v27 =	vld.idx.msk [tilespmem:v10+s15+$0x0], $0xffff  }
0x9e: {  	s28 =	sadd.s32 $0xFFFFFFFE, s30;
	v28 =	vor.u32 v1, v9;
	v9 =	vmov s0;
	v29 =	vmul.f32 v8, v15;
	v7 =	vld.idx.msk [tilespmem:v12+s17+$0x0], $0xffff  }
0x9f: {  	v11 =	vmul.f32 v4, v11;
	v8 =	vmov s28;
	v30 =	vand.u32 $0x7E, v9;
	v9 =	vld.idx.msk [tilespmem:v12+s15+$0x0], $0xffff  }
0xa0: {  	v15 =	vor.u32 v1, v13;
	v12 =	vbroadcast v23, $0x0;
	v23 =	vmul.f32 v6, v5;
	v31 =	vld.idx.msk [tilespmem:v10+s17+$0x0], $0xffff  }
0xa1: {  	v5 =	vand.u32 $0x7C, v16;
	v6 =	vand.u32 $0x7D, v8;
	v8 =	vbroadcast v30, $0x0;
	v16 =	vld.idx.msk [tilespmem:v3+s15+$0x0], $0xffff  }
.Ltmp2:
0xa2: {  	v10 =	vbroadcast v22, $0x0;
	v22 =	vbroadcast v5, $0x0;
	v3 =	vor.u32 v1, v12;
	v4 =	vld.idx.msk [tilespmem:v20+s17+$0x0], $0xffff;
	(pc) =	sbr.rel @p0 .LBB2_7-.Ltmp2, $4  }
0xa3: {  	v30 =	vbroadcast v6, $0x0;
	v25 =	vmul.f32 v25, v18;
	v13 =	vor.u32 v1, v8;
	v5 =	vld.idx.msk [tilespmem:v28+s15+$0x0], $0xffff  }
0xa4: {  	v14 =	vadd.f32 v11, v14;
	v17 =	vadd.f32 v23, v17;
	v18 =	vor.u32 v1, v10;
	v6 =	vld.idx.msk [tilespmem:v28+s17+$0x0], $0xffff  }
0xa5: {  	v12 =	vor.u32 v1, v22;
	v10 =	vor.u32 v1, v30;
	v21 =	vadd.f32 v25, v21;
	v8 =	vld.idx.msk [tilespmem:v15+s17+$0x0], $0xffff  }
0xa6: {  	s28 =	smov.u32 s26;
	v19 =	vadd.f32 v29, v19;
	v22 =	vmul.f32 v26, v24;
	v11 =	vld.idx.msk [tilespmem:v20+s15+$0x0], $0xffff;
	v20 =	vmul.f32 v31, v27  }
0xa7: {  	_ =	sdelay $0x3  }
0xa8: {  	v1 =	vld.idx.msk [tilespmem:v15+s15+$0x0], $0xffff  }
0xa9: {  	v53 =	vld.idx.msk [tilespmem:v13+s15+$0x0], $0xffff  }
0xaa: {  	v23 =	vld.idx.msk [tilespmem:v18+s17+$0x0], $0xffff  }
0xab: {  	v24 =	vld.idx.msk [tilespmem:v3+s17+$0x0], $0xffff  }
0xac: {  	v54 =	vld.idx.msk [tilespmem:v18+s15+$0x0], $0xffff  }
0xad: {  	v55 =	vld.idx.msk [tilespmem:v13+s17+$0x0], $0xffff  }
0xae: {  	v25 =	vld.idx.msk [tilespmem:v10+s15+$0x0], $0xffff  }
0xaf: {  	v26 =	vld.idx.msk [tilespmem:v12+s17+$0x0], $0xffff  }
0xb0: {  	v57 =	vld.idx.msk [tilespmem:v10+s17+$0x0], $0xffff  }
0xb1: {  	v7 =	vmul.f32 v7, v9;
	v3 =	vld.idx.msk [tilespmem:v3+s15+$0x0], $0xffff  }
0xb2: {  	v56 =	vld.idx.msk [tilespmem:v12+s15+$0x0], $0xffff;
	v2 =	vmul.f32 v2, v16;
	v58 =	vadd.f32 v22, v21  }
0xb3: {  	v59 =	vadd.f32 v20, v17;
	v5 =	vmul.f32 v6, v5;
	v7 =	vadd.f32 v7, v19  }
0xb4: {  	v2 =	vadd.f32 v2, v14;
	v4 =	vmul.f32 v4, v11;
	v60 =	vmul.f32 v23, v54  }
0xb5: {  	v5 =	vadd.f32 v5, v59;
	v1 =	vmul.f32 v8, v1;
	v61 =	vmul.f32 v55, v53  }
0xb6: {  	v63 =	vmul.f32 v57, v25;
	v3 =	vmul.f32 v24, v3;
	v2 =	vadd.f32 v4, v2  }
0xb7: {  	v62 =	vmul.f32 v26, v56;
	v6 =	vadd.f32 v60, v58;
	v1 =	vadd.f32 v1, v7  }
0xb8: {  	v4 =	vadd.f32 v63, v5;
	v2 =	vadd.f32 v3, v2  }
0xb9: {  	s24 =	sadd.s32 $0x1, s24;
	v6 =	vadd.f32 v61, v6;
	v1 =	vadd.f32 v62, v1  }
0xba: {  	p0 =	sne.s32 s24, $0x4  }
.Ltmp3:
0xbb: {  	v1 =	vadd.f32 v4, v1;
	v2 =	vadd.f32 v2, v6;
	(pc) =	sbr.rel @p0 .LBB2_6-.Ltmp3, $3  }
0xbc: {  	_ = 	snop  }
0xbd: {  	v1 =	vadd.f32 v2, v1;
	_ =	sdelay $0x1  }
0xbe: {  	[tilespmem:s25+$0x8840] =	vst v1  }
0xbf: {  	s0 =	simm.s32 $0x180  }
0xc0: {  	[tilespmem:s15], [sflag:$0x2] =	stream.indirect.gather [hbm4b:s2+s11], $0x80, s0, s11, $0xb8;
	[tilespmem:$0x8A00] =	vst v63  }
0xc1: {  	s31 =	simm.s32 $0x580  }
0xc2: {  	[tilespmem:s17], [sflag:$0x4] =	stream.indirect.gather [hbm4b:s3+s11], $0x80, s31, s11, $0xb8;
	[tilespmem:$0x8A00] =	vst v63  }
0xc3: {  	_ =	swait.ge [sflag:s18], $0x2000  }
0xc4: {  	[sflag:s18] =	ssyncset.done $0x0  }
0xc5: {  	[sflag:s18] =	ssyncadd.s32 $0xFFFFE000  }
0xc6: {  	_ =	swait.ge [sflag:s19], $0x2000  }
0xc7: {  	[sflag:s19] =	ssyncset.done $0x0  }
0xc8: {  	s24 =	simm.s32 $0x0;
	[sflag:s19] =	ssyncadd.s32 $0xFFFFE000  }
.LBB2_10:
0xc9: {  	s0 =	simm.s32 $0x3  }
0xca: {  	s25 =	sshll.u32 s24, $0x4;
	s26 =	simm.s32 $0x1;
	v1 =	vmov s0  }
0xcb: {  	v2 =	vmov s25;
	v3 =	vmov s26;
	v1 =	vand.u32 $0x7B, v1  }
0xcc: {  	v2 =	vshll.u32 v2, $0x7;
	v3 =	vand.u32 $0x79, v3;
	v4 =	vbroadcast v1, $0x0  }
0xcd: {  	s29 =	simm.s32 $0x6;
	v1 =	vor.u32 v0, v2;
	v3 =	vbroadcast v3, $0x0  }
0xce: {  	s30 =	simm.s32 $0x2;
	v5 =	vmov s29;
	v4 =	vor.u32 v1, v4  }
0xcf: {  	v6 =	vmov s30;
	v5 =	vand.u32 $0x7E, v5;
	v3 =	vor.u32 v1, v3  }
0xd0: {  	v6 =	vand.u32 $0x7A, v6;
	v5 =	vbroadcast v5, $0x0  }
0xd1: {  	s26 =	simm.s32 $0x0;
	v6 =	vbroadcast v6, $0x0  }
0xd2: {  	v2 =	vmov s26;
	v5 =	vor.u32 v1, v5  }
0xd3: {  	s29 =	simm.s32 $0x5;
	v2 =	vand.u32 $0x78, v2;
	v6 =	vor.u32 v1, v6;
	v8 =	vld.idx.msk [tilespmem:v4+s13+$0x0], $0xffff  }
0xd4: {  	s31 =	simm.s32 $0x7;
	v11 =	vmov s29;
	v2 =	vbroadcast v2, $0x0;
	v10 =	vld.idx.msk [tilespmem:v3+s12+$0x0], $0xffff  }
0xd5: {  	v7 =	vmov s31;
	v11 =	vand.u32 $0x7D, v11;
	v3 =	vld.idx.msk [tilespmem:v3+s13+$0x0], $0xffff  }
0xd6: {  	v7 =	vand.u32 $0x7F, v7;
	s29 =	simm.s32 $0x9;
	v11 =	vbroadcast v11, $0x0;
	v2 =	vor.u32 v1, v2;
	v4 =	vld.idx.msk [tilespmem:v4+s12+$0x0], $0xffff  }
0xd7: {  	s26 =	simm.s32 $0x4;
	v7 =	vbroadcast v7, $0x0;
	v16 =	vmov s29;
	v22 =	vld.idx.msk [tilespmem:v5+s12+$0x0], $0xffff  }
0xd8: {  	v9 =	vmov s26;
	v16 =	vand.u32 $0x79, v16;
	v11 =	vor.u32 v1, v11;
	v17 =	vld.idx.msk [tilespmem:v6+s13+$0x0], $0xffff  }
0xd9: {  	v19 =	vimm.f32 $0.0e+00;
	s28 =	simm.s32 $0xB;
	v9 =	vand.u32 $0x7C, v9;
	v16 =	vbroadcast v16, $0x0;
	v6 =	vld.idx.msk [tilespmem:v6+s12+$0x0], $0xffff  }
0xda: {  	s30 =	simm.s32 $0xF;
	v15 =	vmov s28;
	v12 =	vor.u32 v1, v7;
	v9 =	vbroadcast v9, $0x0;
	v23 =	vld.idx.msk [tilespmem:v5+s13+$0x0], $0xffff  }
0xdb: {  	s31 =	simm.s32 $0x8;
	v14 =	vmov s30;
	v15 =	vand.u32 $0x7B, v15;
	v25 =	vor.u32 v1, v16;
	v7 =	vld.idx.msk [tilespmem:v2+s13+$0x0], $0xffff  }
0xdc: {  	v15 =	vbroadcast v15, $0x0;
	s26 =	simm.s32 $0xA;
	v9 =	vor.u32 v1, v9;
	v13 =	vld.idx.msk [tilespmem:v2+s12+$0x0], $0xffff;
	v2 =	vmov s31  }
0xdd: {  	s29 =	simm.s32 $0xC;
	v14 =	vand.u32 $0x7F, v14;
	v20 =	vmov s26;
	v24 =	vld.idx.msk [tilespmem:v11+s12+$0x0], $0xffff;
	v18 =	vand.u32 $0x78, v2  }
0xde: {  	s30 =	simm.s32 $0xE;
	v21 =	vmov s29;
	v27 =	vld.idx.msk [tilespmem:v11+s13+$0x0], $0xffff;
	v5 =	vbroadcast v18, $0x0;
	v18 =	vand.u32 $0x7A, v20  }
0xdf: {  	v2 =	vld.idx.msk [tilespmem:v12+s13+$0x0], $0xffff;
	v20 =	vor.u32 v1, v15;
	v15 =	vmov s30;
	v8 =	vmul.f32 v8, v4  }
0xe0: {  	v16 =	vand.u32 $0x7E, v15;
	v10 =	vmul.f32 v3, v10;
	v28 =	vmul.f32 v17, v6;
	v6 =	vld.idx.msk [tilespmem:v25+s13+$0x0], $0xffff  }
0xe1: {  	s31 =	simm.s32 $0xD;
	v3 =	vand.u32 $0x7C, v21;
	v15 =	vor.u32 v1, v5;
	v26 =	vmul.f32 v7, v13;
	v7 =	vld.idx.msk [tilespmem:v9+s13+$0x0], $0xffff  }
0xe2: {  	v22 =	vmul.f32 v23, v22;
	v5 =	vbroadcast v14, $0x0;
	v13 =	vmov s31;
	v9 =	vld.idx.msk [tilespmem:v9+s12+$0x0], $0xffff  }
0xe3: {  	v21 =	vbroadcast v3, $0x0;
	v11 =	vand.u32 $0x7D, v13;
	v13 =	vbroadcast v16, $0x0;
	v16 =	vld.idx.msk [tilespmem:v12+s12+$0x0], $0xffff  }
0xe4: {  	v17 =	vadd.f32 v10, v19;
	v12 =	vbroadcast v18, $0x0;
	v3 =	vor.u32 v1, v5;
	v5 =	vld.idx.msk [tilespmem:v25+s12+$0x0], $0xffff  }
0xe5: {  	v14 =	vadd.f32 v8, v19;
	v4 =	vld.idx.msk [tilespmem:v20+s13+$0x0], $0xffff;
	v11 =	vbroadcast v11, $0x0;
	v13 =	vor.u32 v1, v13  }
0xe6: {  	v18 =	vor.u32 v1, v12;
	v12 =	vor.u32 v1, v21;
	v21 =	vadd.f32 v28, v19;
	v8 =	vld.idx.msk [tilespmem:v15+s13+$0x0], $0xffff  }
0xe7: {  	s28 =	simm.s32 $0x17;
	v19 =	vadd.f32 v26, v19;
	v10 =	vor.u32 v1, v11;
	v11 =	vld.idx.msk [tilespmem:v20+s12+$0x0], $0xffff;
	v20 =	vmul.f32 v27, v24  }
.LBB2_11:
0xe8: {  	s0 =	sadd.s32 $0xFFFFFFF9, s28  }
0xe9: {  	s26 =	sadd.s32 $0xFFFFFFFA, s28;
	s29 =	sadd.s32 $0xFFFFFFFB, s28;
	v23 =	vmov s28;
	v15 =	vld.idx.msk [tilespmem:v15+s12+$0x0], $0xffff;
	v7 =	vmul.f32 v7, v9;
	v9 =	vmul.f32 v2, v16;
	s30 =	smov.u32 s28  }
0xea: {  	v2 =	vmov s0;
	v16 =	vmov s26;
	s0 =	sadd.s32 $0xFFFFFFFC, s30;
	s31 =	sadd.s32 $0xFFFFFFFD, s30;
	s26 =	sadd.s32 $0x8, s28;
	v24 =	vld.idx.msk [tilespmem:v13+s12+$0x0], $0xffff;
	v21 =	vadd.f32 v22, v21  }
0xeb: {  	p0 =	sne.s32 s28, $0x7F;
	v22 =	vand.u32 $0x78, v2;
	v2 =	vmov s0;
	v25 =	vld.idx.msk [tilespmem:v18+s13+$0x0], $0xffff;
	v19 =	vadd.f32 v7, v19  }
0xec: {  	v17 =	vadd.f32 v20, v17;
	v7 =	vmov s29;
	v26 =	vand.u32 $0x7B, v2;
	v2 =	vld.idx.msk [tilespmem:v3+s13+$0x0], $0xffff  }
0xed: {  	v16 =	vand.u32 $0x79, v16;
	s0 =	sadd.s32 $0xFFFFFFFF, s30;
	v14 =	vadd.f32 v9, v14;
	v20 =	vbroadcast v26, $0x0;
	v18 =	vld.idx.msk [tilespmem:v18+s12+$0x0], $0xffff  }
0xee: {  	v23 =	vand.u32 $0x7F, v23;
	v9 =	vbroadcast v16, $0x0;
	v16 =	vmov s31;
	v26 =	vld.idx.msk [tilespmem:v13+s13+$0x0], $0xffff  }
0xef: {  	v13 =	vbroadcast v22, $0x0;
	v22 =	vand.u32 $0x7A, v7;
	v20 =	vor.u32 v1, v20;
	v27 =	vld.idx.msk [tilespmem:v10+s12+$0x0], $0xffff  }
0xf0: {  	s28 =	sadd.s32 $0xFFFFFFFE, s30;
	v28 =	vor.u32 v1, v9;
	v9 =	vmov s0;
	v29 =	vmul.f32 v8, v15;
	v7 =	vld.idx.msk [tilespmem:v12+s13+$0x0], $0xffff  }
0xf1: {  	v11 =	vmul.f32 v4, v11;
	v8 =	vmov s28;
	v30 =	vand.u32 $0x7E, v9;
	v9 =	vld.idx.msk [tilespmem:v12+s12+$0x0], $0xffff  }
0xf2: {  	v15 =	vor.u32 v1, v13;
	v12 =	vbroadcast v23, $0x0;
	v23 =	vmul.f32 v6, v5;
	v31 =	vld.idx.msk [tilespmem:v10+s13+$0x0], $0xffff  }
0xf3: {  	v5 =	vand.u32 $0x7C, v16;
	v6 =	vand.u32 $0x7D, v8;
	v8 =	vbroadcast v30, $0x0;
	v16 =	vld.idx.msk [tilespmem:v3+s12+$0x0], $0xffff  }
.Ltmp4:
0xf4: {  	v10 =	vbroadcast v22, $0x0;
	v22 =	vbroadcast v5, $0x0;
	v3 =	vor.u32 v1, v12;
	v4 =	vld.idx.msk [tilespmem:v20+s13+$0x0], $0xffff;
	(pc) =	sbr.rel @p0 .LBB2_11-.Ltmp4, $4  }
0xf5: {  	v30 =	vbroadcast v6, $0x0;
	v25 =	vmul.f32 v25, v18;
	v13 =	vor.u32 v1, v8;
	v5 =	vld.idx.msk [tilespmem:v28+s12+$0x0], $0xffff  }
0xf6: {  	v14 =	vadd.f32 v11, v14;
	v17 =	vadd.f32 v23, v17;
	v18 =	vor.u32 v1, v10;
	v6 =	vld.idx.msk [tilespmem:v28+s13+$0x0], $0xffff  }
0xf7: {  	v12 =	vor.u32 v1, v22;
	v10 =	vor.u32 v1, v30;
	v21 =	vadd.f32 v25, v21;
	v8 =	vld.idx.msk [tilespmem:v15+s13+$0x0], $0xffff  }
0xf8: {  	s28 =	smov.u32 s26;
	v19 =	vadd.f32 v29, v19;
	v22 =	vmul.f32 v26, v24;
	v11 =	vld.idx.msk [tilespmem:v20+s12+$0x0], $0xffff;
	v20 =	vmul.f32 v31, v27  }
0xf9: {  	_ =	sdelay $0x3  }
0xfa: {  	v1 =	vld.idx.msk [tilespmem:v15+s12+$0x0], $0xffff  }
0xfb: {  	v53 =	vld.idx.msk [tilespmem:v13+s12+$0x0], $0xffff  }
0xfc: {  	v23 =	vld.idx.msk [tilespmem:v18+s13+$0x0], $0xffff  }
0xfd: {  	v24 =	vld.idx.msk [tilespmem:v3+s13+$0x0], $0xffff  }
0xfe: {  	v54 =	vld.idx.msk [tilespmem:v18+s12+$0x0], $0xffff  }
0xff: {  	v55 =	vld.idx.msk [tilespmem:v13+s13+$0x0], $0xffff  }
0x100: {  	v25 =	vld.idx.msk [tilespmem:v10+s12+$0x0], $0xffff  }
0x101: {  	v26 =	vld.idx.msk [tilespmem:v12+s13+$0x0], $0xffff  }
0x102: {  	v57 =	vld.idx.msk [tilespmem:v10+s13+$0x0], $0xffff  }
0x103: {  	v7 =	vmul.f32 v7, v9;
	v3 =	vld.idx.msk [tilespmem:v3+s12+$0x0], $0xffff  }
0x104: {  	v56 =	vld.idx.msk [tilespmem:v12+s12+$0x0], $0xffff;
	v2 =	vmul.f32 v2, v16;
	v58 =	vadd.f32 v22, v21  }
0x105: {  	v59 =	vadd.f32 v20, v17;
	v5 =	vmul.f32 v6, v5;
	v7 =	vadd.f32 v7, v19  }
0x106: {  	v2 =	vadd.f32 v2, v14;
	v4 =	vmul.f32 v4, v11;
	v60 =	vmul.f32 v23, v54  }
0x107: {  	v5 =	vadd.f32 v5, v59;
	v1 =	vmul.f32 v8, v1;
	v61 =	vmul.f32 v55, v53  }
0x108: {  	v63 =	vmul.f32 v57, v25;
	v3 =	vmul.f32 v24, v3;
	v2 =	vadd.f32 v4, v2  }
0x109: {  	v62 =	vmul.f32 v26, v56;
	v6 =	vadd.f32 v60, v58;
	v1 =	vadd.f32 v1, v7  }
0x10a: {  	v4 =	vadd.f32 v63, v5;
	v2 =	vadd.f32 v3, v2  }
0x10b: {  	s24 =	sadd.s32 $0x1, s24;
	v6 =	vadd.f32 v61, v6;
	v1 =	vadd.f32 v62, v1  }
0x10c: {  	p0 =	sne.s32 s24, $0x4  }
.Ltmp5:
0x10d: {  	v1 =	vadd.f32 v4, v1;
	v2 =	vadd.f32 v2, v6;
	(pc) =	sbr.rel @p0 .LBB2_10-.Ltmp5, $3  }
0x10e: {  	_ = 	snop  }
0x10f: {  	v1 =	vadd.f32 v2, v1;
	_ =	sdelay $0x1  }
0x110: {  	[tilespmem:s25+$0x8880] =	vst v1  }
0x111: {  	s0 =	simm.s32 $0x200  }
0x112: {  	[tilespmem:s12], [sflag:$0x1] =	stream.indirect.gather [hbm4b:s2+s11], $0x80, s0, s11, $0xb8;
	[tilespmem:$0x8A00] =	vst v63  }
0x113: {  	s31 =	simm.s32 $0x600  }
0x114: {  	[tilespmem:s13], [sflag:$0x3] =	stream.indirect.gather [hbm4b:s3+s11], $0x80, s31, s11, $0xb8;
	[tilespmem:$0x8A00] =	vst v63  }
0x115: {  	_ =	swait.ge [sflag:s22], $0x2000  }
0x116: {  	[sflag:s22] =	ssyncset.done $0x0  }
0x117: {  	[sflag:s22] =	ssyncadd.s32 $0xFFFFE000  }
0x118: {  	_ =	swait.ge [sflag:s23], $0x2000  }
0x119: {  	[sflag:s23] =	ssyncset.done $0x0  }
0x11a: {  	s24 =	simm.s32 $0x0;
	[sflag:s23] =	ssyncadd.s32 $0xFFFFE000  }
.LBB2_14:
0x11b: {  	s0 =	simm.s32 $0x3  }
0x11c: {  	s25 =	sshll.u32 s24, $0x4;
	s26 =	simm.s32 $0x1;
	v1 =	vmov s0  }
0x11d: {  	v2 =	vmov s25;
	v3 =	vmov s26;
	v1 =	vand.u32 $0x7B, v1  }
0x11e: {  	v2 =	vshll.u32 v2, $0x7;
	v3 =	vand.u32 $0x79, v3;
	v4 =	vbroadcast v1, $0x0  }
0x11f: {  	s29 =	simm.s32 $0x6;
	v1 =	vor.u32 v0, v2;
	v3 =	vbroadcast v3, $0x0  }
0x120: {  	s30 =	simm.s32 $0x2;
	v5 =	vmov s29;
	v4 =	vor.u32 v1, v4  }
0x121: {  	v6 =	vmov s30;
	v5 =	vand.u32 $0x7E, v5;
	v3 =	vor.u32 v1, v3  }
0x122: {  	v6 =	vand.u32 $0x7A, v6;
	v5 =	vbroadcast v5, $0x0  }
0x123: {  	s26 =	simm.s32 $0x0;
	v6 =	vbroadcast v6, $0x0  }
0x124: {  	v2 =	vmov s26;
	v5 =	vor.u32 v1, v5  }
0x125: {  	s29 =	simm.s32 $0x5;
	v2 =	vand.u32 $0x78, v2;
	v6 =	vor.u32 v1, v6;
	v8 =	vld.idx.msk [tilespmem:v4+s17+$0x0], $0xffff  }
0x126: {  	s31 =	simm.s32 $0x7;
	v11 =	vmov s29;
	v2 =	vbroadcast v2, $0x0;
	v10 =	vld.idx.msk [tilespmem:v3+s15+$0x0], $0xffff  }
0x127: {  	v7 =	vmov s31;
	v11 =	vand.u32 $0x7D, v11;
	v3 =	vld.idx.msk [tilespmem:v3+s17+$0x0], $0xffff  }
0x128: {  	v7 =	vand.u32 $0x7F, v7;
	s29 =	simm.s32 $0x9;
	v11 =	vbroadcast v11, $0x0;
	v2 =	vor.u32 v1, v2;
	v4 =	vld.idx.msk [tilespmem:v4+s15+$0x0], $0xffff  }
0x129: {  	s26 =	simm.s32 $0x4;
	v7 =	vbroadcast v7, $0x0;
	v16 =	vmov s29;
	v22 =	vld.idx.msk [tilespmem:v5+s15+$0x0], $0xffff  }
0x12a: {  	v9 =	vmov s26;
	v16 =	vand.u32 $0x79, v16;
	v11 =	vor.u32 v1, v11;
	v17 =	vld.idx.msk [tilespmem:v6+s17+$0x0], $0xffff  }
0x12b: {  	v19 =	vimm.f32 $0.0e+00;
	s28 =	simm.s32 $0xB;
	v9 =	vand.u32 $0x7C, v9;
	v16 =	vbroadcast v16, $0x0;
	v6 =	vld.idx.msk [tilespmem:v6+s15+$0x0], $0xffff  }
0x12c: {  	s30 =	simm.s32 $0xF;
	v15 =	vmov s28;
	v12 =	vor.u32 v1, v7;
	v9 =	vbroadcast v9, $0x0;
	v23 =	vld.idx.msk [tilespmem:v5+s17+$0x0], $0xffff  }
0x12d: {  	s31 =	simm.s32 $0x8;
	v14 =	vmov s30;
	v15 =	vand.u32 $0x7B, v15;
	v25 =	vor.u32 v1, v16;
	v7 =	vld.idx.msk [tilespmem:v2+s17+$0x0], $0xffff  }
0x12e: {  	v15 =	vbroadcast v15, $0x0;
	s26 =	simm.s32 $0xA;
	v9 =	vor.u32 v1, v9;
	v13 =	vld.idx.msk [tilespmem:v2+s15+$0x0], $0xffff;
	v2 =	vmov s31  }
0x12f: {  	s29 =	simm.s32 $0xC;
	v14 =	vand.u32 $0x7F, v14;
	v20 =	vmov s26;
	v24 =	vld.idx.msk [tilespmem:v11+s15+$0x0], $0xffff;
	v18 =	vand.u32 $0x78, v2  }
0x130: {  	s30 =	simm.s32 $0xE;
	v21 =	vmov s29;
	v27 =	vld.idx.msk [tilespmem:v11+s17+$0x0], $0xffff;
	v5 =	vbroadcast v18, $0x0;
	v18 =	vand.u32 $0x7A, v20  }
0x131: {  	v2 =	vld.idx.msk [tilespmem:v12+s17+$0x0], $0xffff;
	v20 =	vor.u32 v1, v15;
	v15 =	vmov s30;
	v8 =	vmul.f32 v8, v4  }
0x132: {  	v16 =	vand.u32 $0x7E, v15;
	v10 =	vmul.f32 v3, v10;
	v28 =	vmul.f32 v17, v6;
	v6 =	vld.idx.msk [tilespmem:v25+s17+$0x0], $0xffff  }
0x133: {  	s31 =	simm.s32 $0xD;
	v3 =	vand.u32 $0x7C, v21;
	v15 =	vor.u32 v1, v5;
	v26 =	vmul.f32 v7, v13;
	v7 =	vld.idx.msk [tilespmem:v9+s17+$0x0], $0xffff  }
0x134: {  	v22 =	vmul.f32 v23, v22;
	v5 =	vbroadcast v14, $0x0;
	v13 =	vmov s31;
	v9 =	vld.idx.msk [tilespmem:v9+s15+$0x0], $0xffff  }
0x135: {  	v21 =	vbroadcast v3, $0x0;
	v11 =	vand.u32 $0x7D, v13;
	v13 =	vbroadcast v16, $0x0;
	v16 =	vld.idx.msk [tilespmem:v12+s15+$0x0], $0xffff  }
0x136: {  	v17 =	vadd.f32 v10, v19;
	v12 =	vbroadcast v18, $0x0;
	v3 =	vor.u32 v1, v5;
	v5 =	vld.idx.msk [tilespmem:v25+s15+$0x0], $0xffff  }
0x137: {  	v14 =	vadd.f32 v8, v19;
	v4 =	vld.idx.msk [tilespmem:v20+s17+$0x0], $0xffff;
	v11 =	vbroadcast v11, $0x0;
	v13 =	vor.u32 v1, v13  }
0x138: {  	v18 =	vor.u32 v1, v12;
	v12 =	vor.u32 v1, v21;
	v21 =	vadd.f32 v28, v19;
	v8 =	vld.idx.msk [tilespmem:v15+s17+$0x0], $0xffff  }
0x139: {  	s28 =	simm.s32 $0x17;
	v19 =	vadd.f32 v26, v19;
	v10 =	vor.u32 v1, v11;
	v11 =	vld.idx.msk [tilespmem:v20+s15+$0x0], $0xffff;
	v20 =	vmul.f32 v27, v24  }
.LBB2_15:
0x13a: {  	s0 =	sadd.s32 $0xFFFFFFF9, s28  }
0x13b: {  	s26 =	sadd.s32 $0xFFFFFFFA, s28;
	s29 =	sadd.s32 $0xFFFFFFFB, s28;
	v23 =	vmov s28;
	v15 =	vld.idx.msk [tilespmem:v15+s15+$0x0], $0xffff;
	v7 =	vmul.f32 v7, v9;
	v9 =	vmul.f32 v2, v16;
	s30 =	smov.u32 s28  }
0x13c: {  	v2 =	vmov s0;
	v16 =	vmov s26;
	s0 =	sadd.s32 $0xFFFFFFFC, s30;
	s31 =	sadd.s32 $0xFFFFFFFD, s30;
	s26 =	sadd.s32 $0x8, s28;
	v24 =	vld.idx.msk [tilespmem:v13+s15+$0x0], $0xffff;
	v21 =	vadd.f32 v22, v21  }
0x13d: {  	p0 =	sne.s32 s28, $0x7F;
	v22 =	vand.u32 $0x78, v2;
	v2 =	vmov s0;
	v25 =	vld.idx.msk [tilespmem:v18+s17+$0x0], $0xffff;
	v19 =	vadd.f32 v7, v19  }
0x13e: {  	v17 =	vadd.f32 v20, v17;
	v7 =	vmov s29;
	v26 =	vand.u32 $0x7B, v2;
	v2 =	vld.idx.msk [tilespmem:v3+s17+$0x0], $0xffff  }
0x13f: {  	v16 =	vand.u32 $0x79, v16;
	s0 =	sadd.s32 $0xFFFFFFFF, s30;
	v14 =	vadd.f32 v9, v14;
	v20 =	vbroadcast v26, $0x0;
	v18 =	vld.idx.msk [tilespmem:v18+s15+$0x0], $0xffff  }
0x140: {  	v23 =	vand.u32 $0x7F, v23;
	v9 =	vbroadcast v16, $0x0;
	v16 =	vmov s31;
	v26 =	vld.idx.msk [tilespmem:v13+s17+$0x0], $0xffff  }
0x141: {  	v13 =	vbroadcast v22, $0x0;
	v22 =	vand.u32 $0x7A, v7;
	v20 =	vor.u32 v1, v20;
	v27 =	vld.idx.msk [tilespmem:v10+s15+$0x0], $0xffff  }
0x142: {  	s28 =	sadd.s32 $0xFFFFFFFE, s30;
	v28 =	vor.u32 v1, v9;
	v9 =	vmov s0;
	v29 =	vmul.f32 v8, v15;
	v7 =	vld.idx.msk [tilespmem:v12+s17+$0x0], $0xffff  }
0x143: {  	v11 =	vmul.f32 v4, v11;
	v8 =	vmov s28;
	v30 =	vand.u32 $0x7E, v9;
	v9 =	vld.idx.msk [tilespmem:v12+s15+$0x0], $0xffff  }
0x144: {  	v15 =	vor.u32 v1, v13;
	v12 =	vbroadcast v23, $0x0;
	v23 =	vmul.f32 v6, v5;
	v31 =	vld.idx.msk [tilespmem:v10+s17+$0x0], $0xffff  }
0x145: {  	v5 =	vand.u32 $0x7C, v16;
	v6 =	vand.u32 $0x7D, v8;
	v8 =	vbroadcast v30, $0x0;
	v16 =	vld.idx.msk [tilespmem:v3+s15+$0x0], $0xffff  }
.Ltmp6:
0x146: {  	v10 =	vbroadcast v22, $0x0;
	v22 =	vbroadcast v5, $0x0;
	v3 =	vor.u32 v1, v12;
	v4 =	vld.idx.msk [tilespmem:v20+s17+$0x0], $0xffff;
	(pc) =	sbr.rel @p0 .LBB2_15-.Ltmp6, $4  }
0x147: {  	v30 =	vbroadcast v6, $0x0;
	v25 =	vmul.f32 v25, v18;
	v13 =	vor.u32 v1, v8;
	v5 =	vld.idx.msk [tilespmem:v28+s15+$0x0], $0xffff  }
0x148: {  	v14 =	vadd.f32 v11, v14;
	v17 =	vadd.f32 v23, v17;
	v18 =	vor.u32 v1, v10;
	v6 =	vld.idx.msk [tilespmem:v28+s17+$0x0], $0xffff  }
0x149: {  	v12 =	vor.u32 v1, v22;
	v10 =	vor.u32 v1, v30;
	v21 =	vadd.f32 v25, v21;
	v8 =	vld.idx.msk [tilespmem:v15+s17+$0x0], $0xffff  }
0x14a: {  	s28 =	smov.u32 s26;
	v19 =	vadd.f32 v29, v19;
	v22 =	vmul.f32 v26, v24;
	v11 =	vld.idx.msk [tilespmem:v20+s15+$0x0], $0xffff;
	v20 =	vmul.f32 v31, v27  }
0x14b: {  	_ =	sdelay $0x3  }
0x14c: {  	v1 =	vld.idx.msk [tilespmem:v15+s15+$0x0], $0xffff  }
0x14d: {  	v53 =	vld.idx.msk [tilespmem:v13+s15+$0x0], $0xffff  }
0x14e: {  	v23 =	vld.idx.msk [tilespmem:v18+s17+$0x0], $0xffff  }
0x14f: {  	v24 =	vld.idx.msk [tilespmem:v3+s17+$0x0], $0xffff  }
0x150: {  	v54 =	vld.idx.msk [tilespmem:v18+s15+$0x0], $0xffff  }
0x151: {  	v55 =	vld.idx.msk [tilespmem:v13+s17+$0x0], $0xffff  }
0x152: {  	v25 =	vld.idx.msk [tilespmem:v10+s15+$0x0], $0xffff  }
0x153: {  	v26 =	vld.idx.msk [tilespmem:v12+s17+$0x0], $0xffff  }
0x154: {  	v57 =	vld.idx.msk [tilespmem:v10+s17+$0x0], $0xffff  }
0x155: {  	v7 =	vmul.f32 v7, v9;
	v3 =	vld.idx.msk [tilespmem:v3+s15+$0x0], $0xffff  }
0x156: {  	v56 =	vld.idx.msk [tilespmem:v12+s15+$0x0], $0xffff;
	v2 =	vmul.f32 v2, v16;
	v58 =	vadd.f32 v22, v21  }
0x157: {  	v59 =	vadd.f32 v20, v17;
	v5 =	vmul.f32 v6, v5;
	v7 =	vadd.f32 v7, v19  }
0x158: {  	v2 =	vadd.f32 v2, v14;
	v4 =	vmul.f32 v4, v11;
	v60 =	vmul.f32 v23, v54  }
0x159: {  	v5 =	vadd.f32 v5, v59;
	v1 =	vmul.f32 v8, v1;
	v61 =	vmul.f32 v55, v53  }
0x15a: {  	v63 =	vmul.f32 v57, v25;
	v3 =	vmul.f32 v24, v3;
	v2 =	vadd.f32 v4, v2  }
0x15b: {  	v62 =	vmul.f32 v26, v56;
	v6 =	vadd.f32 v60, v58;
	v1 =	vadd.f32 v1, v7  }
0x15c: {  	v4 =	vadd.f32 v63, v5;
	v2 =	vadd.f32 v3, v2  }
0x15d: {  	s24 =	sadd.s32 $0x1, s24;
	v6 =	vadd.f32 v61, v6;
	v1 =	vadd.f32 v62, v1  }
0x15e: {  	p0 =	sne.s32 s24, $0x4  }
.Ltmp7:
0x15f: {  	v1 =	vadd.f32 v4, v1;
	v2 =	vadd.f32 v2, v6;
	(pc) =	sbr.rel @p0 .LBB2_14-.Ltmp7, $3  }
0x160: {  	_ = 	snop  }
0x161: {  	v1 =	vadd.f32 v2, v1;
	_ =	sdelay $0x1  }
0x162: {  	[tilespmem:s25+$0x88C0] =	vst v1  }
0x163: {  	s0 =	simm.s32 $0x280  }
0x164: {  	[tilespmem:s15], [sflag:$0x2] =	stream.indirect.gather [hbm4b:s2+s11], $0x80, s0, s11, $0xb8;
	[tilespmem:$0x8A00] =	vst v63  }
0x165: {  	s31 =	simm.s32 $0x680  }
0x166: {  	[tilespmem:s17], [sflag:$0x4] =	stream.indirect.gather [hbm4b:s3+s11], $0x80, s31, s11, $0xb8;
	[tilespmem:$0x8A00] =	vst v63  }
0x167: {  	_ =	swait.ge [sflag:s18], $0x2000  }
0x168: {  	[sflag:s18] =	ssyncset.done $0x0  }
0x169: {  	[sflag:s18] =	ssyncadd.s32 $0xFFFFE000  }
0x16a: {  	_ =	swait.ge [sflag:s19], $0x2000  }
0x16b: {  	[sflag:s19] =	ssyncset.done $0x0  }
0x16c: {  	s24 =	simm.s32 $0x0;
	[sflag:s19] =	ssyncadd.s32 $0xFFFFE000  }
.LBB2_18:
0x16d: {  	s0 =	simm.s32 $0x3  }
0x16e: {  	s25 =	sshll.u32 s24, $0x4;
	s26 =	simm.s32 $0x1;
	v1 =	vmov s0  }
0x16f: {  	v2 =	vmov s25;
	v3 =	vmov s26;
	v1 =	vand.u32 $0x7B, v1  }
0x170: {  	v2 =	vshll.u32 v2, $0x7;
	v3 =	vand.u32 $0x79, v3;
	v4 =	vbroadcast v1, $0x0  }
0x171: {  	s29 =	simm.s32 $0x6;
	v1 =	vor.u32 v0, v2;
	v3 =	vbroadcast v3, $0x0  }
0x172: {  	s30 =	simm.s32 $0x2;
	v5 =	vmov s29;
	v4 =	vor.u32 v1, v4  }
0x173: {  	v6 =	vmov s30;
	v5 =	vand.u32 $0x7E, v5;
	v3 =	vor.u32 v1, v3  }
0x174: {  	v6 =	vand.u32 $0x7A, v6;
	v5 =	vbroadcast v5, $0x0  }
0x175: {  	s26 =	simm.s32 $0x0;
	v6 =	vbroadcast v6, $0x0  }
0x176: {  	v2 =	vmov s26;
	v5 =	vor.u32 v1, v5  }
0x177: {  	s29 =	simm.s32 $0x5;
	v2 =	vand.u32 $0x78, v2;
	v6 =	vor.u32 v1, v6;
	v8 =	vld.idx.msk [tilespmem:v4+s13+$0x0], $0xffff  }
0x178: {  	s31 =	simm.s32 $0x7;
	v11 =	vmov s29;
	v2 =	vbroadcast v2, $0x0;
	v10 =	vld.idx.msk [tilespmem:v3+s12+$0x0], $0xffff  }
0x179: {  	v7 =	vmov s31;
	v11 =	vand.u32 $0x7D, v11;
	v3 =	vld.idx.msk [tilespmem:v3+s13+$0x0], $0xffff  }
0x17a: {  	v7 =	vand.u32 $0x7F, v7;
	s29 =	simm.s32 $0x9;
	v11 =	vbroadcast v11, $0x0;
	v2 =	vor.u32 v1, v2;
	v4 =	vld.idx.msk [tilespmem:v4+s12+$0x0], $0xffff  }
0x17b: {  	s26 =	simm.s32 $0x4;
	v7 =	vbroadcast v7, $0x0;
	v16 =	vmov s29;
	v22 =	vld.idx.msk [tilespmem:v5+s12+$0x0], $0xffff  }
0x17c: {  	v9 =	vmov s26;
	v16 =	vand.u32 $0x79, v16;
	v11 =	vor.u32 v1, v11;
	v17 =	vld.idx.msk [tilespmem:v6+s13+$0x0], $0xffff  }
0x17d: {  	v19 =	vimm.f32 $0.0e+00;
	s28 =	simm.s32 $0xB;
	v9 =	vand.u32 $0x7C, v9;
	v16 =	vbroadcast v16, $0x0;
	v6 =	vld.idx.msk [tilespmem:v6+s12+$0x0], $0xffff  }
0x17e: {  	s30 =	simm.s32 $0xF;
	v15 =	vmov s28;
	v12 =	vor.u32 v1, v7;
	v9 =	vbroadcast v9, $0x0;
	v23 =	vld.idx.msk [tilespmem:v5+s13+$0x0], $0xffff  }
0x17f: {  	s31 =	simm.s32 $0x8;
	v14 =	vmov s30;
	v15 =	vand.u32 $0x7B, v15;
	v25 =	vor.u32 v1, v16;
	v7 =	vld.idx.msk [tilespmem:v2+s13+$0x0], $0xffff  }
0x180: {  	v15 =	vbroadcast v15, $0x0;
	s26 =	simm.s32 $0xA;
	v9 =	vor.u32 v1, v9;
	v13 =	vld.idx.msk [tilespmem:v2+s12+$0x0], $0xffff;
	v2 =	vmov s31  }
0x181: {  	s29 =	simm.s32 $0xC;
	v14 =	vand.u32 $0x7F, v14;
	v20 =	vmov s26;
	v24 =	vld.idx.msk [tilespmem:v11+s12+$0x0], $0xffff;
	v18 =	vand.u32 $0x78, v2  }
0x182: {  	s30 =	simm.s32 $0xE;
	v21 =	vmov s29;
	v27 =	vld.idx.msk [tilespmem:v11+s13+$0x0], $0xffff;
	v5 =	vbroadcast v18, $0x0;
	v18 =	vand.u32 $0x7A, v20  }
0x183: {  	v2 =	vld.idx.msk [tilespmem:v12+s13+$0x0], $0xffff;
	v20 =	vor.u32 v1, v15;
	v15 =	vmov s30;
	v8 =	vmul.f32 v8, v4  }
0x184: {  	v16 =	vand.u32 $0x7E, v15;
	v10 =	vmul.f32 v3, v10;
	v28 =	vmul.f32 v17, v6;
	v6 =	vld.idx.msk [tilespmem:v25+s13+$0x0], $0xffff  }
0x185: {  	s31 =	simm.s32 $0xD;
	v3 =	vand.u32 $0x7C, v21;
	v15 =	vor.u32 v1, v5;
	v26 =	vmul.f32 v7, v13;
	v7 =	vld.idx.msk [tilespmem:v9+s13+$0x0], $0xffff  }
0x186: {  	v22 =	vmul.f32 v23, v22;
	v5 =	vbroadcast v14, $0x0;
	v13 =	vmov s31;
	v9 =	vld.idx.msk [tilespmem:v9+s12+$0x0], $0xffff  }
0x187: {  	v21 =	vbroadcast v3, $0x0;
	v11 =	vand.u32 $0x7D, v13;
	v13 =	vbroadcast v16, $0x0;
	v16 =	vld.idx.msk [tilespmem:v12+s12+$0x0], $0xffff  }
0x188: {  	v17 =	vadd.f32 v10, v19;
	v12 =	vbroadcast v18, $0x0;
	v3 =	vor.u32 v1, v5;
	v5 =	vld.idx.msk [tilespmem:v25+s12+$0x0], $0xffff  }
0x189: {  	v14 =	vadd.f32 v8, v19;
	v4 =	vld.idx.msk [tilespmem:v20+s13+$0x0], $0xffff;
	v11 =	vbroadcast v11, $0x0;
	v13 =	vor.u32 v1, v13  }
0x18a: {  	v18 =	vor.u32 v1, v12;
	v12 =	vor.u32 v1, v21;
	v21 =	vadd.f32 v28, v19;
	v8 =	vld.idx.msk [tilespmem:v15+s13+$0x0], $0xffff  }
0x18b: {  	s28 =	simm.s32 $0x17;
	v19 =	vadd.f32 v26, v19;
	v10 =	vor.u32 v1, v11;
	v11 =	vld.idx.msk [tilespmem:v20+s12+$0x0], $0xffff;
	v20 =	vmul.f32 v27, v24  }
.LBB2_19:
0x18c: {  	s0 =	sadd.s32 $0xFFFFFFF9, s28  }
0x18d: {  	s26 =	sadd.s32 $0xFFFFFFFA, s28;
	s29 =	sadd.s32 $0xFFFFFFFB, s28;
	v23 =	vmov s28;
	v15 =	vld.idx.msk [tilespmem:v15+s12+$0x0], $0xffff;
	v7 =	vmul.f32 v7, v9;
	v9 =	vmul.f32 v2, v16;
	s30 =	smov.u32 s28  }
0x18e: {  	v2 =	vmov s0;
	v16 =	vmov s26;
	s0 =	sadd.s32 $0xFFFFFFFC, s30;
	s31 =	sadd.s32 $0xFFFFFFFD, s30;
	s26 =	sadd.s32 $0x8, s28;
	v24 =	vld.idx.msk [tilespmem:v13+s12+$0x0], $0xffff;
	v21 =	vadd.f32 v22, v21  }
0x18f: {  	p0 =	sne.s32 s28, $0x7F;
	v22 =	vand.u32 $0x78, v2;
	v2 =	vmov s0;
	v25 =	vld.idx.msk [tilespmem:v18+s13+$0x0], $0xffff;
	v19 =	vadd.f32 v7, v19  }
0x190: {  	v17 =	vadd.f32 v20, v17;
	v7 =	vmov s29;
	v26 =	vand.u32 $0x7B, v2;
	v2 =	vld.idx.msk [tilespmem:v3+s13+$0x0], $0xffff  }
0x191: {  	v16 =	vand.u32 $0x79, v16;
	s0 =	sadd.s32 $0xFFFFFFFF, s30;
	v14 =	vadd.f32 v9, v14;
	v20 =	vbroadcast v26, $0x0;
	v18 =	vld.idx.msk [tilespmem:v18+s12+$0x0], $0xffff  }
0x192: {  	v23 =	vand.u32 $0x7F, v23;
	v9 =	vbroadcast v16, $0x0;
	v16 =	vmov s31;
	v26 =	vld.idx.msk [tilespmem:v13+s13+$0x0], $0xffff  }
0x193: {  	v13 =	vbroadcast v22, $0x0;
	v22 =	vand.u32 $0x7A, v7;
	v20 =	vor.u32 v1, v20;
	v27 =	vld.idx.msk [tilespmem:v10+s12+$0x0], $0xffff  }
0x194: {  	s28 =	sadd.s32 $0xFFFFFFFE, s30;
	v28 =	vor.u32 v1, v9;
	v9 =	vmov s0;
	v29 =	vmul.f32 v8, v15;
	v7 =	vld.idx.msk [tilespmem:v12+s13+$0x0], $0xffff  }
0x195: {  	v11 =	vmul.f32 v4, v11;
	v8 =	vmov s28;
	v30 =	vand.u32 $0x7E, v9;
	v9 =	vld.idx.msk [tilespmem:v12+s12+$0x0], $0xffff  }
0x196: {  	v15 =	vor.u32 v1, v13;
	v12 =	vbroadcast v23, $0x0;
	v23 =	vmul.f32 v6, v5;
	v31 =	vld.idx.msk [tilespmem:v10+s13+$0x0], $0xffff  }
0x197: {  	v5 =	vand.u32 $0x7C, v16;
	v6 =	vand.u32 $0x7D, v8;
	v8 =	vbroadcast v30, $0x0;
	v16 =	vld.idx.msk [tilespmem:v3+s12+$0x0], $0xffff  }
.Ltmp8:
0x198: {  	v10 =	vbroadcast v22, $0x0;
	v22 =	vbroadcast v5, $0x0;
	v3 =	vor.u32 v1, v12;
	v4 =	vld.idx.msk [tilespmem:v20+s13+$0x0], $0xffff;
	(pc) =	sbr.rel @p0 .LBB2_19-.Ltmp8, $4  }
0x199: {  	v30 =	vbroadcast v6, $0x0;
	v25 =	vmul.f32 v25, v18;
	v13 =	vor.u32 v1, v8;
	v5 =	vld.idx.msk [tilespmem:v28+s12+$0x0], $0xffff  }
0x19a: {  	v14 =	vadd.f32 v11, v14;
	v17 =	vadd.f32 v23, v17;
	v18 =	vor.u32 v1, v10;
	v6 =	vld.idx.msk [tilespmem:v28+s13+$0x0], $0xffff  }
0x19b: {  	v12 =	vor.u32 v1, v22;
	v10 =	vor.u32 v1, v30;
	v21 =	vadd.f32 v25, v21;
	v8 =	vld.idx.msk [tilespmem:v15+s13+$0x0], $0xffff  }
0x19c: {  	s28 =	smov.u32 s26;
	v19 =	vadd.f32 v29, v19;
	v22 =	vmul.f32 v26, v24;
	v11 =	vld.idx.msk [tilespmem:v20+s12+$0x0], $0xffff;
	v20 =	vmul.f32 v31, v27  }
0x19d: {  	_ =	sdelay $0x3  }
0x19e: {  	v1 =	vld.idx.msk [tilespmem:v15+s12+$0x0], $0xffff  }
0x19f: {  	v53 =	vld.idx.msk [tilespmem:v13+s12+$0x0], $0xffff  }
0x1a0: {  	v23 =	vld.idx.msk [tilespmem:v18+s13+$0x0], $0xffff  }
0x1a1: {  	v24 =	vld.idx.msk [tilespmem:v3+s13+$0x0], $0xffff  }
0x1a2: {  	v54 =	vld.idx.msk [tilespmem:v18+s12+$0x0], $0xffff  }
0x1a3: {  	v55 =	vld.idx.msk [tilespmem:v13+s13+$0x0], $0xffff  }
0x1a4: {  	v25 =	vld.idx.msk [tilespmem:v10+s12+$0x0], $0xffff  }
0x1a5: {  	v26 =	vld.idx.msk [tilespmem:v12+s13+$0x0], $0xffff  }
0x1a6: {  	v57 =	vld.idx.msk [tilespmem:v10+s13+$0x0], $0xffff  }
0x1a7: {  	v7 =	vmul.f32 v7, v9;
	v3 =	vld.idx.msk [tilespmem:v3+s12+$0x0], $0xffff  }
0x1a8: {  	v56 =	vld.idx.msk [tilespmem:v12+s12+$0x0], $0xffff;
	v2 =	vmul.f32 v2, v16;
	v58 =	vadd.f32 v22, v21  }
0x1a9: {  	v59 =	vadd.f32 v20, v17;
	v5 =	vmul.f32 v6, v5;
	v7 =	vadd.f32 v7, v19  }
0x1aa: {  	v2 =	vadd.f32 v2, v14;
	v4 =	vmul.f32 v4, v11;
	v60 =	vmul.f32 v23, v54  }
0x1ab: {  	v5 =	vadd.f32 v5, v59;
	v1 =	vmul.f32 v8, v1;
	v61 =	vmul.f32 v55, v53  }
0x1ac: {  	v63 =	vmul.f32 v57, v25;
	v3 =	vmul.f32 v24, v3;
	v2 =	vadd.f32 v4, v2  }
0x1ad: {  	v62 =	vmul.f32 v26, v56;
	v6 =	vadd.f32 v60, v58;
	v1 =	vadd.f32 v1, v7  }
0x1ae: {  	v4 =	vadd.f32 v63, v5;
	v2 =	vadd.f32 v3, v2  }
0x1af: {  	s24 =	sadd.s32 $0x1, s24;
	v6 =	vadd.f32 v61, v6;
	v1 =	vadd.f32 v62, v1  }
0x1b0: {  	p0 =	sne.s32 s24, $0x4  }
.Ltmp9:
0x1b1: {  	v1 =	vadd.f32 v4, v1;
	v2 =	vadd.f32 v2, v6;
	(pc) =	sbr.rel @p0 .LBB2_18-.Ltmp9, $3  }
0x1b2: {  	_ = 	snop  }
0x1b3: {  	v1 =	vadd.f32 v2, v1;
	_ =	sdelay $0x1  }
0x1b4: {  	[tilespmem:s25+$0x8900] =	vst v1  }
0x1b5: {  	s0 =	simm.s32 $0x300  }
0x1b6: {  	[tilespmem:s12], [sflag:$0x1] =	stream.indirect.gather [hbm4b:s2+s11], $0x80, s0, s11, $0xb8;
	[tilespmem:$0x8A00] =	vst v63  }
0x1b7: {  	s31 =	simm.s32 $0x700  }
0x1b8: {  	[tilespmem:s13], [sflag:$0x3] =	stream.indirect.gather [hbm4b:s3+s11], $0x80, s31, s11, $0xb8;
	[tilespmem:$0x8A00] =	vst v63  }
0x1b9: {  	_ =	swait.ge [sflag:s22], $0x2000  }
0x1ba: {  	[sflag:s22] =	ssyncset.done $0x0  }
0x1bb: {  	[sflag:s22] =	ssyncadd.s32 $0xFFFFE000  }
0x1bc: {  	_ =	swait.ge [sflag:s23], $0x2000  }
0x1bd: {  	[sflag:s23] =	ssyncset.done $0x0  }
0x1be: {  	s24 =	simm.s32 $0x0;
	[sflag:s23] =	ssyncadd.s32 $0xFFFFE000  }
.LBB2_22:
0x1bf: {  	s0 =	simm.s32 $0x3  }
0x1c0: {  	s25 =	sshll.u32 s24, $0x4;
	s26 =	simm.s32 $0x1;
	v1 =	vmov s0  }
0x1c1: {  	v2 =	vmov s25;
	v3 =	vmov s26;
	v1 =	vand.u32 $0x7B, v1  }
0x1c2: {  	v2 =	vshll.u32 v2, $0x7;
	v3 =	vand.u32 $0x79, v3;
	v4 =	vbroadcast v1, $0x0  }
0x1c3: {  	s29 =	simm.s32 $0x6;
	v1 =	vor.u32 v0, v2;
	v3 =	vbroadcast v3, $0x0  }
0x1c4: {  	s30 =	simm.s32 $0x2;
	v5 =	vmov s29;
	v4 =	vor.u32 v1, v4  }
0x1c5: {  	v6 =	vmov s30;
	v5 =	vand.u32 $0x7E, v5;
	v3 =	vor.u32 v1, v3  }
0x1c6: {  	v6 =	vand.u32 $0x7A, v6;
	v5 =	vbroadcast v5, $0x0  }
0x1c7: {  	s26 =	simm.s32 $0x0;
	v6 =	vbroadcast v6, $0x0  }
0x1c8: {  	v2 =	vmov s26;
	v5 =	vor.u32 v1, v5  }
0x1c9: {  	s29 =	simm.s32 $0x5;
	v2 =	vand.u32 $0x78, v2;
	v6 =	vor.u32 v1, v6;
	v8 =	vld.idx.msk [tilespmem:v4+s17+$0x0], $0xffff  }
0x1ca: {  	s31 =	simm.s32 $0x7;
	v11 =	vmov s29;
	v2 =	vbroadcast v2, $0x0;
	v10 =	vld.idx.msk [tilespmem:v3+s15+$0x0], $0xffff  }
0x1cb: {  	v7 =	vmov s31;
	v11 =	vand.u32 $0x7D, v11;
	v3 =	vld.idx.msk [tilespmem:v3+s17+$0x0], $0xffff  }
0x1cc: {  	v7 =	vand.u32 $0x7F, v7;
	s29 =	simm.s32 $0x9;
	v11 =	vbroadcast v11, $0x0;
	v2 =	vor.u32 v1, v2;
	v4 =	vld.idx.msk [tilespmem:v4+s15+$0x0], $0xffff  }
0x1cd: {  	s26 =	simm.s32 $0x4;
	v7 =	vbroadcast v7, $0x0;
	v16 =	vmov s29;
	v22 =	vld.idx.msk [tilespmem:v5+s15+$0x0], $0xffff  }
0x1ce: {  	v9 =	vmov s26;
	v16 =	vand.u32 $0x79, v16;
	v11 =	vor.u32 v1, v11;
	v17 =	vld.idx.msk [tilespmem:v6+s17+$0x0], $0xffff  }
0x1cf: {  	v19 =	vimm.f32 $0.0e+00;
	s28 =	simm.s32 $0xB;
	v9 =	vand.u32 $0x7C, v9;
	v16 =	vbroadcast v16, $0x0;
	v6 =	vld.idx.msk [tilespmem:v6+s15+$0x0], $0xffff  }
0x1d0: {  	s30 =	simm.s32 $0xF;
	v15 =	vmov s28;
	v12 =	vor.u32 v1, v7;
	v9 =	vbroadcast v9, $0x0;
	v23 =	vld.idx.msk [tilespmem:v5+s17+$0x0], $0xffff  }
0x1d1: {  	s31 =	simm.s32 $0x8;
	v14 =	vmov s30;
	v15 =	vand.u32 $0x7B, v15;
	v25 =	vor.u32 v1, v16;
	v7 =	vld.idx.msk [tilespmem:v2+s17+$0x0], $0xffff  }
0x1d2: {  	v15 =	vbroadcast v15, $0x0;
	s26 =	simm.s32 $0xA;
	v9 =	vor.u32 v1, v9;
	v13 =	vld.idx.msk [tilespmem:v2+s15+$0x0], $0xffff;
	v2 =	vmov s31  }
0x1d3: {  	s29 =	simm.s32 $0xC;
	v14 =	vand.u32 $0x7F, v14;
	v20 =	vmov s26;
	v24 =	vld.idx.msk [tilespmem:v11+s15+$0x0], $0xffff;
	v18 =	vand.u32 $0x78, v2  }
0x1d4: {  	s30 =	simm.s32 $0xE;
	v21 =	vmov s29;
	v27 =	vld.idx.msk [tilespmem:v11+s17+$0x0], $0xffff;
	v5 =	vbroadcast v18, $0x0;
	v18 =	vand.u32 $0x7A, v20  }
0x1d5: {  	v2 =	vld.idx.msk [tilespmem:v12+s17+$0x0], $0xffff;
	v20 =	vor.u32 v1, v15;
	v15 =	vmov s30;
	v8 =	vmul.f32 v8, v4  }
0x1d6: {  	v16 =	vand.u32 $0x7E, v15;
	v10 =	vmul.f32 v3, v10;
	v28 =	vmul.f32 v17, v6;
	v6 =	vld.idx.msk [tilespmem:v25+s17+$0x0], $0xffff  }
0x1d7: {  	s31 =	simm.s32 $0xD;
	v3 =	vand.u32 $0x7C, v21;
	v15 =	vor.u32 v1, v5;
	v26 =	vmul.f32 v7, v13;
	v7 =	vld.idx.msk [tilespmem:v9+s17+$0x0], $0xffff  }
0x1d8: {  	v22 =	vmul.f32 v23, v22;
	v5 =	vbroadcast v14, $0x0;
	v13 =	vmov s31;
	v9 =	vld.idx.msk [tilespmem:v9+s15+$0x0], $0xffff  }
0x1d9: {  	v21 =	vbroadcast v3, $0x0;
	v11 =	vand.u32 $0x7D, v13;
	v13 =	vbroadcast v16, $0x0;
	v16 =	vld.idx.msk [tilespmem:v12+s15+$0x0], $0xffff  }
0x1da: {  	v17 =	vadd.f32 v10, v19;
	v12 =	vbroadcast v18, $0x0;
	v3 =	vor.u32 v1, v5;
	v5 =	vld.idx.msk [tilespmem:v25+s15+$0x0], $0xffff  }
0x1db: {  	v14 =	vadd.f32 v8, v19;
	v4 =	vld.idx.msk [tilespmem:v20+s17+$0x0], $0xffff;
	v11 =	vbroadcast v11, $0x0;
	v13 =	vor.u32 v1, v13  }
0x1dc: {  	v18 =	vor.u32 v1, v12;
	v12 =	vor.u32 v1, v21;
	v21 =	vadd.f32 v28, v19;
	v8 =	vld.idx.msk [tilespmem:v15+s17+$0x0], $0xffff  }
0x1dd: {  	s28 =	simm.s32 $0x17;
	v19 =	vadd.f32 v26, v19;
	v10 =	vor.u32 v1, v11;
	v11 =	vld.idx.msk [tilespmem:v20+s15+$0x0], $0xffff;
	v20 =	vmul.f32 v27, v24  }
.LBB2_23:
0x1de: {  	s0 =	sadd.s32 $0xFFFFFFF9, s28  }
0x1df: {  	s26 =	sadd.s32 $0xFFFFFFFA, s28;
	s29 =	sadd.s32 $0xFFFFFFFB, s28;
	v23 =	vmov s28;
	v15 =	vld.idx.msk [tilespmem:v15+s15+$0x0], $0xffff;
	v7 =	vmul.f32 v7, v9;
	v9 =	vmul.f32 v2, v16;
	s30 =	smov.u32 s28  }
0x1e0: {  	v2 =	vmov s0;
	v16 =	vmov s26;
	s0 =	sadd.s32 $0xFFFFFFFC, s30;
	s31 =	sadd.s32 $0xFFFFFFFD, s30;
	s26 =	sadd.s32 $0x8, s28;
	v24 =	vld.idx.msk [tilespmem:v13+s15+$0x0], $0xffff;
	v21 =	vadd.f32 v22, v21  }
0x1e1: {  	p0 =	sne.s32 s28, $0x7F;
	v22 =	vand.u32 $0x78, v2;
	v2 =	vmov s0;
	v25 =	vld.idx.msk [tilespmem:v18+s17+$0x0], $0xffff;
	v19 =	vadd.f32 v7, v19  }
0x1e2: {  	v17 =	vadd.f32 v20, v17;
	v7 =	vmov s29;
	v26 =	vand.u32 $0x7B, v2;
	v2 =	vld.idx.msk [tilespmem:v3+s17+$0x0], $0xffff  }
0x1e3: {  	v16 =	vand.u32 $0x79, v16;
	s0 =	sadd.s32 $0xFFFFFFFF, s30;
	v14 =	vadd.f32 v9, v14;
	v20 =	vbroadcast v26, $0x0;
	v18 =	vld.idx.msk [tilespmem:v18+s15+$0x0], $0xffff  }
0x1e4: {  	v23 =	vand.u32 $0x7F, v23;
	v9 =	vbroadcast v16, $0x0;
	v16 =	vmov s31;
	v26 =	vld.idx.msk [tilespmem:v13+s17+$0x0], $0xffff  }
0x1e5: {  	v13 =	vbroadcast v22, $0x0;
	v22 =	vand.u32 $0x7A, v7;
	v20 =	vor.u32 v1, v20;
	v27 =	vld.idx.msk [tilespmem:v10+s15+$0x0], $0xffff  }
0x1e6: {  	s28 =	sadd.s32 $0xFFFFFFFE, s30;
	v28 =	vor.u32 v1, v9;
	v9 =	vmov s0;
	v29 =	vmul.f32 v8, v15;
	v7 =	vld.idx.msk [tilespmem:v12+s17+$0x0], $0xffff  }
0x1e7: {  	v11 =	vmul.f32 v4, v11;
	v8 =	vmov s28;
	v30 =	vand.u32 $0x7E, v9;
	v9 =	vld.idx.msk [tilespmem:v12+s15+$0x0], $0xffff  }
0x1e8: {  	v15 =	vor.u32 v1, v13;
	v12 =	vbroadcast v23, $0x0;
	v23 =	vmul.f32 v6, v5;
	v31 =	vld.idx.msk [tilespmem:v10+s17+$0x0], $0xffff  }
0x1e9: {  	v5 =	vand.u32 $0x7C, v16;
	v6 =	vand.u32 $0x7D, v8;
	v8 =	vbroadcast v30, $0x0;
	v16 =	vld.idx.msk [tilespmem:v3+s15+$0x0], $0xffff  }
.Ltmp10:
0x1ea: {  	v10 =	vbroadcast v22, $0x0;
	v22 =	vbroadcast v5, $0x0;
	v3 =	vor.u32 v1, v12;
	v4 =	vld.idx.msk [tilespmem:v20+s17+$0x0], $0xffff;
	(pc) =	sbr.rel @p0 .LBB2_23-.Ltmp10, $4  }
0x1eb: {  	v30 =	vbroadcast v6, $0x0;
	v25 =	vmul.f32 v25, v18;
	v13 =	vor.u32 v1, v8;
	v5 =	vld.idx.msk [tilespmem:v28+s15+$0x0], $0xffff  }
0x1ec: {  	v14 =	vadd.f32 v11, v14;
	v17 =	vadd.f32 v23, v17;
	v18 =	vor.u32 v1, v10;
	v6 =	vld.idx.msk [tilespmem:v28+s17+$0x0], $0xffff  }
0x1ed: {  	v12 =	vor.u32 v1, v22;
	v10 =	vor.u32 v1, v30;
	v21 =	vadd.f32 v25, v21;
	v8 =	vld.idx.msk [tilespmem:v15+s17+$0x0], $0xffff  }
0x1ee: {  	s28 =	smov.u32 s26;
	v19 =	vadd.f32 v29, v19;
	v22 =	vmul.f32 v26, v24;
	v11 =	vld.idx.msk [tilespmem:v20+s15+$0x0], $0xffff;
	v20 =	vmul.f32 v31, v27  }
0x1ef: {  	_ =	sdelay $0x3  }
0x1f0: {  	v1 =	vld.idx.msk [tilespmem:v15+s15+$0x0], $0xffff  }
0x1f1: {  	v53 =	vld.idx.msk [tilespmem:v13+s15+$0x0], $0xffff  }
0x1f2: {  	v23 =	vld.idx.msk [tilespmem:v18+s17+$0x0], $0xffff  }
0x1f3: {  	v24 =	vld.idx.msk [tilespmem:v3+s17+$0x0], $0xffff  }
0x1f4: {  	v54 =	vld.idx.msk [tilespmem:v18+s15+$0x0], $0xffff  }
0x1f5: {  	v55 =	vld.idx.msk [tilespmem:v13+s17+$0x0], $0xffff  }
0x1f6: {  	v25 =	vld.idx.msk [tilespmem:v10+s15+$0x0], $0xffff  }
0x1f7: {  	v26 =	vld.idx.msk [tilespmem:v12+s17+$0x0], $0xffff  }
0x1f8: {  	v57 =	vld.idx.msk [tilespmem:v10+s17+$0x0], $0xffff  }
0x1f9: {  	v7 =	vmul.f32 v7, v9;
	v3 =	vld.idx.msk [tilespmem:v3+s15+$0x0], $0xffff  }
0x1fa: {  	v56 =	vld.idx.msk [tilespmem:v12+s15+$0x0], $0xffff;
	v2 =	vmul.f32 v2, v16;
	v58 =	vadd.f32 v22, v21  }
0x1fb: {  	v59 =	vadd.f32 v20, v17;
	v5 =	vmul.f32 v6, v5;
	v7 =	vadd.f32 v7, v19  }
0x1fc: {  	v2 =	vadd.f32 v2, v14;
	v4 =	vmul.f32 v4, v11;
	v60 =	vmul.f32 v23, v54  }
0x1fd: {  	v5 =	vadd.f32 v5, v59;
	v1 =	vmul.f32 v8, v1;
	v61 =	vmul.f32 v55, v53  }
0x1fe: {  	v63 =	vmul.f32 v57, v25;
	v3 =	vmul.f32 v24, v3;
	v2 =	vadd.f32 v4, v2  }
0x1ff: {  	v62 =	vmul.f32 v26, v56;
	v6 =	vadd.f32 v60, v58;
	v1 =	vadd.f32 v1, v7  }
0x200: {  	v4 =	vadd.f32 v63, v5;
	v2 =	vadd.f32 v3, v2  }
0x201: {  	s24 =	sadd.s32 $0x1, s24;
	v6 =	vadd.f32 v61, v6;
	v1 =	vadd.f32 v62, v1  }
0x202: {  	p0 =	sne.s32 s24, $0x4  }
.Ltmp11:
0x203: {  	v1 =	vadd.f32 v4, v1;
	v2 =	vadd.f32 v2, v6;
	(pc) =	sbr.rel @p0 .LBB2_22-.Ltmp11, $3  }
0x204: {  	_ = 	snop  }
0x205: {  	v1 =	vadd.f32 v2, v1;
	_ =	sdelay $0x1  }
0x206: {  	[tilespmem:s25+$0x8940] =	vst v1  }
0x207: {  	[tilespmem:s15], [sflag:$0x2] =	stream.indirect.gather [hbm4b:s2+s11], $0x80, s1, s11, $0xb8;
	[tilespmem:$0x8A00] =	vst v63  }
0x208: {  	_ = 	snop  }
0x209: {  	[tilespmem:s17], [sflag:$0x4] =	stream.indirect.gather [hbm4b:s3+s11], $0x80, s16, s11, $0xb8;
	[tilespmem:$0x8A00] =	vst v63  }
0x20a: {  	_ =	swait.ge [sflag:s18], $0x2000  }
0x20b: {  	[sflag:s18] =	ssyncset.done $0x0  }
0x20c: {  	[sflag:s18] =	ssyncadd.s32 $0xFFFFE000  }
0x20d: {  	_ =	swait.ge [sflag:s19], $0x2000  }
0x20e: {  	[sflag:s19] =	ssyncset.done $0x0  }
0x20f: {  	s24 =	simm.s32 $0x0;
	[sflag:s19] =	ssyncadd.s32 $0xFFFFE000  }
.LBB2_26:
0x210: {  	s0 =	simm.s32 $0x3  }
0x211: {  	s25 =	sshll.u32 s24, $0x4;
	s26 =	simm.s32 $0x1;
	v1 =	vmov s0  }
0x212: {  	v2 =	vmov s25;
	v3 =	vmov s26;
	v1 =	vand.u32 $0x7B, v1  }
0x213: {  	v2 =	vshll.u32 v2, $0x7;
	v3 =	vand.u32 $0x79, v3;
	v4 =	vbroadcast v1, $0x0  }
0x214: {  	s29 =	simm.s32 $0x6;
	v1 =	vor.u32 v0, v2;
	v3 =	vbroadcast v3, $0x0  }
0x215: {  	s30 =	simm.s32 $0x2;
	v5 =	vmov s29;
	v4 =	vor.u32 v1, v4  }
0x216: {  	v6 =	vmov s30;
	v5 =	vand.u32 $0x7E, v5;
	v3 =	vor.u32 v1, v3  }
0x217: {  	v6 =	vand.u32 $0x7A, v6;
	v5 =	vbroadcast v5, $0x0  }
0x218: {  	s26 =	simm.s32 $0x0;
	v6 =	vbroadcast v6, $0x0  }
0x219: {  	v2 =	vmov s26;
	v5 =	vor.u32 v1, v5  }
0x21a: {  	s29 =	simm.s32 $0x5;
	v2 =	vand.u32 $0x78, v2;
	v6 =	vor.u32 v1, v6;
	v8 =	vld.idx.msk [tilespmem:v4+s13+$0x0], $0xffff  }
0x21b: {  	s31 =	simm.s32 $0x7;
	v11 =	vmov s29;
	v2 =	vbroadcast v2, $0x0;
	v10 =	vld.idx.msk [tilespmem:v3+s12+$0x0], $0xffff  }
0x21c: {  	v7 =	vmov s31;
	v11 =	vand.u32 $0x7D, v11;
	v3 =	vld.idx.msk [tilespmem:v3+s13+$0x0], $0xffff  }
0x21d: {  	v7 =	vand.u32 $0x7F, v7;
	s29 =	simm.s32 $0x9;
	v11 =	vbroadcast v11, $0x0;
	v2 =	vor.u32 v1, v2;
	v4 =	vld.idx.msk [tilespmem:v4+s12+$0x0], $0xffff  }
0x21e: {  	s26 =	simm.s32 $0x4;
	v7 =	vbroadcast v7, $0x0;
	v16 =	vmov s29;
	v22 =	vld.idx.msk [tilespmem:v5+s12+$0x0], $0xffff  }
0x21f: {  	v9 =	vmov s26;
	v16 =	vand.u32 $0x79, v16;
	v11 =	vor.u32 v1, v11;
	v17 =	vld.idx.msk [tilespmem:v6+s13+$0x0], $0xffff  }
0x220: {  	v19 =	vimm.f32 $0.0e+00;
	s28 =	simm.s32 $0xB;
	v9 =	vand.u32 $0x7C, v9;
	v16 =	vbroadcast v16, $0x0;
	v6 =	vld.idx.msk [tilespmem:v6+s12+$0x0], $0xffff  }
0x221: {  	s30 =	simm.s32 $0xF;
	v15 =	vmov s28;
	v12 =	vor.u32 v1, v7;
	v9 =	vbroadcast v9, $0x0;
	v23 =	vld.idx.msk [tilespmem:v5+s13+$0x0], $0xffff  }
0x222: {  	s31 =	simm.s32 $0x8;
	v14 =	vmov s30;
	v15 =	vand.u32 $0x7B, v15;
	v25 =	vor.u32 v1, v16;
	v7 =	vld.idx.msk [tilespmem:v2+s13+$0x0], $0xffff  }
0x223: {  	v15 =	vbroadcast v15, $0x0;
	s26 =	simm.s32 $0xA;
	v9 =	vor.u32 v1, v9;
	v13 =	vld.idx.msk [tilespmem:v2+s12+$0x0], $0xffff;
	v2 =	vmov s31  }
0x224: {  	s29 =	simm.s32 $0xC;
	v14 =	vand.u32 $0x7F, v14;
	v20 =	vmov s26;
	v24 =	vld.idx.msk [tilespmem:v11+s12+$0x0], $0xffff;
	v18 =	vand.u32 $0x78, v2  }
0x225: {  	s30 =	simm.s32 $0xE;
	v21 =	vmov s29;
	v27 =	vld.idx.msk [tilespmem:v11+s13+$0x0], $0xffff;
	v5 =	vbroadcast v18, $0x0;
	v18 =	vand.u32 $0x7A, v20  }
0x226: {  	v2 =	vld.idx.msk [tilespmem:v12+s13+$0x0], $0xffff;
	v20 =	vor.u32 v1, v15;
	v15 =	vmov s30;
	v8 =	vmul.f32 v8, v4  }
0x227: {  	v16 =	vand.u32 $0x7E, v15;
	v10 =	vmul.f32 v3, v10;
	v28 =	vmul.f32 v17, v6;
	v6 =	vld.idx.msk [tilespmem:v25+s13+$0x0], $0xffff  }
0x228: {  	s31 =	simm.s32 $0xD;
	v3 =	vand.u32 $0x7C, v21;
	v15 =	vor.u32 v1, v5;
	v26 =	vmul.f32 v7, v13;
	v7 =	vld.idx.msk [tilespmem:v9+s13+$0x0], $0xffff  }
0x229: {  	v22 =	vmul.f32 v23, v22;
	v5 =	vbroadcast v14, $0x0;
	v13 =	vmov s31;
	v9 =	vld.idx.msk [tilespmem:v9+s12+$0x0], $0xffff  }
0x22a: {  	v21 =	vbroadcast v3, $0x0;
	v11 =	vand.u32 $0x7D, v13;
	v13 =	vbroadcast v16, $0x0;
	v16 =	vld.idx.msk [tilespmem:v12+s12+$0x0], $0xffff  }
0x22b: {  	v17 =	vadd.f32 v10, v19;
	v12 =	vbroadcast v18, $0x0;
	v3 =	vor.u32 v1, v5;
	v5 =	vld.idx.msk [tilespmem:v25+s12+$0x0], $0xffff  }
0x22c: {  	v14 =	vadd.f32 v8, v19;
	v4 =	vld.idx.msk [tilespmem:v20+s13+$0x0], $0xffff;
	v11 =	vbroadcast v11, $0x0;
	v13 =	vor.u32 v1, v13  }
0x22d: {  	v18 =	vor.u32 v1, v12;
	v12 =	vor.u32 v1, v21;
	v21 =	vadd.f32 v28, v19;
	v8 =	vld.idx.msk [tilespmem:v15+s13+$0x0], $0xffff  }
0x22e: {  	s28 =	simm.s32 $0x17;
	v19 =	vadd.f32 v26, v19;
	v10 =	vor.u32 v1, v11;
	v11 =	vld.idx.msk [tilespmem:v20+s12+$0x0], $0xffff;
	v20 =	vmul.f32 v27, v24  }
.LBB2_27:
0x22f: {  	s0 =	sadd.s32 $0xFFFFFFF9, s28  }
0x230: {  	s26 =	sadd.s32 $0xFFFFFFFA, s28;
	s29 =	sadd.s32 $0xFFFFFFFB, s28;
	v23 =	vmov s28;
	v15 =	vld.idx.msk [tilespmem:v15+s12+$0x0], $0xffff;
	v7 =	vmul.f32 v7, v9;
	v9 =	vmul.f32 v2, v16;
	s30 =	smov.u32 s28  }
0x231: {  	v2 =	vmov s0;
	v16 =	vmov s26;
	s0 =	sadd.s32 $0xFFFFFFFC, s30;
	s31 =	sadd.s32 $0xFFFFFFFD, s30;
	s26 =	sadd.s32 $0x8, s28;
	v24 =	vld.idx.msk [tilespmem:v13+s12+$0x0], $0xffff;
	v21 =	vadd.f32 v22, v21  }
0x232: {  	p0 =	sne.s32 s28, $0x7F;
	v22 =	vand.u32 $0x78, v2;
	v2 =	vmov s0;
	v25 =	vld.idx.msk [tilespmem:v18+s13+$0x0], $0xffff;
	v19 =	vadd.f32 v7, v19  }
0x233: {  	v17 =	vadd.f32 v20, v17;
	v7 =	vmov s29;
	v26 =	vand.u32 $0x7B, v2;
	v2 =	vld.idx.msk [tilespmem:v3+s13+$0x0], $0xffff  }
0x234: {  	v16 =	vand.u32 $0x79, v16;
	s0 =	sadd.s32 $0xFFFFFFFF, s30;
	v14 =	vadd.f32 v9, v14;
	v20 =	vbroadcast v26, $0x0;
	v18 =	vld.idx.msk [tilespmem:v18+s12+$0x0], $0xffff  }
0x235: {  	v23 =	vand.u32 $0x7F, v23;
	v9 =	vbroadcast v16, $0x0;
	v16 =	vmov s31;
	v26 =	vld.idx.msk [tilespmem:v13+s13+$0x0], $0xffff  }
0x236: {  	v13 =	vbroadcast v22, $0x0;
	v22 =	vand.u32 $0x7A, v7;
	v20 =	vor.u32 v1, v20;
	v27 =	vld.idx.msk [tilespmem:v10+s12+$0x0], $0xffff  }
0x237: {  	s28 =	sadd.s32 $0xFFFFFFFE, s30;
	v28 =	vor.u32 v1, v9;
	v9 =	vmov s0;
	v29 =	vmul.f32 v8, v15;
	v7 =	vld.idx.msk [tilespmem:v12+s13+$0x0], $0xffff  }
0x238: {  	v11 =	vmul.f32 v4, v11;
	v8 =	vmov s28;
	v30 =	vand.u32 $0x7E, v9;
	v9 =	vld.idx.msk [tilespmem:v12+s12+$0x0], $0xffff  }
0x239: {  	v15 =	vor.u32 v1, v13;
	v12 =	vbroadcast v23, $0x0;
	v23 =	vmul.f32 v6, v5;
	v31 =	vld.idx.msk [tilespmem:v10+s13+$0x0], $0xffff  }
0x23a: {  	v5 =	vand.u32 $0x7C, v16;
	v6 =	vand.u32 $0x7D, v8;
	v8 =	vbroadcast v30, $0x0;
	v16 =	vld.idx.msk [tilespmem:v3+s12+$0x0], $0xffff  }
.Ltmp12:
0x23b: {  	v10 =	vbroadcast v22, $0x0;
	v22 =	vbroadcast v5, $0x0;
	v3 =	vor.u32 v1, v12;
	v4 =	vld.idx.msk [tilespmem:v20+s13+$0x0], $0xffff;
	(pc) =	sbr.rel @p0 .LBB2_27-.Ltmp12, $4  }
0x23c: {  	v30 =	vbroadcast v6, $0x0;
	v25 =	vmul.f32 v25, v18;
	v13 =	vor.u32 v1, v8;
	v5 =	vld.idx.msk [tilespmem:v28+s12+$0x0], $0xffff  }
0x23d: {  	v14 =	vadd.f32 v11, v14;
	v17 =	vadd.f32 v23, v17;
	v18 =	vor.u32 v1, v10;
	v6 =	vld.idx.msk [tilespmem:v28+s13+$0x0], $0xffff  }
0x23e: {  	v12 =	vor.u32 v1, v22;
	v10 =	vor.u32 v1, v30;
	v21 =	vadd.f32 v25, v21;
	v8 =	vld.idx.msk [tilespmem:v15+s13+$0x0], $0xffff  }
0x23f: {  	s28 =	smov.u32 s26;
	v19 =	vadd.f32 v29, v19;
	v22 =	vmul.f32 v26, v24;
	v11 =	vld.idx.msk [tilespmem:v20+s12+$0x0], $0xffff;
	v20 =	vmul.f32 v31, v27  }
0x240: {  	_ =	sdelay $0x3  }
0x241: {  	v1 =	vld.idx.msk [tilespmem:v15+s12+$0x0], $0xffff  }
0x242: {  	v53 =	vld.idx.msk [tilespmem:v13+s12+$0x0], $0xffff  }
0x243: {  	v23 =	vld.idx.msk [tilespmem:v18+s13+$0x0], $0xffff  }
0x244: {  	v24 =	vld.idx.msk [tilespmem:v3+s13+$0x0], $0xffff  }
0x245: {  	v54 =	vld.idx.msk [tilespmem:v18+s12+$0x0], $0xffff  }
0x246: {  	v55 =	vld.idx.msk [tilespmem:v13+s13+$0x0], $0xffff  }
0x247: {  	v25 =	vld.idx.msk [tilespmem:v10+s12+$0x0], $0xffff  }
0x248: {  	v26 =	vld.idx.msk [tilespmem:v12+s13+$0x0], $0xffff  }
0x249: {  	v57 =	vld.idx.msk [tilespmem:v10+s13+$0x0], $0xffff  }
0x24a: {  	v7 =	vmul.f32 v7, v9;
	v3 =	vld.idx.msk [tilespmem:v3+s12+$0x0], $0xffff  }
0x24b: {  	v56 =	vld.idx.msk [tilespmem:v12+s12+$0x0], $0xffff;
	v2 =	vmul.f32 v2, v16;
	v58 =	vadd.f32 v22, v21  }
0x24c: {  	v59 =	vadd.f32 v20, v17;
	v5 =	vmul.f32 v6, v5;
	v7 =	vadd.f32 v7, v19  }
0x24d: {  	v2 =	vadd.f32 v2, v14;
	v4 =	vmul.f32 v4, v11;
	v60 =	vmul.f32 v23, v54  }
0x24e: {  	v5 =	vadd.f32 v5, v59;
	v1 =	vmul.f32 v8, v1;
	v61 =	vmul.f32 v55, v53  }
0x24f: {  	v63 =	vmul.f32 v57, v25;
	v3 =	vmul.f32 v24, v3;
	v2 =	vadd.f32 v4, v2  }
0x250: {  	v62 =	vmul.f32 v26, v56;
	v6 =	vadd.f32 v60, v58;
	v1 =	vadd.f32 v1, v7  }
0x251: {  	v4 =	vadd.f32 v63, v5;
	v2 =	vadd.f32 v3, v2  }
0x252: {  	s24 =	sadd.s32 $0x1, s24;
	v6 =	vadd.f32 v61, v6;
	v1 =	vadd.f32 v62, v1  }
0x253: {  	p0 =	sne.s32 s24, $0x4  }
.Ltmp13:
0x254: {  	v1 =	vadd.f32 v4, v1;
	v2 =	vadd.f32 v2, v6;
	(pc) =	sbr.rel @p0 .LBB2_26-.Ltmp13, $3  }
0x255: {  	_ = 	snop  }
0x256: {  	v1 =	vadd.f32 v2, v1;
	_ =	sdelay $0x1  }
0x257: {  	[tilespmem:s25+$0x8980] =	vst v1  }
0x258: {  	_ =	swait.ge [sflag:s22], $0x2000  }
0x259: {  	[sflag:s22] =	ssyncset.done $0x0  }
0x25a: {  	[sflag:s22] =	ssyncadd.s32 $0xFFFFE000  }
0x25b: {  	_ =	swait.ge [sflag:s23], $0x2000  }
0x25c: {  	[sflag:s23] =	ssyncset.done $0x0  }
0x25d: {  	s24 =	simm.s32 $0x0;
	[sflag:s23] =	ssyncadd.s32 $0xFFFFE000  }
.LBB2_30:
0x25e: {  	s0 =	simm.s32 $0x3  }
0x25f: {  	s25 =	sshll.u32 s24, $0x4;
	s26 =	simm.s32 $0x1;
	v1 =	vmov s0  }
0x260: {  	v2 =	vmov s25;
	v3 =	vmov s26;
	v1 =	vand.u32 $0x7B, v1  }
0x261: {  	v2 =	vshll.u32 v2, $0x7;
	v3 =	vand.u32 $0x79, v3;
	v4 =	vbroadcast v1, $0x0  }
0x262: {  	s29 =	simm.s32 $0x6;
	v1 =	vor.u32 v0, v2;
	v3 =	vbroadcast v3, $0x0  }
0x263: {  	s30 =	simm.s32 $0x2;
	v5 =	vmov s29;
	v4 =	vor.u32 v1, v4  }
0x264: {  	v6 =	vmov s30;
	v5 =	vand.u32 $0x7E, v5;
	v3 =	vor.u32 v1, v3  }
0x265: {  	v6 =	vand.u32 $0x7A, v6;
	v5 =	vbroadcast v5, $0x0  }
0x266: {  	s26 =	simm.s32 $0x0;
	v6 =	vbroadcast v6, $0x0  }
0x267: {  	v2 =	vmov s26;
	v5 =	vor.u32 v1, v5  }
0x268: {  	s29 =	simm.s32 $0x5;
	v2 =	vand.u32 $0x78, v2;
	v6 =	vor.u32 v1, v6;
	v8 =	vld.idx.msk [tilespmem:v4+s17+$0x0], $0xffff  }
0x269: {  	s31 =	simm.s32 $0x7;
	v11 =	vmov s29;
	v2 =	vbroadcast v2, $0x0;
	v10 =	vld.idx.msk [tilespmem:v3+s15+$0x0], $0xffff  }
0x26a: {  	v7 =	vmov s31;
	v11 =	vand.u32 $0x7D, v11;
	v3 =	vld.idx.msk [tilespmem:v3+s17+$0x0], $0xffff  }
0x26b: {  	v7 =	vand.u32 $0x7F, v7;
	s29 =	simm.s32 $0x9;
	v11 =	vbroadcast v11, $0x0;
	v2 =	vor.u32 v1, v2;
	v4 =	vld.idx.msk [tilespmem:v4+s15+$0x0], $0xffff  }
0x26c: {  	s26 =	simm.s32 $0x4;
	v7 =	vbroadcast v7, $0x0;
	v16 =	vmov s29;
	v22 =	vld.idx.msk [tilespmem:v5+s15+$0x0], $0xffff  }
0x26d: {  	v9 =	vmov s26;
	v16 =	vand.u32 $0x79, v16;
	v11 =	vor.u32 v1, v11;
	v17 =	vld.idx.msk [tilespmem:v6+s17+$0x0], $0xffff  }
0x26e: {  	v19 =	vimm.f32 $0.0e+00;
	s28 =	simm.s32 $0xB;
	v9 =	vand.u32 $0x7C, v9;
	v16 =	vbroadcast v16, $0x0;
	v6 =	vld.idx.msk [tilespmem:v6+s15+$0x0], $0xffff  }
0x26f: {  	s30 =	simm.s32 $0xF;
	v15 =	vmov s28;
	v12 =	vor.u32 v1, v7;
	v9 =	vbroadcast v9, $0x0;
	v23 =	vld.idx.msk [tilespmem:v5+s17+$0x0], $0xffff  }
0x270: {  	s31 =	simm.s32 $0x8;
	v14 =	vmov s30;
	v15 =	vand.u32 $0x7B, v15;
	v25 =	vor.u32 v1, v16;
	v7 =	vld.idx.msk [tilespmem:v2+s17+$0x0], $0xffff  }
0x271: {  	v15 =	vbroadcast v15, $0x0;
	s26 =	simm.s32 $0xA;
	v9 =	vor.u32 v1, v9;
	v13 =	vld.idx.msk [tilespmem:v2+s15+$0x0], $0xffff;
	v2 =	vmov s31  }
0x272: {  	s29 =	simm.s32 $0xC;
	v14 =	vand.u32 $0x7F, v14;
	v20 =	vmov s26;
	v24 =	vld.idx.msk [tilespmem:v11+s15+$0x0], $0xffff;
	v18 =	vand.u32 $0x78, v2  }
0x273: {  	s30 =	simm.s32 $0xE;
	v21 =	vmov s29;
	v27 =	vld.idx.msk [tilespmem:v11+s17+$0x0], $0xffff;
	v5 =	vbroadcast v18, $0x0;
	v18 =	vand.u32 $0x7A, v20  }
0x274: {  	v2 =	vld.idx.msk [tilespmem:v12+s17+$0x0], $0xffff;
	v20 =	vor.u32 v1, v15;
	v15 =	vmov s30;
	v8 =	vmul.f32 v8, v4  }
0x275: {  	v16 =	vand.u32 $0x7E, v15;
	v10 =	vmul.f32 v3, v10;
	v28 =	vmul.f32 v17, v6;
	v6 =	vld.idx.msk [tilespmem:v25+s17+$0x0], $0xffff  }
0x276: {  	s31 =	simm.s32 $0xD;
	v3 =	vand.u32 $0x7C, v21;
	v15 =	vor.u32 v1, v5;
	v26 =	vmul.f32 v7, v13;
	v7 =	vld.idx.msk [tilespmem:v9+s17+$0x0], $0xffff  }
0x277: {  	v22 =	vmul.f32 v23, v22;
	v5 =	vbroadcast v14, $0x0;
	v13 =	vmov s31;
	v9 =	vld.idx.msk [tilespmem:v9+s15+$0x0], $0xffff  }
0x278: {  	v21 =	vbroadcast v3, $0x0;
	v11 =	vand.u32 $0x7D, v13;
	v13 =	vbroadcast v16, $0x0;
	v16 =	vld.idx.msk [tilespmem:v12+s15+$0x0], $0xffff  }
0x279: {  	v17 =	vadd.f32 v10, v19;
	v12 =	vbroadcast v18, $0x0;
	v3 =	vor.u32 v1, v5;
	v5 =	vld.idx.msk [tilespmem:v25+s15+$0x0], $0xffff  }
0x27a: {  	v14 =	vadd.f32 v8, v19;
	v4 =	vld.idx.msk [tilespmem:v20+s17+$0x0], $0xffff;
	v11 =	vbroadcast v11, $0x0;
	v13 =	vor.u32 v1, v13  }
0x27b: {  	v18 =	vor.u32 v1, v12;
	v12 =	vor.u32 v1, v21;
	v21 =	vadd.f32 v28, v19;
	v8 =	vld.idx.msk [tilespmem:v15+s17+$0x0], $0xffff  }
0x27c: {  	s28 =	simm.s32 $0x17;
	v19 =	vadd.f32 v26, v19;
	v10 =	vor.u32 v1, v11;
	v11 =	vld.idx.msk [tilespmem:v20+s15+$0x0], $0xffff;
	v20 =	vmul.f32 v27, v24  }
.LBB2_31:
0x27d: {  	s0 =	sadd.s32 $0xFFFFFFF9, s28  }
0x27e: {  	s26 =	sadd.s32 $0xFFFFFFFA, s28;
	s29 =	sadd.s32 $0xFFFFFFFB, s28;
	v23 =	vmov s28;
	v15 =	vld.idx.msk [tilespmem:v15+s15+$0x0], $0xffff;
	v7 =	vmul.f32 v7, v9;
	v9 =	vmul.f32 v2, v16;
	s30 =	smov.u32 s28  }
0x27f: {  	v2 =	vmov s0;
	v16 =	vmov s26;
	s0 =	sadd.s32 $0xFFFFFFFC, s30;
	s31 =	sadd.s32 $0xFFFFFFFD, s30;
	s26 =	sadd.s32 $0x8, s28;
	v24 =	vld.idx.msk [tilespmem:v13+s15+$0x0], $0xffff;
	v21 =	vadd.f32 v22, v21  }
0x280: {  	p0 =	sne.s32 s28, $0x7F;
	v22 =	vand.u32 $0x78, v2;
	v2 =	vmov s0;
	v25 =	vld.idx.msk [tilespmem:v18+s17+$0x0], $0xffff;
	v19 =	vadd.f32 v7, v19  }
0x281: {  	v17 =	vadd.f32 v20, v17;
	v7 =	vmov s29;
	v26 =	vand.u32 $0x7B, v2;
	v2 =	vld.idx.msk [tilespmem:v3+s17+$0x0], $0xffff  }
0x282: {  	v16 =	vand.u32 $0x79, v16;
	s0 =	sadd.s32 $0xFFFFFFFF, s30;
	v14 =	vadd.f32 v9, v14;
	v20 =	vbroadcast v26, $0x0;
	v18 =	vld.idx.msk [tilespmem:v18+s15+$0x0], $0xffff  }
0x283: {  	v23 =	vand.u32 $0x7F, v23;
	v9 =	vbroadcast v16, $0x0;
	v16 =	vmov s31;
	v26 =	vld.idx.msk [tilespmem:v13+s17+$0x0], $0xffff  }
0x284: {  	v13 =	vbroadcast v22, $0x0;
	v22 =	vand.u32 $0x7A, v7;
	v20 =	vor.u32 v1, v20;
	v27 =	vld.idx.msk [tilespmem:v10+s15+$0x0], $0xffff  }
0x285: {  	s28 =	sadd.s32 $0xFFFFFFFE, s30;
	v28 =	vor.u32 v1, v9;
	v9 =	vmov s0;
	v29 =	vmul.f32 v8, v15;
	v7 =	vld.idx.msk [tilespmem:v12+s17+$0x0], $0xffff  }
0x286: {  	v11 =	vmul.f32 v4, v11;
	v8 =	vmov s28;
	v30 =	vand.u32 $0x7E, v9;
	v9 =	vld.idx.msk [tilespmem:v12+s15+$0x0], $0xffff  }
0x287: {  	v15 =	vor.u32 v1, v13;
	v12 =	vbroadcast v23, $0x0;
	v23 =	vmul.f32 v6, v5;
	v31 =	vld.idx.msk [tilespmem:v10+s17+$0x0], $0xffff  }
0x288: {  	v5 =	vand.u32 $0x7C, v16;
	v6 =	vand.u32 $0x7D, v8;
	v8 =	vbroadcast v30, $0x0;
	v16 =	vld.idx.msk [tilespmem:v3+s15+$0x0], $0xffff  }
.Ltmp14:
0x289: {  	v10 =	vbroadcast v22, $0x0;
	v22 =	vbroadcast v5, $0x0;
	v3 =	vor.u32 v1, v12;
	v4 =	vld.idx.msk [tilespmem:v20+s17+$0x0], $0xffff;
	(pc) =	sbr.rel @p0 .LBB2_31-.Ltmp14, $4  }
0x28a: {  	v30 =	vbroadcast v6, $0x0;
	v25 =	vmul.f32 v25, v18;
	v13 =	vor.u32 v1, v8;
	v5 =	vld.idx.msk [tilespmem:v28+s15+$0x0], $0xffff  }
0x28b: {  	v14 =	vadd.f32 v11, v14;
	v17 =	vadd.f32 v23, v17;
	v18 =	vor.u32 v1, v10;
	v6 =	vld.idx.msk [tilespmem:v28+s17+$0x0], $0xffff  }
0x28c: {  	v12 =	vor.u32 v1, v22;
	v10 =	vor.u32 v1, v30;
	v21 =	vadd.f32 v25, v21;
	v8 =	vld.idx.msk [tilespmem:v15+s17+$0x0], $0xffff  }
0x28d: {  	s28 =	smov.u32 s26;
	v19 =	vadd.f32 v29, v19;
	v22 =	vmul.f32 v26, v24;
	v11 =	vld.idx.msk [tilespmem:v20+s15+$0x0], $0xffff;
	v20 =	vmul.f32 v31, v27  }
0x28e: {  	_ =	sdelay $0x3  }
0x28f: {  	v1 =	vld.idx.msk [tilespmem:v15+s15+$0x0], $0xffff  }
0x290: {  	v53 =	vld.idx.msk [tilespmem:v13+s15+$0x0], $0xffff  }
0x291: {  	v23 =	vld.idx.msk [tilespmem:v18+s17+$0x0], $0xffff  }
0x292: {  	v24 =	vld.idx.msk [tilespmem:v3+s17+$0x0], $0xffff  }
0x293: {  	v54 =	vld.idx.msk [tilespmem:v18+s15+$0x0], $0xffff  }
0x294: {  	v55 =	vld.idx.msk [tilespmem:v13+s17+$0x0], $0xffff  }
0x295: {  	v25 =	vld.idx.msk [tilespmem:v10+s15+$0x0], $0xffff  }
0x296: {  	v26 =	vld.idx.msk [tilespmem:v12+s17+$0x0], $0xffff  }
0x297: {  	v57 =	vld.idx.msk [tilespmem:v10+s17+$0x0], $0xffff  }
0x298: {  	v7 =	vmul.f32 v7, v9;
	v3 =	vld.idx.msk [tilespmem:v3+s15+$0x0], $0xffff  }
0x299: {  	v56 =	vld.idx.msk [tilespmem:v12+s15+$0x0], $0xffff;
	v2 =	vmul.f32 v2, v16;
	v58 =	vadd.f32 v22, v21  }
0x29a: {  	v59 =	vadd.f32 v20, v17;
	v5 =	vmul.f32 v6, v5;
	v7 =	vadd.f32 v7, v19  }
0x29b: {  	v2 =	vadd.f32 v2, v14;
	v4 =	vmul.f32 v4, v11;
	v60 =	vmul.f32 v23, v54  }
0x29c: {  	v5 =	vadd.f32 v5, v59;
	v1 =	vmul.f32 v8, v1;
	v61 =	vmul.f32 v55, v53  }
0x29d: {  	v63 =	vmul.f32 v57, v25;
	v3 =	vmul.f32 v24, v3;
	v2 =	vadd.f32 v4, v2  }
0x29e: {  	v62 =	vmul.f32 v26, v56;
	v6 =	vadd.f32 v60, v58;
	v1 =	vadd.f32 v1, v7  }
0x29f: {  	v4 =	vadd.f32 v63, v5;
	v2 =	vadd.f32 v3, v2  }
0x2a0: {  	s24 =	sadd.s32 $0x1, s24;
	v6 =	vadd.f32 v61, v6;
	v1 =	vadd.f32 v62, v1  }
0x2a1: {  	p0 =	sne.s32 s24, $0x4  }
.Ltmp15:
0x2a2: {  	v1 =	vadd.f32 v4, v1;
	v2 =	vadd.f32 v2, v6;
	(pc) =	sbr.rel @p0 .LBB2_30-.Ltmp15, $3  }
0x2a3: {  	_ = 	snop  }
0x2a4: {  	v1 =	vadd.f32 v2, v1;
	_ =	sdelay $0x1  }
0x2a5: {  	[tilespmem:s25+$0x89C0] =	vst v1  }
0x2a6: {  	s21 =	sadd.s32 $0x1, s21  }
0x2a7: {  	p0 =	sne.s32 s21, s8  }
.Ltmp16:
0x2a8: {  	_ = 	snop;
	(pc) =	sbr.rel @p0 .LBB2_1-.Ltmp16, $4  }
0x2a9: {  	[hbm4b:s7+s14] =	stream.strided.scatter [tilespmem:s20], [sflag:$0x5], $0x200, s10, s14, $0x38;
	[tilespmem:$0x8A00] =	vst v63  }
0x2aa: {  	_ =	swait.ge [sflag:s9], $0x200  }
0x2ab: {  	[sflag:s9] =	ssyncset.done $0x0  }
0x2ac: {  	[sflag:s9] =	ssyncadd.s32 $0xFFFFFE00  }
0x2ad: {  	_ =	sfence.sel $0x180000  }
0x2ae: {  	[bflag:$0x0] =	sbarrier.arrive $0xFFFF  }
0x2af: {  	_ =	strace $0x90000047  }
0x2b0: {  	s0 =	stileid.u32;
	[bflag:$0x2] =	sbarrier.arrive $0xFFFF  }
0x2b1: {  	p0 =	sne.s32 s0, $0x0;
	s0 =	rddreg [dreg:$0x3]  }
0x2b2: {  	s0 =	sadd.s32 @!p0 $0x100000, s0  }
0x2b3: {  	[sflag:s0] =	ssyncadd.tile.s32 @!p0 $0x1;
	_ =	shalt  }
.Lfunc_end2:
_tile_overlayer_lowered:
.L_overlay_start_2:
0x2b4: {  	(tag) =	ssettag $0x2  }
0x2b5: {  	s0 =	rddreg [dreg:$0x0];
	s2 =	stileid.u32  }
0x2b6: {  	s1 =	rddreg [dreg:$0x1];
	p0 =	sne.s32 s2, $0x0  }
0x2b7: {  	s3 =	rddreg [dreg:$0x2];
	[bflag:$0x3] =	sbarrier.arrive $0xFFFF;
	s2 =	simm.s32 @!p0 $0x1C05  }
0x2b8: {  	[timem:s3], [sflag:s2] =	dma.local @!p0 [hbm:s0], s1  }
0x2b9: {  	s0 =	simm.s32 @!p0 $0x5  }
0x2ba: {  	_ =	swait.ge @!p0 [sflag:s0], s1  }
0x2bb: {  	s1 =	ssub.s32 @!p0 $0x0, s1;
	[sflag:s0] =	ssyncset.done @!p0 $0x0  }
0x2bc: {  	[sflag:s0] =	ssyncadd.s32 @!p0 s1  }
0x2bd: {  	[bflag:$0x3] =	sbarrier.arrive $0xFFFF  }
0x2be: {  	_ =	shalt  }

</sc_bundles>
